<compile_context>
chip_gen: v7x
topology: tpu7x:2x2x1
jax: 0.10.2.dev20260603
libtpu: 0.0.44.dev20260713+nightly
codegen_flags: <defaults>
</compile_context>

<pallas_src>
import functools

import jax
import jax.numpy as jnp
from jax import lax
from jax.experimental import pallas as pl
from jax.experimental.pallas import tpu as pltpu
from jax.experimental.pallas import tpu_sc as plsc

_E = 8
_DIN = 1024
_DOUT = 1024
_BS = 256
_NW = 32
_CH = 64


def _make_row_gather(n_rows, n_cols, n_ch, name):
    per_w = n_rows // _NW
    chunk = per_w // n_ch
    assert per_w % n_ch == 0 and n_rows % _NW == 0
    assert chunk % 8 == 0 and chunk <= 128
    mesh = plsc.VectorSubcoreMesh(core_axis_name="c", subcore_axis_name="s")

    @functools.partial(
        pl.kernel,
        mesh=mesh,
        out_type=jax.ShapeDtypeStruct((n_rows, n_cols), jnp.float32),
        scratch_types=[
            pltpu.VMEM((per_w,), jnp.int32),
            pltpu.VMEM((chunk, n_cols), jnp.float32),
            pltpu.VMEM((chunk, n_cols), jnp.float32),
            pltpu.SemaphoreType.DMA,
            pltpu.SemaphoreType.DMA,
            pltpu.SemaphoreType.DMA,
            pltpu.SemaphoreType.DMA,
        ],
        name=name,
    )
    def gather(table_hbm, idx_hbm, out_hbm, idx_v, buf0, buf1,
               gs0, gs1, os0, os1):
        wid = lax.axis_index("s") * 2 + lax.axis_index("c")
        base = wid * per_w
        bufs, gsems, osems = (buf0, buf1), (gs0, gs1), (os0, os1)

        pltpu.sync_copy(idx_hbm.at[pl.ds(base, per_w)], idx_v)

        def start_gather(c, b):
            return pltpu.async_copy(
                table_hbm.at[idx_v.at[pl.ds(c * chunk, chunk)]],
                bufs[b], gsems[b])

        def start_out(c, b):
            return pltpu.async_copy(
                bufs[b], out_hbm.at[pl.ds(base + c * chunk, chunk)], osems[b])

        gh = [start_gather(0, 0), None]
        oh = [None, None]
        for c in range(n_ch):
            b = c & 1
            nb = 1 - b
            if c + 1 < n_ch:
                if oh[nb] is not None:
                    oh[nb].wait()
                gh[nb] = start_gather(c + 1, nb)
            gh[b].wait()
            oh[b] = start_out(c, b)
        for h in oh:
            if h is not None:
                h.wait()

    return gather


def _make_row_scatter(n_rows_in, n_rows_out, n_cols, n_ch, name,
                      dtype=jnp.float32):
    per_w = n_rows_in // _NW
    chunk = per_w // n_ch
    assert per_w % n_ch == 0 and n_rows_in % _NW == 0
    assert chunk % 8 == 0 and chunk <= 128
    mesh = plsc.VectorSubcoreMesh(core_axis_name="c", subcore_axis_name="s")

    @functools.partial(
        pl.kernel,
        mesh=mesh,
        out_type=jax.ShapeDtypeStruct((n_rows_out, n_cols), dtype),
        scratch_types=[
            pltpu.VMEM((n_ch, chunk), jnp.int32),
            pltpu.VMEM((chunk, n_cols), dtype),
            pltpu.VMEM((chunk, n_cols), dtype),
            pltpu.SemaphoreType.DMA,
            pltpu.SemaphoreType.DMA,
            pltpu.SemaphoreType.DMA,
            pltpu.SemaphoreType.DMA,
        ],
        name=name,
    )
    def scatter(x_hbm, idx3_hbm, out_hbm, idx_v, buf0, buf1,
                rs0, rs1, ws0, ws1):
        wid = lax.axis_index("s") * 2 + lax.axis_index("c")
        base = wid * per_w
        bufs, rsems, wsems = (buf0, buf1), (rs0, rs1), (ws0, ws1)

        pltpu.sync_copy(idx3_hbm.at[wid], idx_v)

        def start_read(c, b):
            return pltpu.async_copy(
                x_hbm.at[pl.ds(base + c * chunk, chunk)], bufs[b], rsems[b])

        def start_write(c, b):
            return pltpu.async_copy(
                bufs[b], out_hbm.at[idx_v.at[c]], wsems[b])

        rh = [start_read(0, 0), None]
        wh = [None, None]
        for c in range(n_ch):
            b = c & 1
            nb = 1 - b
            if c + 1 < n_ch:
                if wh[nb] is not None:
                    wh[nb].wait()
                rh[nb] = start_read(c + 1, nb)
            rh[b].wait()
            wh[b] = start_write(c, b)
        for h in wh:
            if h is not None:
                h.wait()

    return scatter


def _mm_body(be_ref, x_ref, w_ref, b_ref, o_ref):
    w = w_ref[...]
    y = lax.dot_general(
        x_ref[...], w, (((1,), (1,)), ((), ())),
        preferred_element_type=jnp.float32)
    o_ref[...] = y + b_ref[0]


def _grouped_matmul(x_sorted, w2d, bias_t, block_expert):
    n_pad = x_sorted.shape[0]
    nb = n_pad // _BS
    grid_spec = pltpu.PrefetchScalarGridSpec(
        num_scalar_prefetch=1,
        grid=(nb,),
        in_specs=[
            pl.BlockSpec((_BS, _DIN), lambda i, be: (i, 0)),
            pl.BlockSpec((_DOUT, _DIN), lambda i, be: (0, be[i])),
            pl.BlockSpec((1, 1, _DOUT), lambda i, be: (be[i], 0, 0)),
        ],
        out_specs=pl.BlockSpec((_BS, _DOUT), lambda i, be: (i, 0)),
    )
    return pl.pallas_call(
        _mm_body,
        grid_spec=grid_spec,
        out_shape=jax.ShapeDtypeStruct((n_pad, _DOUT), jnp.float32),
        name="grouped_mm",
    )(block_expert, x_sorted, w2d, bias_t)


def kernel(input, topk_indices, expert_weights, expert_biases):
    b, s, k, din = input.shape
    n = b * s * k
    n_pad = n + _E * _BS
    nb = n_pad // _BS

    x = input.reshape(n, din)
    idx = topk_indices.reshape(n).astype(jnp.int32)

    onehot = (idx[:, None] == jnp.arange(_E, dtype=jnp.int32)[None, :])
    csum = jnp.cumsum(onehot.astype(jnp.int32), axis=0)
    counts = csum[-1]
    rank = jnp.take_along_axis(csum, idx[:, None], axis=1)[:, 0] - 1
    padded = ((counts + _BS - 1) // _BS) * _BS
    ends = jnp.cumsum(padded)
    starts = ends - padded
    dest = starts[idx] + rank
    block_starts = jnp.arange(nb, dtype=jnp.int32) * _BS
    block_expert = jnp.minimum(
        jnp.sum((block_starts[:, None] >= ends[None, :]).astype(jnp.int32),
                axis=1),
        _E - 1).astype(jnp.int32)

    n_ch = 8
    dest3 = dest.reshape(_NW, n_ch, n // (_NW * n_ch))
    x_sorted = _make_row_scatter(n, n_pad, din, n_ch,
                                 "scatter_tokens")(x, dest3)

    w2d = expert_weights.reshape(_DOUT, _E * _DIN)
    bias_t = expert_biases[:, :, 0].T.reshape(_E, 1, _DOUT)
    y_sorted = _grouped_matmul(x_sorted, w2d, bias_t, block_expert)

    out = _make_row_gather(n, _DOUT, 8, "ungather_out")(y_sorted, dest)
    return out.reshape(b, s, k, _DOUT)

# --- scband reference (transcript-rebuilt; emitter-appended) ---
"""Pipeline reference for scband-top-kexperts-sparse-linear-40785009442943 (READ-ONLY COPY).

The authoritative reference and input builder live on the scoring server;
editing this copy changes nothing except your own understanding.
"""

import jax, jax.numpy as jnp
import numpy as np
import math

NUM_EXPERTS = 8
IN_FEATURES = 1024
OUT_FEATURES = 1024
B, S, K = 2, 2048, 2


def setup_inputs(seed: int = 0) -> dict:
    key = jax.random.key(seed)
    k1, k2, k3, k4 = jax.random.split(key, 4)
    stdv = 1.0 / math.sqrt(IN_FEATURES)
    inp = jax.random.normal(k1, (B, S, K, IN_FEATURES), dtype=jnp.float32)
    topk_indices = jax.random.randint(k2, (B, S, K), 0, NUM_EXPERTS, dtype=jnp.int64)
    expert_weights = jax.random.uniform(k3, (OUT_FEATURES, NUM_EXPERTS, IN_FEATURES), dtype=jnp.float32, minval=-stdv, maxval=stdv)
    expert_biases = jax.random.uniform(k4, (OUT_FEATURES, NUM_EXPERTS, 1), dtype=jnp.float32, minval=-stdv, maxval=stdv)
    return {"input": inp, "topk_indices": topk_indices, "expert_weights": expert_weights, "expert_biases": expert_biases}


def reference(input, topk_indices, expert_weights, expert_biases):
    # Faithful to F.sparse_matmul semantics: for each token slot (b,s,k) with expert
    # e = topk_indices[b,s,k]:
    #   out[b,s,k,o] = sum_i expert_weights[o,e,i] * input[b,s,k,i] + expert_biases[o,e,0]
    Bq, Sq, Kq, Din = input.shape
    Dout, E, _ = expert_weights.shape
    x = input.reshape(-1, Din)                       # (N, Din)
    idx = topk_indices.reshape(-1).astype(jnp.int32)  # (N,)
    N = x.shape[0]
    out = jnp.zeros((N, Dout), dtype=input.dtype)
    # Dense per-expert matmul + mask-select (avoids materializing per-token weight gather)
    for e in range(E):
        contrib = x @ expert_weights[:, e, :].T       # (N, Dout)
        out = jnp.where((idx == e)[:, None], contrib, out)
    # bias: ones(B,S,K,1) sparse_matmul expert_biases(out,E,1) == bias gather per token
    bias_table = expert_biases[:, :, 0].T             # (E, Dout)
    out = out + jnp.take(bias_table, idx, axis=0)     # (N, Dout)
    return out.reshape(Bq, Sq, Kq, Dout)

if __name__ == "__main__":
    import jax
    _d = setup_inputs()
    print(jax.jit(kernel)(*tuple(_d.values())))

</pallas_src>

<mosaic_0001>
#map = affine_map<(d0, d1) -> (0, 0)>
#map1 = affine_map<(d0, d1) -> (0, 0, 0)>
module attributes {stable_mosaic.version = 14 : i64} {
  func.func @scatter_tokens(%arg0: i32, %arg1: i32, %arg2: memref<8192x1024xf32, #tpu.memory_space<hbm>>, %arg3: memref<32x8x32xi32, #tpu.memory_space<hbm>>, %arg4: memref<10240x1024xf32, #tpu.memory_space<hbm>>, %arg5: memref<8x32xi32, #tpu.memory_space<vmem>>, %arg6: memref<32x1024xf32, #tpu.memory_space<vmem>>, %arg7: memref<32x1024xf32, #tpu.memory_space<vmem>>, %arg8: memref<!tpu.dma_semaphore, #tpu.memory_space<semaphore_mem>>, %arg9: memref<!tpu.dma_semaphore, #tpu.memory_space<semaphore_mem>>, %arg10: memref<!tpu.dma_semaphore, #tpu.memory_space<semaphore_mem>>, %arg11: memref<!tpu.dma_semaphore, #tpu.memory_space<semaphore_mem>>) attributes {dimension_semantics = [#tpu.dimension_semantics<core_parallel>, #tpu.dimension_semantics<subcore_parallel>], iteration_bounds = array<i64: 2, 16>, scalar_prefetch = 0 : i64, scratch_operands = 7 : i64, tpu.core_type = #tpu.core_type<sc_vector_subcore>, window_params = [{transform_indices = #map}, {transform_indices = #map1}, {transform_indices = #map}]} {
    %mul3A = arith.constant 2 : i32
    %mul3A_0 = arith.muli %arg1, %mul3A : i32
    %add3A = arith.addi %mul3A_0, %arg0 : i32
    %mul3A_1 = arith.constant 256 : i32
    %mul3A_2 = arith.muli %add3A, %mul3A_1 : i32
    "tpu.region"() ({
      %run_scoped3A = tpu.sem_alloc : memref<!tpu.dma_semaphore, #tpu.memory_space<semaphore_mem>>
      %dma_start3A_193 = arith.constant 0 : i32
      %dma_start3A_194 = arith.constant 0 : i32
      %dma_start3A_195 = tpu.memref_slice %arg3[%add3A, %dma_start3A_193, %dma_start3A_194] : memref<32x8x32xi32, #tpu.memory_space<hbm>> -> memref<1x8x32xi32, #tpu.memory_space<hbm>>
      %dma_start3A_196 = tpu.memref_squeeze %dma_start3A_195 : memref<1x8x32xi32, #tpu.memory_space<hbm>> -> memref<8x32xi32, #tpu.memory_space<hbm>>
      %dma_start3A_197 = arith.constant 0 : i32
      %dma_start3A_198 = arith.constant 0 : i32
      %dma_start3A_199 = tpu.memref_slice %arg3[%add3A, %dma_start3A_197, %dma_start3A_198] : memref<32x8x32xi32, #tpu.memory_space<hbm>> -> memref<1x8x32xi32, #tpu.memory_space<hbm>>
      %dma_start3A_200 = tpu.memref_squeeze %dma_start3A_199 : memref<1x8x32xi32, #tpu.memory_space<hbm>> -> memref<8x32xi32, #tpu.memory_space<hbm>>
      tpu.enqueue_dma source(%dma_start3A_200 : memref<8x32xi32, #tpu.memory_space<hbm>>) target(%arg5 : memref<8x32xi32, #tpu.memory_space<vmem>>) target_semaphore(%run_scoped3A : memref<!tpu.dma_semaphore, #tpu.memory_space<semaphore_mem>>)
      %dma_wait3A_201 = arith.constant 0 : i32
      %dma_wait3A_202 = arith.constant 0 : i32
      %dma_wait3A_203 = tpu.memref_slice %arg3[%add3A, %dma_wait3A_201, %dma_wait3A_202] : memref<32x8x32xi32, #tpu.memory_space<hbm>> -> memref<1x8x32xi32, #tpu.memory_space<hbm>>
      %dma_wait3A_204 = tpu.memref_squeeze %dma_wait3A_203 : memref<1x8x32xi32, #tpu.memory_space<hbm>> -> memref<8x32xi32, #tpu.memory_space<hbm>>
      %dma_wait3A_205 = arith.constant 0 : i32
      %dma_wait3A_206 = arith.constant 0 : i32
      %dma_wait3A_207 = tpu.memref_slice %arg3[%add3A, %dma_wait3A_205, %dma_wait3A_206] : memref<32x8x32xi32, #tpu.memory_space<hbm>> -> memref<1x8x32xi32, #tpu.memory_space<hbm>>
      %dma_wait3A_208 = tpu.memref_squeeze %dma_wait3A_207 : memref<1x8x32xi32, #tpu.memory_space<hbm>> -> memref<8x32xi32, #tpu.memory_space<hbm>>
      tpu.wait_dma2 semaphore(%run_scoped3A : memref<!tpu.dma_semaphore, #tpu.memory_space<semaphore_mem>>) src(%dma_wait3A_208 : memref<8x32xi32, #tpu.memory_space<hbm>>) dst(%arg5 : memref<8x32xi32, #tpu.memory_space<vmem>>)
      tpu.yield
    }) : () -> ()
    %add3A_3 = arith.constant 0 : i32
    %add3A_4 = arith.addi %mul3A_2, %add3A_3 : i32
    %dma_start3A = arith.constant 0 : i32
    %dma_start3A_5 = tpu.memref_slice %arg2[%add3A_4, %dma_start3A] : memref<8192x1024xf32, #tpu.memory_space<hbm>> -> memref<32x1024xf32, #tpu.memory_space<hbm>>
    %dma_start3A_6 = arith.constant 0 : i32
    %dma_start3A_7 = tpu.memref_slice %arg2[%add3A_4, %dma_start3A_6] : memref<8192x1024xf32, #tpu.memory_space<hbm>> -> memref<32x1024xf32, #tpu.memory_space<hbm>>
    tpu.enqueue_dma source(%dma_start3A_7 : memref<32x1024xf32, #tpu.memory_space<hbm>>) target(%arg6 : memref<32x1024xf32, #tpu.memory_space<vmem>>) target_semaphore(%arg8 : memref<!tpu.dma_semaphore, #tpu.memory_space<semaphore_mem>>)
    %add3A_8 = arith.constant 32 : i32
    %add3A_9 = arith.addi %mul3A_2, %add3A_8 : i32
    %dma_start3A_10 = arith.constant 0 : i32
    %dma_start3A_11 = tpu.memref_slice %arg2[%add3A_9, %dma_start3A_10] : memref<8192x1024xf32, #tpu.memory_space<hbm>> -> memref<32x1024xf32, #tpu.memory_space<hbm>>
    %dma_start3A_12 = arith.constant 0 : i32
    %dma_start3A_13 = tpu.memref_slice %arg2[%add3A_9, %dma_start3A_12] : memref<8192x1024xf32, #tpu.memory_space<hbm>> -> memref<32x1024xf32, #tpu.memory_space<hbm>>
    tpu.enqueue_dma source(%dma_start3A_13 : memref<32x1024xf32, #tpu.memory_space<hbm>>) target(%arg7 : memref<32x1024xf32, #tpu.memory_space<vmem>>) target_semaphore(%arg9 : memref<!tpu.dma_semaphore, #tpu.memory_space<semaphore_mem>>)
    %dma_wait3A = arith.constant 0 : i32
    %dma_wait3A_14 = tpu.memref_slice %arg2[%add3A_4, %dma_wait3A] : memref<8192x1024xf32, #tpu.memory_space<hbm>> -> memref<32x1024xf32, #tpu.memory_space<hbm>>
    %dma_wait3A_15 = arith.constant 0 : i32
    %dma_wait3A_16 = tpu.memref_slice %arg2[%add3A_4, %dma_wait3A_15] : memref<8192x1024xf32, #tpu.memory_space<hbm>> -> memref<32x1024xf32, #tpu.memory_space<hbm>>
    tpu.wait_dma2 semaphore(%arg8 : memref<!tpu.dma_semaphore, #tpu.memory_space<semaphore_mem>>) src(%dma_wait3A_16 : memref<32x1024xf32, #tpu.memory_space<hbm>>) dst(%arg6 : memref<32x1024xf32, #tpu.memory_space<vmem>>)
    %dma_start3A_17 = arith.constant 0 : i32
    %dma_start3A_18 = arith.constant 0 : i32
    %dma_start3A_19 = tpu.memref_slice %arg5[%dma_start3A_17, %dma_start3A_18] : memref<8x32xi32, #tpu.memory_space<vmem>> -> memref<1x32xi32, #tpu.memory_space<vmem>>
    %dma_start3A_20 = tpu.memref_squeeze %dma_start3A_19 : memref<1x32xi32, #tpu.memory_space<vmem>> -> memref<32xi32, #tpu.memory_space<vmem>>
    %dma_start3A_21 = arith.constant 0 : i32
    %dma_start3A_22 = arith.constant 0 : i32
    %dma_start3A_23 = tpu.memref_slice %arg4[%dma_start3A_21, %dma_start3A_22] : memref<10240x1024xf32, #tpu.memory_space<hbm>> -> memref<10240x1024xf32, #tpu.memory_space<hbm>>
    tpu.enqueue_indirect_dma source(%arg6 : memref<32x1024xf32, #tpu.memory_space<vmem>>) target(%dma_start3A_23 : memref<10240x1024xf32, #tpu.memory_space<hbm>>) offsets(%dma_start3A_20 : memref<32xi32, #tpu.memory_space<vmem>>) semaphore(%arg10 : memref<!tpu.dma_semaphore, #tpu.memory_space<semaphore_mem>>)
    %dma_wait3A_24 = arith.constant 0 : i32
    %dma_wait3A_25 = arith.constant 0 : i32
    %dma_wait3A_26 = tpu.memref_slice %arg5[%dma_wait3A_24, %dma_wait3A_25] : memref<8x32xi32, #tpu.memory_space<vmem>> -> memref<1x32xi32, #tpu.memory_space<vmem>>
    %dma_wait3A_27 = tpu.memref_squeeze %dma_wait3A_26 : memref<1x32xi32, #tpu.memory_space<vmem>> -> memref<32xi32, #tpu.memory_space<vmem>>
    %dma_wait3A_28 = arith.constant 0 : i32
    %dma_wait3A_29 = arith.constant 0 : i32
    %dma_wait3A_30 = tpu.memref_slice %arg4[%dma_wait3A_28, %dma_wait3A_29] : memref<10240x1024xf32, #tpu.memory_space<hbm>> -> memref<10240x1024xf32, #tpu.memory_space<hbm>>
    tpu.wait_indirect_dma semaphore(%arg10 : memref<!tpu.dma_semaphore, #tpu.memory_space<semaphore_mem>>) src(%arg6 : memref<32x1024xf32, #tpu.memory_space<vmem>>) dst(%dma_wait3A_30 : memref<10240x1024xf32, #tpu.memory_space<hbm>>)
    %add3A_31 = arith.constant 64 : i32
    %add3A_32 = arith.addi %mul3A_2, %add3A_31 : i32
    %dma_start3A_33 = arith.constant 0 : i32
    %dma_start3A_34 = tpu.memref_slice %arg2[%add3A_32, %dma_start3A_33] : memref<8192x1024xf32, #tpu.memory_space<hbm>> -> memref<32x1024xf32, #tpu.memory_space<hbm>>
    %dma_start3A_35 = arith.constant 0 : i32
    %dma_start3A_36 = tpu.memref_slice %arg2[%add3A_32, %dma_start3A_35] : memref<8192x1024xf32, #tpu.memory_space<hbm>> -> memref<32x1024xf32, #tpu.memory_space<hbm>>
    tpu.enqueue_dma source(%dma_start3A_36 : memref<32x1024xf32, #tpu.memory_space<hbm>>) target(%arg6 : memref<32x1024xf32, #tpu.memory_space<vmem>>) target_semaphore(%arg8 : memref<!tpu.dma_semaphore, #tpu.memory_space<semaphore_mem>>)
    %dma_wait3A_37 = arith.constant 0 : i32
    %dma_wait3A_38 = tpu.memref_slice %arg2[%add3A_9, %dma_wait3A_37] : memref<8192x1024xf32, #tpu.memory_space<hbm>> -> memref<32x1024xf32, #tpu.memory_space<hbm>>
    %dma_wait3A_39 = arith.constant 0 : i32
    %dma_wait3A_40 = tpu.memref_slice %arg2[%add3A_9, %dma_wait3A_39] : memref<8192x1024xf32, #tpu.memory_space<hbm>> -> memref<32x1024xf32, #tpu.memory_space<hbm>>
    tpu.wait_dma2 semaphore(%arg9 : memref<!tpu.dma_semaphore, #tpu.memory_space<semaphore_mem>>) src(%dma_wait3A_40 : memref<32x1024xf32, #tpu.memory_space<hbm>>) dst(%arg7 : memref<32x1024xf32, #tpu.memory_space<vmem>>)
    %dma_start3A_41 = arith.constant 1 : i32
    %dma_start3A_42 = arith.constant 0 : i32
    %dma_start3A_43 = tpu.memref_slice %arg5[%dma_start3A_41, %dma_start3A_42] : memref<8x32xi32, #tpu.memory_space<vmem>> -> memref<1x32xi32, #tpu.memory_space<vmem>>
    %dma_start3A_44 = tpu.memref_squeeze %dma_start3A_43 : memref<1x32xi32, #tpu.memory_space<vmem>> -> memref<32xi32, #tpu.memory_space<vmem>>
    %dma_start3A_45 = arith.constant 0 : i32
    %dma_start3A_46 = arith.constant 0 : i32
    %dma_start3A_47 = tpu.memref_slice %arg4[%dma_start3A_45, %dma_start3A_46] : memref<10240x1024xf32, #tpu.memory_space<hbm>> -> memref<10240x1024xf32, #tpu.memory_space<hbm>>
    tpu.enqueue_indirect_dma source(%arg7 : memref<32x1024xf32, #tpu.memory_space<vmem>>) target(%dma_start3A_47 : memref<10240x1024xf32, #tpu.memory_space<hbm>>) offsets(%dma_start3A_44 : memref<32xi32, #tpu.memory_space<vmem>>) semaphore(%arg11 : memref<!tpu.dma_semaphore, #tpu.memory_space<semaphore_mem>>)
    %dma_wait3A_48 = arith.constant 1 : i32
    %dma_wait3A_49 = arith.constant 0 : i32
    %dma_wait3A_50 = tpu.memref_slice %arg5[%dma_wait3A_48, %dma_wait3A_49] : memref<8x32xi32, #tpu.memory_space<vmem>> -> memref<1x32xi32, #tpu.memory_space<vmem>>
    %dma_wait3A_51 = tpu.memref_squeeze %dma_wait3A_50 : memref<1x32xi32, #tpu.memory_space<vmem>> -> memref<32xi32, #tpu.memory_space<vmem>>
    %dma_wait3A_52 = arith.constant 0 : i32
    %dma_wait3A_53 = arith.constant 0 : i32
    %dma_wait3A_54 = tpu.memref_slice %arg4[%dma_wait3A_52, %dma_wait3A_53] : memref<10240x1024xf32, #tpu.memory_space<hbm>> -> memref<10240x1024xf32, #tpu.memory_space<hbm>>
    tpu.wait_indirect_dma semaphore(%arg11 : memref<!tpu.dma_semaphore, #tpu.memory_space<semaphore_mem>>) src(%arg7 : memref<32x1024xf32, #tpu.memory_space<vmem>>) dst(%dma_wait3A_54 : memref<10240x1024xf32, #tpu.memory_space<hbm>>)
    %add3A_55 = arith.constant 96 : i32
    %add3A_56 = arith.addi %mul3A_2, %add3A_55 : i32
    %dma_start3A_57 = arith.constant 0 : i32
    %dma_start3A_58 = tpu.memref_slice %arg2[%add3A_56, %dma_start3A_57] : memref<8192x1024xf32, #tpu.memory_space<hbm>> -> memref<32x1024xf32, #tpu.memory_space<hbm>>
    %dma_start3A_59 = arith.constant 0 : i32
    %dma_start3A_60 = tpu.memref_slice %arg2[%add3A_56, %dma_start3A_59] : memref<8192x1024xf32, #tpu.memory_space<hbm>> -> memref<32x1024xf32, #tpu.memory_space<hbm>>
    tpu.enqueue_dma source(%dma_start3A_60 : memref<32x1024xf32, #tpu.memory_space<hbm>>) target(%arg7 : memref<32x1024xf32, #tpu.memory_space<vmem>>) target_semaphore(%arg9 : memref<!tpu.dma_semaphore, #tpu.memory_space<semaphore_mem>>)
    %dma_wait3A_61 = arith.constant 0 : i32
    %dma_wait3A_62 = tpu.memref_slice %arg2[%add3A_32, %dma_wait3A_61] : memref<8192x1024xf32, #tpu.memory_space<hbm>> -> memref<32x1024xf32, #tpu.memory_space<hbm>>
    %dma_wait3A_63 = arith.constant 0 : i32
    %dma_wait3A_64 = tpu.memref_slice %arg2[%add3A_32, %dma_wait3A_63] : memref<8192x1024xf32, #tpu.memory_space<hbm>> -> memref<32x1024xf32, #tpu.memory_space<hbm>>
    tpu.wait_dma2 semaphore(%arg8 : memref<!tpu.dma_semaphore, #tpu.memory_space<semaphore_mem>>) src(%dma_wait3A_64 : memref<32x1024xf32, #tpu.memory_space<hbm>>) dst(%arg6 : memref<32x1024xf32, #tpu.memory_space<vmem>>)
    %dma_start3A_65 = arith.constant 2 : i32
    %dma_start3A_66 = arith.constant 0 : i32
    %dma_start3A_67 = tpu.memref_slice %arg5[%dma_start3A_65, %dma_start3A_66] : memref<8x32xi32, #tpu.memory_space<vmem>> -> memref<1x32xi32, #tpu.memory_space<vmem>>
    %dma_start3A_68 = tpu.memref_squeeze %dma_start3A_67 : memref<1x32xi32, #tpu.memory_space<vmem>> -> memref<32xi32, #tpu.memory_space<vmem>>
    %dma_start3A_69 = arith.constant 0 : i32
    %dma_start3A_70 = arith.constant 0 : i32
    %dma_start3A_71 = tpu.memref_slice %arg4[%dma_start3A_69, %dma_start3A_70] : memref<10240x1024xf32, #tpu.memory_space<hbm>> -> memref<10240x1024xf32, #tpu.memory_space<hbm>>
    tpu.enqueue_indirect_dma source(%arg6 : memref<32x1024xf32, #tpu.memory_space<vmem>>) target(%dma_start3A_71 : memref<10240x1024xf32, #tpu.memory_space<hbm>>) offsets(%dma_start3A_68 : memref<32xi32, #tpu.memory_space<vmem>>) semaphore(%arg10 : memref<!tpu.dma_semaphore, #tpu.memory_space<semaphore_mem>>)
    %dma_wait3A_72 = arith.constant 2 : i32
    %dma_wait3A_73 = arith.constant 0 : i32
    %dma_wait3A_74 = tpu.memref_slice %arg5[%dma_wait3A_72, %dma_wait3A_73] : memref<8x32xi32, #tpu.memory_space<vmem>> -> memref<1x32xi32, #tpu.memory_space<vmem>>
    %dma_wait3A_75 = tpu.memref_squeeze %dma_wait3A_74 : memref<1x32xi32, #tpu.memory_space<vmem>> -> memref<32xi32, #tpu.memory_space<vmem>>
    %dma_wait3A_76 = arith.constant 0 : i32
    %dma_wait3A_77 = arith.constant 0 : i32
    %dma_wait3A_78 = tpu.memref_slice %arg4[%dma_wait3A_76, %dma_wait3A_77] : memref<10240x1024xf32, #tpu.memory_space<hbm>> -> memref<10240x1024xf32, #tpu.memory_space<hbm>>
    tpu.wait_indirect_dma semaphore(%arg10 : memref<!tpu.dma_semaphore, #tpu.memory_space<semaphore_mem>>) src(%arg6 : memref<32x1024xf32, #tpu.memory_space<vmem>>) dst(%dma_wait3A_78 : memref<10240x1024xf32, #tpu.memory_space<hbm>>)
    %add3A_79 = arith.constant 128 : i32
    %add3A_80 = arith.addi %mul3A_2, %add3A_79 : i32
    %dma_start3A_81 = arith.constant 0 : i32
    %dma_start3A_82 = tpu.memref_slice %arg2[%add3A_80, %dma_start3A_81] : memref<8192x1024xf32, #tpu.memory_space<hbm>> -> memref<32x1024xf32, #tpu.memory_space<hbm>>
    %dma_start3A_83 = arith.constant 0 : i32
    %dma_start3A_84 = tpu.memref_slice %arg2[%add3A_80, %dma_start3A_83] : memref<8192x1024xf32, #tpu.memory_space<hbm>> -> memref<32x1024xf32, #tpu.memory_space<hbm>>
    tpu.enqueue_dma source(%dma_start3A_84 : memref<32x1024xf32, #tpu.memory_space<hbm>>) target(%arg6 : memref<32x1024xf32, #tpu.memory_space<vmem>>) target_semaphore(%arg8 : memref<!tpu.dma_semaphore, #tpu.memory_space<semaphore_mem>>)
    %dma_wait3A_85 = arith.constant 0 : i32
    %dma_wait3A_86 = tpu.memref_slice %arg2[%add3A_56, %dma_wait3A_85] : memref<8192x1024xf32, #tpu.memory_space<hbm>> -> memref<32x1024xf32, #tpu.memory_space<hbm>>
    %dma_wait3A_87 = arith.constant 0 : i32
    %dma_wait3A_88 = tpu.memref_slice %arg2[%add3A_56, %dma_wait3A_87] : memref<8192x1024xf32, #tpu.memory_space<hbm>> -> memref<32x1024xf32, #tpu.memory_space<hbm>>
    tpu.wait_dma2 semaphore(%arg9 : memref<!tpu.dma_semaphore, #tpu.memory_space<semaphore_mem>>) src(%dma_wait3A_88 : memref<32x1024xf32, #tpu.memory_space<hbm>>) dst(%arg7 : memref<32x1024xf32, #tpu.memory_space<vmem>>)
    %dma_start3A_89 = arith.constant 3 : i32
    %dma_start3A_90 = arith.constant 0 : i32
    %dma_start3A_91 = tpu.memref_slice %arg5[%dma_start3A_89, %dma_start3A_90] : memref<8x32xi32, #tpu.memory_space<vmem>> -> memref<1x32xi32, #tpu.memory_space<vmem>>
    %dma_start3A_92 = tpu.memref_squeeze %dma_start3A_91 : memref<1x32xi32, #tpu.memory_space<vmem>> -> memref<32xi32, #tpu.memory_space<vmem>>
    %dma_start3A_93 = arith.constant 0 : i32
    %dma_start3A_94 = arith.constant 0 : i32
    %dma_start3A_95 = tpu.memref_slice %arg4[%dma_start3A_93, %dma_start3A_94] : memref<10240x1024xf32, #tpu.memory_space<hbm>> -> memref<10240x1024xf32, #tpu.memory_space<hbm>>
    tpu.enqueue_indirect_dma source(%arg7 : memref<32x1024xf32, #tpu.memory_space<vmem>>) target(%dma_start3A_95 : memref<10240x1024xf32, #tpu.memory_space<hbm>>) offsets(%dma_start3A_92 : memref<32xi32, #tpu.memory_space<vmem>>) semaphore(%arg11 : memref<!tpu.dma_semaphore, #tpu.memory_space<semaphore_mem>>)
    %dma_wait3A_96 = arith.constant 3 : i32
    %dma_wait3A_97 = arith.constant 0 : i32
    %dma_wait3A_98 = tpu.memref_slice %arg5[%dma_wait3A_96, %dma_wait3A_97] : memref<8x32xi32, #tpu.memory_space<vmem>> -> memref<1x32xi32, #tpu.memory_space<vmem>>
    %dma_wait3A_99 = tpu.memref_squeeze %dma_wait3A_98 : memref<1x32xi32, #tpu.memory_space<vmem>> -> memref<32xi32, #tpu.memory_space<vmem>>
    %dma_wait3A_100 = arith.constant 0 : i32
    %dma_wait3A_101 = arith.constant 0 : i32
    %dma_wait3A_102 = tpu.memref_slice %arg4[%dma_wait3A_100, %dma_wait3A_101] : memref<10240x1024xf32, #tpu.memory_space<hbm>> -> memref<10240x1024xf32, #tpu.memory_space<hbm>>
    tpu.wait_indirect_dma semaphore(%arg11 : memref<!tpu.dma_semaphore, #tpu.memory_space<semaphore_mem>>) src(%arg7 : memref<32x1024xf32, #tpu.memory_space<vmem>>) dst(%dma_wait3A_102 : memref<10240x1024xf32, #tpu.memory_space<hbm>>)
    %add3A_103 = arith.constant 160 : i32
    %add3A_104 = arith.addi %mul3A_2, %add3A_103 : i32
    %dma_start3A_105 = arith.constant 0 : i32
    %dma_start3A_106 = tpu.memref_slice %arg2[%add3A_104, %dma_start3A_105] : memref<8192x1024xf32, #tpu.memory_space<hbm>> -> memref<32x1024xf32, #tpu.memory_space<hbm>>
    %dma_start3A_107 = arith.constant 0 : i32
    %dma_start3A_108 = tpu.memref_slice %arg2[%add3A_104, %dma_start3A_107] : memref<8192x1024xf32, #tpu.memory_space<hbm>> -> memref<32x1024xf32, #tpu.memory_space<hbm>>
    tpu.enqueue_dma source(%dma_start3A_108 : memref<32x1024xf32, #tpu.memory_space<hbm>>) target(%arg7 : memref<32x1024xf32, #tpu.memory_space<vmem>>) target_semaphore(%arg9 : memref<!tpu.dma_semaphore, #tpu.memory_space<semaphore_mem>>)
    %dma_wait3A_109 = arith.constant 0 : i32
    %dma_wait3A_110 = tpu.memref_slice %arg2[%add3A_80, %dma_wait3A_109] : memref<8192x1024xf32, #tpu.memory_space<hbm>> -> memref<32x1024xf32, #tpu.memory_space<hbm>>
    %dma_wait3A_111 = arith.constant 0 : i32
    %dma_wait3A_112 = tpu.memref_slice %arg2[%add3A_80, %dma_wait3A_111] : memref<8192x1024xf32, #tpu.memory_space<hbm>> -> memref<32x1024xf32, #tpu.memory_space<hbm>>
    tpu.wait_dma2 semaphore(%arg8 : memref<!tpu.dma_semaphore, #tpu.memory_space<semaphore_mem>>) src(%dma_wait3A_112 : memref<32x1024xf32, #tpu.memory_space<hbm>>) dst(%arg6 : memref<32x1024xf32, #tpu.memory_space<vmem>>)
    %dma_start3A_113 = arith.constant 4 : i32
    %dma_start3A_114 = arith.constant 0 : i32
    %dma_start3A_115 = tpu.memref_slice %arg5[%dma_start3A_113, %dma_start3A_114] : memref<8x32xi32, #tpu.memory_space<vmem>> -> memref<1x32xi32, #tpu.memory_space<vmem>>
    %dma_start3A_116 = tpu.memref_squeeze %dma_start3A_115 : memref<1x32xi32, #tpu.memory_space<vmem>> -> memref<32xi32, #tpu.memory_space<vmem>>
    %dma_start3A_117 = arith.constant 0 : i32
    %dma_start3A_118 = arith.constant 0 : i32
    %dma_start3A_119 = tpu.memref_slice %arg4[%dma_start3A_117, %dma_start3A_118] : memref<10240x1024xf32, #tpu.memory_space<hbm>> -> memref<10240x1024xf32, #tpu.memory_space<hbm>>
    tpu.enqueue_indirect_dma source(%arg6 : memref<32x1024xf32, #tpu.memory_space<vmem>>) target(%dma_start3A_119 : memref<10240x1024xf32, #tpu.memory_space<hbm>>) offsets(%dma_start3A_116 : memref<32xi32, #tpu.memory_space<vmem>>) semaphore(%arg10 : memref<!tpu.dma_semaphore, #tpu.memory_space<semaphore_mem>>)
    %dma_wait3A_120 = arith.constant 4 : i32
    %dma_wait3A_121 = arith.constant 0 : i32
    %dma_wait3A_122 = tpu.memref_slice %arg5[%dma_wait3A_120, %dma_wait3A_121] : memref<8x32xi32, #tpu.memory_space<vmem>> -> memref<1x32xi32, #tpu.memory_space<vmem>>
    %dma_wait3A_123 = tpu.memref_squeeze %dma_wait3A_122 : memref<1x32xi32, #tpu.memory_space<vmem>> -> memref<32xi32, #tpu.memory_space<vmem>>
    %dma_wait3A_124 = arith.constant 0 : i32
    %dma_wait3A_125 = arith.constant 0 : i32
    %dma_wait3A_126 = tpu.memref_slice %arg4[%dma_wait3A_124, %dma_wait3A_125] : memref<10240x1024xf32, #tpu.memory_space<hbm>> -> memref<10240x1024xf32, #tpu.memory_space<hbm>>
    tpu.wait_indirect_dma semaphore(%arg10 : memref<!tpu.dma_semaphore, #tpu.memory_space<semaphore_mem>>) src(%arg6 : memref<32x1024xf32, #tpu.memory_space<vmem>>) dst(%dma_wait3A_126 : memref<10240x1024xf32, #tpu.memory_space<hbm>>)
    %add3A_127 = arith.constant 192 : i32
    %add3A_128 = arith.addi %mul3A_2, %add3A_127 : i32
    %dma_start3A_129 = arith.constant 0 : i32
    %dma_start3A_130 = tpu.memref_slice %arg2[%add3A_128, %dma_start3A_129] : memref<8192x1024xf32, #tpu.memory_space<hbm>> -> memref<32x1024xf32, #tpu.memory_space<hbm>>
    %dma_start3A_131 = arith.constant 0 : i32
    %dma_start3A_132 = tpu.memref_slice %arg2[%add3A_128, %dma_start3A_131] : memref<8192x1024xf32, #tpu.memory_space<hbm>> -> memref<32x1024xf32, #tpu.memory_space<hbm>>
    tpu.enqueue_dma source(%dma_start3A_132 : memref<32x1024xf32, #tpu.memory_space<hbm>>) target(%arg6 : memref<32x1024xf32, #tpu.memory_space<vmem>>) target_semaphore(%arg8 : memref<!tpu.dma_semaphore, #tpu.memory_space<semaphore_mem>>)
    %dma_wait3A_133 = arith.constant 0 : i32
    %dma_wait3A_134 = tpu.memref_slice %arg2[%add3A_104, %dma_wait3A_133] : memref<8192x1024xf32, #tpu.memory_space<hbm>> -> memref<32x1024xf32, #tpu.memory_space<hbm>>
    %dma_wait3A_135 = arith.constant 0 : i32
    %dma_wait3A_136 = tpu.memref_slice %arg2[%add3A_104, %dma_wait3A_135] : memref<8192x1024xf32, #tpu.memory_space<hbm>> -> memref<32x1024xf32, #tpu.memory_space<hbm>>
    tpu.wait_dma2 semaphore(%arg9 : memref<!tpu.dma_semaphore, #tpu.memory_space<semaphore_mem>>) src(%dma_wait3A_136 : memref<32x1024xf32, #tpu.memory_space<hbm>>) dst(%arg7 : memref<32x1024xf32, #tpu.memory_space<vmem>>)
    %dma_start3A_137 = arith.constant 5 : i32
    %dma_start3A_138 = arith.constant 0 : i32
    %dma_start3A_139 = tpu.memref_slice %arg5[%dma_start3A_137, %dma_start3A_138] : memref<8x32xi32, #tpu.memory_space<vmem>> -> memref<1x32xi32, #tpu.memory_space<vmem>>
    %dma_start3A_140 = tpu.memref_squeeze %dma_start3A_139 : memref<1x32xi32, #tpu.memory_space<vmem>> -> memref<32xi32, #tpu.memory_space<vmem>>
    %dma_start3A_141 = arith.constant 0 : i32
    %dma_start3A_142 = arith.constant 0 : i32
    %dma_start3A_143 = tpu.memref_slice %arg4[%dma_start3A_141, %dma_start3A_142] : memref<10240x1024xf32, #tpu.memory_space<hbm>> -> memref<10240x1024xf32, #tpu.memory_space<hbm>>
    tpu.enqueue_indirect_dma source(%arg7 : memref<32x1024xf32, #tpu.memory_space<vmem>>) target(%dma_start3A_143 : memref<10240x1024xf32, #tpu.memory_space<hbm>>) offsets(%dma_start3A_140 : memref<32xi32, #tpu.memory_space<vmem>>) semaphore(%arg11 : memref<!tpu.dma_semaphore, #tpu.memory_space<semaphore_mem>>)
    %dma_wait3A_144 = arith.constant 5 : i32
    %dma_wait3A_145 = arith.constant 0 : i32
    %dma_wait3A_146 = tpu.memref_slice %arg5[%dma_wait3A_144, %dma_wait3A_145] : memref<8x32xi32, #tpu.memory_space<vmem>> -> memref<1x32xi32, #tpu.memory_space<vmem>>
    %dma_wait3A_147 = tpu.memref_squeeze %dma_wait3A_146 : memref<1x32xi32, #tpu.memory_space<vmem>> -> memref<32xi32, #tpu.memory_space<vmem>>
    %dma_wait3A_148 = arith.constant 0 : i32
    %dma_wait3A_149 = arith.constant 0 : i32
    %dma_wait3A_150 = tpu.memref_slice %arg4[%dma_wait3A_148, %dma_wait3A_149] : memref<10240x1024xf32, #tpu.memory_space<hbm>> -> memref<10240x1024xf32, #tpu.memory_space<hbm>>
    tpu.wait_indirect_dma semaphore(%arg11 : memref<!tpu.dma_semaphore, #tpu.memory_space<semaphore_mem>>) src(%arg7 : memref<32x1024xf32, #tpu.memory_space<vmem>>) dst(%dma_wait3A_150 : memref<10240x1024xf32, #tpu.memory_space<hbm>>)
    %add3A_151 = arith.constant 224 : i32
    %add3A_152 = arith.addi %mul3A_2, %add3A_151 : i32
    %dma_start3A_153 = arith.constant 0 : i32
    %dma_start3A_154 = tpu.memref_slice %arg2[%add3A_152, %dma_start3A_153] : memref<8192x1024xf32, #tpu.memory_space<hbm>> -> memref<32x1024xf32, #tpu.memory_space<hbm>>
    %dma_start3A_155 = arith.constant 0 : i32
    %dma_start3A_156 = tpu.memref_slice %arg2[%add3A_152, %dma_start3A_155] : memref<8192x1024xf32, #tpu.memory_space<hbm>> -> memref<32x1024xf32, #tpu.memory_space<hbm>>
    tpu.enqueue_dma source(%dma_start3A_156 : memref<32x1024xf32, #tpu.memory_space<hbm>>) target(%arg7 : memref<32x1024xf32, #tpu.memory_space<vmem>>) target_semaphore(%arg9 : memref<!tpu.dma_semaphore, #tpu.memory_space<semaphore_mem>>)
    %dma_wait3A_157 = arith.constant 0 : i32
    %dma_wait3A_158 = tpu.memref_slice %arg2[%add3A_128, %dma_wait3A_157] : memref<8192x1024xf32, #tpu.memory_space<hbm>> -> memref<32x1024xf32, #tpu.memory_space<hbm>>
    %dma_wait3A_159 = arith.constant 0 : i32
    %dma_wait3A_160 = tpu.memref_slice %arg2[%add3A_128, %dma_wait3A_159] : memref<8192x1024xf32, #tpu.memory_space<hbm>> -> memref<32x1024xf32, #tpu.memory_space<hbm>>
    tpu.wait_dma2 semaphore(%arg8 : memref<!tpu.dma_semaphore, #tpu.memory_space<semaphore_mem>>) src(%dma_wait3A_160 : memref<32x1024xf32, #tpu.memory_space<hbm>>) dst(%arg6 : memref<32x1024xf32, #tpu.memory_space<vmem>>)
    %dma_start3A_161 = arith.constant 6 : i32
    %dma_start3A_162 = arith.constant 0 : i32
    %dma_start3A_163 = tpu.memref_slice %arg5[%dma_start3A_161, %dma_start3A_162] : memref<8x32xi32, #tpu.memory_space<vmem>> -> memref<1x32xi32, #tpu.memory_space<vmem>>
    %dma_start3A_164 = tpu.memref_squeeze %dma_start3A_163 : memref<1x32xi32, #tpu.memory_space<vmem>> -> memref<32xi32, #tpu.memory_space<vmem>>
    %dma_start3A_165 = arith.constant 0 : i32
    %dma_start3A_166 = arith.constant 0 : i32
    %dma_start3A_167 = tpu.memref_slice %arg4[%dma_start3A_165, %dma_start3A_166] : memref<10240x1024xf32, #tpu.memory_space<hbm>> -> memref<10240x1024xf32, #tpu.memory_space<hbm>>
    tpu.enqueue_indirect_dma source(%arg6 : memref<32x1024xf32, #tpu.memory_space<vmem>>) target(%dma_start3A_167 : memref<10240x1024xf32, #tpu.memory_space<hbm>>) offsets(%dma_start3A_164 : memref<32xi32, #tpu.memory_space<vmem>>) semaphore(%arg10 : memref<!tpu.dma_semaphore, #tpu.memory_space<semaphore_mem>>)
    %dma_wait3A_168 = arith.constant 0 : i32
    %dma_wait3A_169 = tpu.memref_slice %arg2[%add3A_152, %dma_wait3A_168] : memref<8192x1024xf32, #tpu.memory_space<hbm>> -> memref<32x1024xf32, #tpu.memory_space<hbm>>
    %dma_wait3A_170 = arith.constant 0 : i32
    %dma_wait3A_171 = tpu.memref_slice %arg2[%add3A_152, %dma_wait3A_170] : memref<8192x1024xf32, #tpu.memory_space<hbm>> -> memref<32x1024xf32, #tpu.memory_space<hbm>>
    tpu.wait_dma2 semaphore(%arg9 : memref<!tpu.dma_semaphore, #tpu.memory_space<semaphore_mem>>) src(%dma_wait3A_171 : memref<32x1024xf32, #tpu.memory_space<hbm>>) dst(%arg7 : memref<32x1024xf32, #tpu.memory_space<vmem>>)
    %dma_start3A_172 = arith.constant 7 : i32
    %dma_start3A_173 = arith.constant 0 : i32
    %dma_start3A_174 = tpu.memref_slice %arg5[%dma_start3A_172, %dma_start3A_173] : memref<8x32xi32, #tpu.memory_space<vmem>> -> memref<1x32xi32, #tpu.memory_space<vmem>>
    %dma_start3A_175 = tpu.memref_squeeze %dma_start3A_174 : memref<1x32xi32, #tpu.memory_space<vmem>> -> memref<32xi32, #tpu.memory_space<vmem>>
    %dma_start3A_176 = arith.constant 0 : i32
    %dma_start3A_177 = arith.constant 0 : i32
    %dma_start3A_178 = tpu.memref_slice %arg4[%dma_start3A_176, %dma_start3A_177] : memref<10240x1024xf32, #tpu.memory_space<hbm>> -> memref<10240x1024xf32, #tpu.memory_space<hbm>>
    tpu.enqueue_indirect_dma source(%arg7 : memref<32x1024xf32, #tpu.memory_space<vmem>>) target(%dma_start3A_178 : memref<10240x1024xf32, #tpu.memory_space<hbm>>) offsets(%dma_start3A_175 : memref<32xi32, #tpu.memory_space<vmem>>) semaphore(%arg11 : memref<!tpu.dma_semaphore, #tpu.memory_space<semaphore_mem>>)
    %dma_wait3A_179 = arith.constant 6 : i32
    %dma_wait3A_180 = arith.constant 0 : i32
    %dma_wait3A_181 = tpu.memref_slice %arg5[%dma_wait3A_179, %dma_wait3A_180] : memref<8x32xi32, #tpu.memory_space<vmem>> -> memref<1x32xi32, #tpu.memory_space<vmem>>
    %dma_wait3A_182 = tpu.memref_squeeze %dma_wait3A_181 : memref<1x32xi32, #tpu.memory_space<vmem>> -> memref<32xi32, #tpu.memory_space<vmem>>
    %dma_wait3A_183 = arith.constant 0 : i32
    %dma_wait3A_184 = arith.constant 0 : i32
    %dma_wait3A_185 = tpu.memref_slice %arg4[%dma_wait3A_183, %dma_wait3A_184] : memref<10240x1024xf32, #tpu.memory_space<hbm>> -> memref<10240x1024xf32, #tpu.memory_space<hbm>>
    tpu.wait_indirect_dma semaphore(%arg10 : memref<!tpu.dma_semaphore, #tpu.memory_space<semaphore_mem>>) src(%arg6 : memref<32x1024xf32, #tpu.memory_space<vmem>>) dst(%dma_wait3A_185 : memref<10240x1024xf32, #tpu.memory_space<hbm>>)
    %dma_wait3A_186 = arith.constant 7 : i32
    %dma_wait3A_187 = arith.constant 0 : i32
    %dma_wait3A_188 = tpu.memref_slice %arg5[%dma_wait3A_186, %dma_wait3A_187] : memref<8x32xi32, #tpu.memory_space<vmem>> -> memref<1x32xi32, #tpu.memory_space<vmem>>
    %dma_wait3A_189 = tpu.memref_squeeze %dma_wait3A_188 : memref<1x32xi32, #tpu.memory_space<vmem>> -> memref<32xi32, #tpu.memory_space<vmem>>
    %dma_wait3A_190 = arith.constant 0 : i32
    %dma_wait3A_191 = arith.constant 0 : i32
    %dma_wait3A_192 = tpu.memref_slice %arg4[%dma_wait3A_190, %dma_wait3A_191] : memref<10240x1024xf32, #tpu.memory_space<hbm>> -> memref<10240x1024xf32, #tpu.memory_space<hbm>>
    tpu.wait_indirect_dma semaphore(%arg11 : memref<!tpu.dma_semaphore, #tpu.memory_space<semaphore_mem>>) src(%arg7 : memref<32x1024xf32, #tpu.memory_space<vmem>>) dst(%dma_wait3A_192 : memref<10240x1024xf32, #tpu.memory_space<hbm>>)
    return
  }
}

#map = affine_map<(d0, d1) -> (0, 0)>
#map1 = affine_map<(d0, d1) -> (0)>
module attributes {stable_mosaic.version = 14 : i64} {
  func.func @ungather_out(%arg0: i32, %arg1: i32, %arg2: memref<10240x1024xf32, #tpu.memory_space<hbm>>, %arg3: memref<8192xi32, #tpu.memory_space<hbm>>, %arg4: memref<8192x1024xf32, #tpu.memory_space<hbm>>, %arg5: memref<256xi32, #tpu.memory_space<vmem>>, %arg6: memref<32x1024xf32, #tpu.memory_space<vmem>>, %arg7: memref<32x1024xf32, #tpu.memory_space<vmem>>, %arg8: memref<!tpu.dma_semaphore, #tpu.memory_space<semaphore_mem>>, %arg9: memref<!tpu.dma_semaphore, #tpu.memory_space<semaphore_mem>>, %arg10: memref<!tpu.dma_semaphore, #tpu.memory_space<semaphore_mem>>, %arg11: memref<!tpu.dma_semaphore, #tpu.memory_space<semaphore_mem>>) attributes {dimension_semantics = [#tpu.dimension_semantics<core_parallel>, #tpu.dimension_semantics<subcore_parallel>], iteration_bounds = array<i64: 2, 16>, scalar_prefetch = 0 : i64, scratch_operands = 7 : i64, tpu.core_type = #tpu.core_type<sc_vector_subcore>, window_params = [{transform_indices = #map}, {transform_indices = #map1}, {transform_indices = #map}]} {
    %mul3A = arith.constant 2 : i32
    %mul3A_0 = arith.muli %arg1, %mul3A : i32
    %add3A = arith.addi %mul3A_0, %arg0 : i32
    %mul3A_1 = arith.constant 256 : i32
    %mul3A_2 = arith.muli %add3A, %mul3A_1 : i32
    "tpu.region"() ({
      %run_scoped3A = tpu.sem_alloc : memref<!tpu.dma_semaphore, #tpu.memory_space<semaphore_mem>>
      %dma_start3A_161 = tpu.memref_slice %arg3[%mul3A_2] : memref<8192xi32, #tpu.memory_space<hbm>> -> memref<256xi32, #tpu.memory_space<hbm>>
      %dma_start3A_162 = tpu.memref_slice %arg3[%mul3A_2] : memref<8192xi32, #tpu.memory_space<hbm>> -> memref<256xi32, #tpu.memory_space<hbm>>
      tpu.enqueue_dma source(%dma_start3A_162 : memref<256xi32, #tpu.memory_space<hbm>>) target(%arg5 : memref<256xi32, #tpu.memory_space<vmem>>) target_semaphore(%run_scoped3A : memref<!tpu.dma_semaphore, #tpu.memory_space<semaphore_mem>>)
      %dma_wait3A_163 = tpu.memref_slice %arg3[%mul3A_2] : memref<8192xi32, #tpu.memory_space<hbm>> -> memref<256xi32, #tpu.memory_space<hbm>>
      %dma_wait3A_164 = tpu.memref_slice %arg3[%mul3A_2] : memref<8192xi32, #tpu.memory_space<hbm>> -> memref<256xi32, #tpu.memory_space<hbm>>
      tpu.wait_dma2 semaphore(%run_scoped3A : memref<!tpu.dma_semaphore, #tpu.memory_space<semaphore_mem>>) src(%dma_wait3A_164 : memref<256xi32, #tpu.memory_space<hbm>>) dst(%arg5 : memref<256xi32, #tpu.memory_space<vmem>>)
      tpu.yield
    }) : () -> ()
    %dma_start3A = arith.constant 0 : i32
    %dma_start3A_3 = tpu.memref_slice %arg5[%dma_start3A] : memref<256xi32, #tpu.memory_space<vmem>> -> memref<32xi32, #tpu.memory_space<vmem>>
    %dma_start3A_4 = arith.constant 0 : i32
    %dma_start3A_5 = arith.constant 0 : i32
    %dma_start3A_6 = tpu.memref_slice %arg2[%dma_start3A_4, %dma_start3A_5] : memref<10240x1024xf32, #tpu.memory_space<hbm>> -> memref<10240x1024xf32, #tpu.memory_space<hbm>>
    tpu.enqueue_indirect_dma source(%dma_start3A_6 : memref<10240x1024xf32, #tpu.memory_space<hbm>>) target(%arg6 : memref<32x1024xf32, #tpu.memory_space<vmem>>) offsets(%dma_start3A_3 : memref<32xi32, #tpu.memory_space<vmem>>) semaphore(%arg8 : memref<!tpu.dma_semaphore, #tpu.memory_space<semaphore_mem>>)
    %dma_start3A_7 = arith.constant 32 : i32
    %dma_start3A_8 = tpu.memref_slice %arg5[%dma_start3A_7] : memref<256xi32, #tpu.memory_space<vmem>> -> memref<32xi32, #tpu.memory_space<vmem>>
    %dma_start3A_9 = arith.constant 0 : i32
    %dma_start3A_10 = arith.constant 0 : i32
    %dma_start3A_11 = tpu.memref_slice %arg2[%dma_start3A_9, %dma_start3A_10] : memref<10240x1024xf32, #tpu.memory_space<hbm>> -> memref<10240x1024xf32, #tpu.memory_space<hbm>>
    tpu.enqueue_indirect_dma source(%dma_start3A_11 : memref<10240x1024xf32, #tpu.memory_space<hbm>>) target(%arg7 : memref<32x1024xf32, #tpu.memory_space<vmem>>) offsets(%dma_start3A_8 : memref<32xi32, #tpu.memory_space<vmem>>) semaphore(%arg9 : memref<!tpu.dma_semaphore, #tpu.memory_space<semaphore_mem>>)
    %dma_wait3A = arith.constant 0 : i32
    %dma_wait3A_12 = tpu.memref_slice %arg5[%dma_wait3A] : memref<256xi32, #tpu.memory_space<vmem>> -> memref<32xi32, #tpu.memory_space<vmem>>
    %dma_wait3A_13 = arith.constant 0 : i32
    %dma_wait3A_14 = arith.constant 0 : i32
    %dma_wait3A_15 = tpu.memref_slice %arg2[%dma_wait3A_13, %dma_wait3A_14] : memref<10240x1024xf32, #tpu.memory_space<hbm>> -> memref<10240x1024xf32, #tpu.memory_space<hbm>>
    tpu.wait_indirect_dma semaphore(%arg8 : memref<!tpu.dma_semaphore, #tpu.memory_space<semaphore_mem>>) src(%dma_wait3A_15 : memref<10240x1024xf32, #tpu.memory_space<hbm>>) dst(%arg6 : memref<32x1024xf32, #tpu.memory_space<vmem>>)
    %add3A_16 = arith.constant 0 : i32
    %add3A_17 = arith.addi %mul3A_2, %add3A_16 : i32
    %dma_start3A_18 = arith.constant 0 : i32
    %dma_start3A_19 = tpu.memref_slice %arg4[%add3A_17, %dma_start3A_18] : memref<8192x1024xf32, #tpu.memory_space<hbm>> -> memref<32x1024xf32, #tpu.memory_space<hbm>>
    %dma_start3A_20 = arith.constant 0 : i32
    %dma_start3A_21 = tpu.memref_slice %arg4[%add3A_17, %dma_start3A_20] : memref<8192x1024xf32, #tpu.memory_space<hbm>> -> memref<32x1024xf32, #tpu.memory_space<hbm>>
    tpu.enqueue_dma source(%arg6 : memref<32x1024xf32, #tpu.memory_space<vmem>>) target(%dma_start3A_21 : memref<32x1024xf32, #tpu.memory_space<hbm>>) target_semaphore(%arg10 : memref<!tpu.dma_semaphore, #tpu.memory_space<semaphore_mem>>)
    %dma_wait3A_22 = arith.constant 0 : i32
    %dma_wait3A_23 = tpu.memref_slice %arg4[%add3A_17, %dma_wait3A_22] : memref<8192x1024xf32, #tpu.memory_space<hbm>> -> memref<32x1024xf32, #tpu.memory_space<hbm>>
    %dma_wait3A_24 = arith.constant 0 : i32
    %dma_wait3A_25 = tpu.memref_slice %arg4[%add3A_17, %dma_wait3A_24] : memref<8192x1024xf32, #tpu.memory_space<hbm>> -> memref<32x1024xf32, #tpu.memory_space<hbm>>
    tpu.wait_dma2 semaphore(%arg10 : memref<!tpu.dma_semaphore, #tpu.memory_space<semaphore_mem>>) src(%arg6 : memref<32x1024xf32, #tpu.memory_space<vmem>>) dst(%dma_wait3A_25 : memref<32x1024xf32, #tpu.memory_space<hbm>>)
    %dma_start3A_26 = arith.constant 64 : i32
    %dma_start3A_27 = tpu.memref_slice %arg5[%dma_start3A_26] : memref<256xi32, #tpu.memory_space<vmem>> -> memref<32xi32, #tpu.memory_space<vmem>>
    %dma_start3A_28 = arith.constant 0 : i32
    %dma_start3A_29 = arith.constant 0 : i32
    %dma_start3A_30 = tpu.memref_slice %arg2[%dma_start3A_28, %dma_start3A_29] : memref<10240x1024xf32, #tpu.memory_space<hbm>> -> memref<10240x1024xf32, #tpu.memory_space<hbm>>
    tpu.enqueue_indirect_dma source(%dma_start3A_30 : memref<10240x1024xf32, #tpu.memory_space<hbm>>) target(%arg6 : memref<32x1024xf32, #tpu.memory_space<vmem>>) offsets(%dma_start3A_27 : memref<32xi32, #tpu.memory_space<vmem>>) semaphore(%arg8 : memref<!tpu.dma_semaphore, #tpu.memory_space<semaphore_mem>>)
    %dma_wait3A_31 = arith.constant 32 : i32
    %dma_wait3A_32 = tpu.memref_slice %arg5[%dma_wait3A_31] : memref<256xi32, #tpu.memory_space<vmem>> -> memref<32xi32, #tpu.memory_space<vmem>>
    %dma_wait3A_33 = arith.constant 0 : i32
    %dma_wait3A_34 = arith.constant 0 : i32
    %dma_wait3A_35 = tpu.memref_slice %arg2[%dma_wait3A_33, %dma_wait3A_34] : memref<10240x1024xf32, #tpu.memory_space<hbm>> -> memref<10240x1024xf32, #tpu.memory_space<hbm>>
    tpu.wait_indirect_dma semaphore(%arg9 : memref<!tpu.dma_semaphore, #tpu.memory_space<semaphore_mem>>) src(%dma_wait3A_35 : memref<10240x1024xf32, #tpu.memory_space<hbm>>) dst(%arg7 : memref<32x1024xf32, #tpu.memory_space<vmem>>)
    %add3A_36 = arith.constant 32 : i32
    %add3A_37 = arith.addi %mul3A_2, %add3A_36 : i32
    %dma_start3A_38 = arith.constant 0 : i32
    %dma_start3A_39 = tpu.memref_slice %arg4[%add3A_37, %dma_start3A_38] : memref<8192x1024xf32, #tpu.memory_space<hbm>> -> memref<32x1024xf32, #tpu.memory_space<hbm>>
    %dma_start3A_40 = arith.constant 0 : i32
    %dma_start3A_41 = tpu.memref_slice %arg4[%add3A_37, %dma_start3A_40] : memref<8192x1024xf32, #tpu.memory_space<hbm>> -> memref<32x1024xf32, #tpu.memory_space<hbm>>
    tpu.enqueue_dma source(%arg7 : memref<32x1024xf32, #tpu.memory_space<vmem>>) target(%dma_start3A_41 : memref<32x1024xf32, #tpu.memory_space<hbm>>) target_semaphore(%arg11 : memref<!tpu.dma_semaphore, #tpu.memory_space<semaphore_mem>>)
    %dma_wait3A_42 = arith.constant 0 : i32
    %dma_wait3A_43 = tpu.memref_slice %arg4[%add3A_37, %dma_wait3A_42] : memref<8192x1024xf32, #tpu.memory_space<hbm>> -> memref<32x1024xf32, #tpu.memory_space<hbm>>
    %dma_wait3A_44 = arith.constant 0 : i32
    %dma_wait3A_45 = tpu.memref_slice %arg4[%add3A_37, %dma_wait3A_44] : memref<8192x1024xf32, #tpu.memory_space<hbm>> -> memref<32x1024xf32, #tpu.memory_space<hbm>>
    tpu.wait_dma2 semaphore(%arg11 : memref<!tpu.dma_semaphore, #tpu.memory_space<semaphore_mem>>) src(%arg7 : memref<32x1024xf32, #tpu.memory_space<vmem>>) dst(%dma_wait3A_45 : memref<32x1024xf32, #tpu.memory_space<hbm>>)
    %dma_start3A_46 = arith.constant 96 : i32
    %dma_start3A_47 = tpu.memref_slice %arg5[%dma_start3A_46] : memref<256xi32, #tpu.memory_space<vmem>> -> memref<32xi32, #tpu.memory_space<vmem>>
    %dma_start3A_48 = arith.constant 0 : i32
    %dma_start3A_49 = arith.constant 0 : i32
    %dma_start3A_50 = tpu.memref_slice %arg2[%dma_start3A_48, %dma_start3A_49] : memref<10240x1024xf32, #tpu.memory_space<hbm>> -> memref<10240x1024xf32, #tpu.memory_space<hbm>>
    tpu.enqueue_indirect_dma source(%dma_start3A_50 : memref<10240x1024xf32, #tpu.memory_space<hbm>>) target(%arg7 : memref<32x1024xf32, #tpu.memory_space<vmem>>) offsets(%dma_start3A_47 : memref<32xi32, #tpu.memory_space<vmem>>) semaphore(%arg9 : memref<!tpu.dma_semaphore, #tpu.memory_space<semaphore_mem>>)
    %dma_wait3A_51 = arith.constant 64 : i32
    %dma_wait3A_52 = tpu.memref_slice %arg5[%dma_wait3A_51] : memref<256xi32, #tpu.memory_space<vmem>> -> memref<32xi32, #tpu.memory_space<vmem>>
    %dma_wait3A_53 = arith.constant 0 : i32
    %dma_wait3A_54 = arith.constant 0 : i32
    %dma_wait3A_55 = tpu.memref_slice %arg2[%dma_wait3A_53, %dma_wait3A_54] : memref<10240x1024xf32, #tpu.memory_space<hbm>> -> memref<10240x1024xf32, #tpu.memory_space<hbm>>
    tpu.wait_indirect_dma semaphore(%arg8 : memref<!tpu.dma_semaphore, #tpu.memory_space<semaphore_mem>>) src(%dma_wait3A_55 : memref<10240x1024xf32, #tpu.memory_space<hbm>>) dst(%arg6 : memref<32x1024xf32, #tpu.memory_space<vmem>>)
    %add3A_56 = arith.constant 64 : i32
    %add3A_57 = arith.addi %mul3A_2, %add3A_56 : i32
    %dma_start3A_58 = arith.constant 0 : i32
    %dma_start3A_59 = tpu.memref_slice %arg4[%add3A_57, %dma_start3A_58] : memref<8192x1024xf32, #tpu.memory_space<hbm>> -> memref<32x1024xf32, #tpu.memory_space<hbm>>
    %dma_start3A_60 = arith.constant 0 : i32
    %dma_start3A_61 = tpu.memref_slice %arg4[%add3A_57, %dma_start3A_60] : memref<8192x1024xf32, #tpu.memory_space<hbm>> -> memref<32x1024xf32, #tpu.memory_space<hbm>>
    tpu.enqueue_dma source(%arg6 : memref<32x1024xf32, #tpu.memory_space<vmem>>) target(%dma_start3A_61 : memref<32x1024xf32, #tpu.memory_space<hbm>>) target_semaphore(%arg10 : memref<!tpu.dma_semaphore, #tpu.memory_space<semaphore_mem>>)
    %dma_wait3A_62 = arith.constant 0 : i32
    %dma_wait3A_63 = tpu.memref_slice %arg4[%add3A_57, %dma_wait3A_62] : memref<8192x1024xf32, #tpu.memory_space<hbm>> -> memref<32x1024xf32, #tpu.memory_space<hbm>>
    %dma_wait3A_64 = arith.constant 0 : i32
    %dma_wait3A_65 = tpu.memref_slice %arg4[%add3A_57, %dma_wait3A_64] : memref<8192x1024xf32, #tpu.memory_space<hbm>> -> memref<32x1024xf32, #tpu.memory_space<hbm>>
    tpu.wait_dma2 semaphore(%arg10 : memref<!tpu.dma_semaphore, #tpu.memory_space<semaphore_mem>>) src(%arg6 : memref<32x1024xf32, #tpu.memory_space<vmem>>) dst(%dma_wait3A_65 : memref<32x1024xf32, #tpu.memory_space<hbm>>)
    %dma_start3A_66 = arith.constant 128 : i32
    %dma_start3A_67 = tpu.memref_slice %arg5[%dma_start3A_66] : memref<256xi32, #tpu.memory_space<vmem>> -> memref<32xi32, #tpu.memory_space<vmem>>
    %dma_start3A_68 = arith.constant 0 : i32
    %dma_start3A_69 = arith.constant 0 : i32
    %dma_start3A_70 = tpu.memref_slice %arg2[%dma_start3A_68, %dma_start3A_69] : memref<10240x1024xf32, #tpu.memory_space<hbm>> -> memref<10240x1024xf32, #tpu.memory_space<hbm>>
    tpu.enqueue_indirect_dma source(%dma_start3A_70 : memref<10240x1024xf32, #tpu.memory_space<hbm>>) target(%arg6 : memref<32x1024xf32, #tpu.memory_space<vmem>>) offsets(%dma_start3A_67 : memref<32xi32, #tpu.memory_space<vmem>>) semaphore(%arg8 : memref<!tpu.dma_semaphore, #tpu.memory_space<semaphore_mem>>)
    %dma_wait3A_71 = arith.constant 96 : i32
    %dma_wait3A_72 = tpu.memref_slice %arg5[%dma_wait3A_71] : memref<256xi32, #tpu.memory_space<vmem>> -> memref<32xi32, #tpu.memory_space<vmem>>
    %dma_wait3A_73 = arith.constant 0 : i32
    %dma_wait3A_74 = arith.constant 0 : i32
    %dma_wait3A_75 = tpu.memref_slice %arg2[%dma_wait3A_73, %dma_wait3A_74] : memref<10240x1024xf32, #tpu.memory_space<hbm>> -> memref<10240x1024xf32, #tpu.memory_space<hbm>>
    tpu.wait_indirect_dma semaphore(%arg9 : memref<!tpu.dma_semaphore, #tpu.memory_space<semaphore_mem>>) src(%dma_wait3A_75 : memref<10240x1024xf32, #tpu.memory_space<hbm>>) dst(%arg7 : memref<32x1024xf32, #tpu.memory_space<vmem>>)
    %add3A_76 = arith.constant 96 : i32
    %add3A_77 = arith.addi %mul3A_2, %add3A_76 : i32
    %dma_start3A_78 = arith.constant 0 : i32
    %dma_start3A_79 = tpu.memref_slice %arg4[%add3A_77, %dma_start3A_78] : memref<8192x1024xf32, #tpu.memory_space<hbm>> -> memref<32x1024xf32, #tpu.memory_space<hbm>>
    %dma_start3A_80 = arith.constant 0 : i32
    %dma_start3A_81 = tpu.memref_slice %arg4[%add3A_77, %dma_start3A_80] : memref<8192x1024xf32, #tpu.memory_space<hbm>> -> memref<32x1024xf32, #tpu.memory_space<hbm>>
    tpu.enqueue_dma source(%arg7 : memref<32x1024xf32, #tpu.memory_space<vmem>>) target(%dma_start3A_81 : memref<32x1024xf32, #tpu.memory_space<hbm>>) target_semaphore(%arg11 : memref<!tpu.dma_semaphore, #tpu.memory_space<semaphore_mem>>)
    %dma_wait3A_82 = arith.constant 0 : i32
    %dma_wait3A_83 = tpu.memref_slice %arg4[%add3A_77, %dma_wait3A_82] : memref<8192x1024xf32, #tpu.memory_space<hbm>> -> memref<32x1024xf32, #tpu.memory_space<hbm>>
    %dma_wait3A_84 = arith.constant 0 : i32
    %dma_wait3A_85 = tpu.memref_slice %arg4[%add3A_77, %dma_wait3A_84] : memref<8192x1024xf32, #tpu.memory_space<hbm>> -> memref<32x1024xf32, #tpu.memory_space<hbm>>
    tpu.wait_dma2 semaphore(%arg11 : memref<!tpu.dma_semaphore, #tpu.memory_space<semaphore_mem>>) src(%arg7 : memref<32x1024xf32, #tpu.memory_space<vmem>>) dst(%dma_wait3A_85 : memref<32x1024xf32, #tpu.memory_space<hbm>>)
    %dma_start3A_86 = arith.constant 160 : i32
    %dma_start3A_87 = tpu.memref_slice %arg5[%dma_start3A_86] : memref<256xi32, #tpu.memory_space<vmem>> -> memref<32xi32, #tpu.memory_space<vmem>>
    %dma_start3A_88 = arith.constant 0 : i32
    %dma_start3A_89 = arith.constant 0 : i32
    %dma_start3A_90 = tpu.memref_slice %arg2[%dma_start3A_88, %dma_start3A_89] : memref<10240x1024xf32, #tpu.memory_space<hbm>> -> memref<10240x1024xf32, #tpu.memory_space<hbm>>
    tpu.enqueue_indirect_dma source(%dma_start3A_90 : memref<10240x1024xf32, #tpu.memory_space<hbm>>) target(%arg7 : memref<32x1024xf32, #tpu.memory_space<vmem>>) offsets(%dma_start3A_87 : memref<32xi32, #tpu.memory_space<vmem>>) semaphore(%arg9 : memref<!tpu.dma_semaphore, #tpu.memory_space<semaphore_mem>>)
    %dma_wait3A_91 = arith.constant 128 : i32
    %dma_wait3A_92 = tpu.memref_slice %arg5[%dma_wait3A_91] : memref<256xi32, #tpu.memory_space<vmem>> -> memref<32xi32, #tpu.memory_space<vmem>>
    %dma_wait3A_93 = arith.constant 0 : i32
    %dma_wait3A_94 = arith.constant 0 : i32
    %dma_wait3A_95 = tpu.memref_slice %arg2[%dma_wait3A_93, %dma_wait3A_94] : memref<10240x1024xf32, #tpu.memory_space<hbm>> -> memref<10240x1024xf32, #tpu.memory_space<hbm>>
    tpu.wait_indirect_dma semaphore(%arg8 : memref<!tpu.dma_semaphore, #tpu.memory_space<semaphore_mem>>) src(%dma_wait3A_95 : memref<10240x1024xf32, #tpu.memory_space<hbm>>) dst(%arg6 : memref<32x1024xf32, #tpu.memory_space<vmem>>)
    %add3A_96 = arith.constant 128 : i32
    %add3A_97 = arith.addi %mul3A_2, %add3A_96 : i32
    %dma_start3A_98 = arith.constant 0 : i32
    %dma_start3A_99 = tpu.memref_slice %arg4[%add3A_97, %dma_start3A_98] : memref<8192x1024xf32, #tpu.memory_space<hbm>> -> memref<32x1024xf32, #tpu.memory_space<hbm>>
    %dma_start3A_100 = arith.constant 0 : i32
    %dma_start3A_101 = tpu.memref_slice %arg4[%add3A_97, %dma_start3A_100] : memref<8192x1024xf32, #tpu.memory_space<hbm>> -> memref<32x1024xf32, #tpu.memory_space<hbm>>
    tpu.enqueue_dma source(%arg6 : memref<32x1024xf32, #tpu.memory_space<vmem>>) target(%dma_start3A_101 : memref<32x1024xf32, #tpu.memory_space<hbm>>) target_semaphore(%arg10 : memref<!tpu.dma_semaphore, #tpu.memory_space<semaphore_mem>>)
    %dma_wait3A_102 = arith.constant 0 : i32
    %dma_wait3A_103 = tpu.memref_slice %arg4[%add3A_97, %dma_wait3A_102] : memref<8192x1024xf32, #tpu.memory_space<hbm>> -> memref<32x1024xf32, #tpu.memory_space<hbm>>
    %dma_wait3A_104 = arith.constant 0 : i32
    %dma_wait3A_105 = tpu.memref_slice %arg4[%add3A_97, %dma_wait3A_104] : memref<8192x1024xf32, #tpu.memory_space<hbm>> -> memref<32x1024xf32, #tpu.memory_space<hbm>>
    tpu.wait_dma2 semaphore(%arg10 : memref<!tpu.dma_semaphore, #tpu.memory_space<semaphore_mem>>) src(%arg6 : memref<32x1024xf32, #tpu.memory_space<vmem>>) dst(%dma_wait3A_105 : memref<32x1024xf32, #tpu.memory_space<hbm>>)
    %dma_start3A_106 = arith.constant 192 : i32
    %dma_start3A_107 = tpu.memref_slice %arg5[%dma_start3A_106] : memref<256xi32, #tpu.memory_space<vmem>> -> memref<32xi32, #tpu.memory_space<vmem>>
    %dma_start3A_108 = arith.constant 0 : i32
    %dma_start3A_109 = arith.constant 0 : i32
    %dma_start3A_110 = tpu.memref_slice %arg2[%dma_start3A_108, %dma_start3A_109] : memref<10240x1024xf32, #tpu.memory_space<hbm>> -> memref<10240x1024xf32, #tpu.memory_space<hbm>>
    tpu.enqueue_indirect_dma source(%dma_start3A_110 : memref<10240x1024xf32, #tpu.memory_space<hbm>>) target(%arg6 : memref<32x1024xf32, #tpu.memory_space<vmem>>) offsets(%dma_start3A_107 : memref<32xi32, #tpu.memory_space<vmem>>) semaphore(%arg8 : memref<!tpu.dma_semaphore, #tpu.memory_space<semaphore_mem>>)
    %dma_wait3A_111 = arith.constant 160 : i32
    %dma_wait3A_112 = tpu.memref_slice %arg5[%dma_wait3A_111] : memref<256xi32, #tpu.memory_space<vmem>> -> memref<32xi32, #tpu.memory_space<vmem>>
    %dma_wait3A_113 = arith.constant 0 : i32
    %dma_wait3A_114 = arith.constant 0 : i32
    %dma_wait3A_115 = tpu.memref_slice %arg2[%dma_wait3A_113, %dma_wait3A_114] : memref<10240x1024xf32, #tpu.memory_space<hbm>> -> memref<10240x1024xf32, #tpu.memory_space<hbm>>
    tpu.wait_indirect_dma semaphore(%arg9 : memref<!tpu.dma_semaphore, #tpu.memory_space<semaphore_mem>>) src(%dma_wait3A_115 : memref<10240x1024xf32, #tpu.memory_space<hbm>>) dst(%arg7 : memref<32x1024xf32, #tpu.memory_space<vmem>>)
    %add3A_116 = arith.constant 160 : i32
    %add3A_117 = arith.addi %mul3A_2, %add3A_116 : i32
    %dma_start3A_118 = arith.constant 0 : i32
    %dma_start3A_119 = tpu.memref_slice %arg4[%add3A_117, %dma_start3A_118] : memref<8192x1024xf32, #tpu.memory_space<hbm>> -> memref<32x1024xf32, #tpu.memory_space<hbm>>
    %dma_start3A_120 = arith.constant 0 : i32
    %dma_start3A_121 = tpu.memref_slice %arg4[%add3A_117, %dma_start3A_120] : memref<8192x1024xf32, #tpu.memory_space<hbm>> -> memref<32x1024xf32, #tpu.memory_space<hbm>>
    tpu.enqueue_dma source(%arg7 : memref<32x1024xf32, #tpu.memory_space<vmem>>) target(%dma_start3A_121 : memref<32x1024xf32, #tpu.memory_space<hbm>>) target_semaphore(%arg11 : memref<!tpu.dma_semaphore, #tpu.memory_space<semaphore_mem>>)
    %dma_wait3A_122 = arith.constant 0 : i32
    %dma_wait3A_123 = tpu.memref_slice %arg4[%add3A_117, %dma_wait3A_122] : memref<8192x1024xf32, #tpu.memory_space<hbm>> -> memref<32x1024xf32, #tpu.memory_space<hbm>>
    %dma_wait3A_124 = arith.constant 0 : i32
    %dma_wait3A_125 = tpu.memref_slice %arg4[%add3A_117, %dma_wait3A_124] : memref<8192x1024xf32, #tpu.memory_space<hbm>> -> memref<32x1024xf32, #tpu.memory_space<hbm>>
    tpu.wait_dma2 semaphore(%arg11 : memref<!tpu.dma_semaphore, #tpu.memory_space<semaphore_mem>>) src(%arg7 : memref<32x1024xf32, #tpu.memory_space<vmem>>) dst(%dma_wait3A_125 : memref<32x1024xf32, #tpu.memory_space<hbm>>)
    %dma_start3A_126 = arith.constant 224 : i32
    %dma_start3A_127 = tpu.memref_slice %arg5[%dma_start3A_126] : memref<256xi32, #tpu.memory_space<vmem>> -> memref<32xi32, #tpu.memory_space<vmem>>
    %dma_start3A_128 = arith.constant 0 : i32
    %dma_start3A_129 = arith.constant 0 : i32
    %dma_start3A_130 = tpu.memref_slice %arg2[%dma_start3A_128, %dma_start3A_129] : memref<10240x1024xf32, #tpu.memory_space<hbm>> -> memref<10240x1024xf32, #tpu.memory_space<hbm>>
    tpu.enqueue_indirect_dma source(%dma_start3A_130 : memref<10240x1024xf32, #tpu.memory_space<hbm>>) target(%arg7 : memref<32x1024xf32, #tpu.memory_space<vmem>>) offsets(%dma_start3A_127 : memref<32xi32, #tpu.memory_space<vmem>>) semaphore(%arg9 : memref<!tpu.dma_semaphore, #tpu.memory_space<semaphore_mem>>)
    %dma_wait3A_131 = arith.constant 192 : i32
    %dma_wait3A_132 = tpu.memref_slice %arg5[%dma_wait3A_131] : memref<256xi32, #tpu.memory_space<vmem>> -> memref<32xi32, #tpu.memory_space<vmem>>
    %dma_wait3A_133 = arith.constant 0 : i32
    %dma_wait3A_134 = arith.constant 0 : i32
    %dma_wait3A_135 = tpu.memref_slice %arg2[%dma_wait3A_133, %dma_wait3A_134] : memref<10240x1024xf32, #tpu.memory_space<hbm>> -> memref<10240x1024xf32, #tpu.memory_space<hbm>>
    tpu.wait_indirect_dma semaphore(%arg8 : memref<!tpu.dma_semaphore, #tpu.memory_space<semaphore_mem>>) src(%dma_wait3A_135 : memref<10240x1024xf32, #tpu.memory_space<hbm>>) dst(%arg6 : memref<32x1024xf32, #tpu.memory_space<vmem>>)
    %add3A_136 = arith.constant 192 : i32
    %add3A_137 = arith.addi %mul3A_2, %add3A_136 : i32
    %dma_start3A_138 = arith.constant 0 : i32
    %dma_start3A_139 = tpu.memref_slice %arg4[%add3A_137, %dma_start3A_138] : memref<8192x1024xf32, #tpu.memory_space<hbm>> -> memref<32x1024xf32, #tpu.memory_space<hbm>>
    %dma_start3A_140 = arith.constant 0 : i32
    %dma_start3A_141 = tpu.memref_slice %arg4[%add3A_137, %dma_start3A_140] : memref<8192x1024xf32, #tpu.memory_space<hbm>> -> memref<32x1024xf32, #tpu.memory_space<hbm>>
    tpu.enqueue_dma source(%arg6 : memref<32x1024xf32, #tpu.memory_space<vmem>>) target(%dma_start3A_141 : memref<32x1024xf32, #tpu.memory_space<hbm>>) target_semaphore(%arg10 : memref<!tpu.dma_semaphore, #tpu.memory_space<semaphore_mem>>)
    %dma_wait3A_142 = arith.constant 224 : i32
    %dma_wait3A_143 = tpu.memref_slice %arg5[%dma_wait3A_142] : memref<256xi32, #tpu.memory_space<vmem>> -> memref<32xi32, #tpu.memory_space<vmem>>
    %dma_wait3A_144 = arith.constant 0 : i32
    %dma_wait3A_145 = arith.constant 0 : i32
    %dma_wait3A_146 = tpu.memref_slice %arg2[%dma_wait3A_144, %dma_wait3A_145] : memref<10240x1024xf32, #tpu.memory_space<hbm>> -> memref<10240x1024xf32, #tpu.memory_space<hbm>>
    tpu.wait_indirect_dma semaphore(%arg9 : memref<!tpu.dma_semaphore, #tpu.memory_space<semaphore_mem>>) src(%dma_wait3A_146 : memref<10240x1024xf32, #tpu.memory_space<hbm>>) dst(%arg7 : memref<32x1024xf32, #tpu.memory_space<vmem>>)
    %add3A_147 = arith.constant 224 : i32
    %add3A_148 = arith.addi %mul3A_2, %add3A_147 : i32
    %dma_start3A_149 = arith.constant 0 : i32
    %dma_start3A_150 = tpu.memref_slice %arg4[%add3A_148, %dma_start3A_149] : memref<8192x1024xf32, #tpu.memory_space<hbm>> -> memref<32x1024xf32, #tpu.memory_space<hbm>>
    %dma_start3A_151 = arith.constant 0 : i32
    %dma_start3A_152 = tpu.memref_slice %arg4[%add3A_148, %dma_start3A_151] : memref<8192x1024xf32, #tpu.memory_space<hbm>> -> memref<32x1024xf32, #tpu.memory_space<hbm>>
    tpu.enqueue_dma source(%arg7 : memref<32x1024xf32, #tpu.memory_space<vmem>>) target(%dma_start3A_152 : memref<32x1024xf32, #tpu.memory_space<hbm>>) target_semaphore(%arg11 : memref<!tpu.dma_semaphore, #tpu.memory_space<semaphore_mem>>)
    %dma_wait3A_153 = arith.constant 0 : i32
    %dma_wait3A_154 = tpu.memref_slice %arg4[%add3A_137, %dma_wait3A_153] : memref<8192x1024xf32, #tpu.memory_space<hbm>> -> memref<32x1024xf32, #tpu.memory_space<hbm>>
    %dma_wait3A_155 = arith.constant 0 : i32
    %dma_wait3A_156 = tpu.memref_slice %arg4[%add3A_137, %dma_wait3A_155] : memref<8192x1024xf32, #tpu.memory_space<hbm>> -> memref<32x1024xf32, #tpu.memory_space<hbm>>
    tpu.wait_dma2 semaphore(%arg10 : memref<!tpu.dma_semaphore, #tpu.memory_space<semaphore_mem>>) src(%arg6 : memref<32x1024xf32, #tpu.memory_space<vmem>>) dst(%dma_wait3A_156 : memref<32x1024xf32, #tpu.memory_space<hbm>>)
    %dma_wait3A_157 = arith.constant 0 : i32
    %dma_wait3A_158 = tpu.memref_slice %arg4[%add3A_148, %dma_wait3A_157] : memref<8192x1024xf32, #tpu.memory_space<hbm>> -> memref<32x1024xf32, #tpu.memory_space<hbm>>
    %dma_wait3A_159 = arith.constant 0 : i32
    %dma_wait3A_160 = tpu.memref_slice %arg4[%add3A_148, %dma_wait3A_159] : memref<8192x1024xf32, #tpu.memory_space<hbm>> -> memref<32x1024xf32, #tpu.memory_space<hbm>>
    tpu.wait_dma2 semaphore(%arg11 : memref<!tpu.dma_semaphore, #tpu.memory_space<semaphore_mem>>) src(%arg7 : memref<32x1024xf32, #tpu.memory_space<vmem>>) dst(%dma_wait3A_160 : memref<32x1024xf32, #tpu.memory_space<hbm>>)
    return
  }
}

module attributes {stable_mosaic.version = 14 : i64} {
  func.func @grouped_mm(%arg0: i32, %arg1: memref<40xi32, #tpu.memory_space<smem>>, %arg2: memref<256x1024xf32, #tpu.memory_space<vmem>>, %arg3: memref<1024x1024xf32, #tpu.memory_space<vmem>>, %arg4: memref<1x1x1024xf32, #tpu.memory_space<vmem>>, %arg5: memref<256x1024xf32, #tpu.memory_space<vmem>>) attributes {dimension_semantics = [#tpu.dimension_semantics<arbitrary>], iteration_bounds = array<i64: 40>, scalar_prefetch = 1 : i64, scratch_operands = 0 : i64, tpu.core_type = #tpu.core_type<tc>, window_params = [{transform_indices = @transform_0, window_bounds = array<i64: 256, 1024>}, {transform_indices = @transform_1, window_bounds = array<i64: 1024, 1024>}, {transform_indices = @transform_2, window_bounds = array<i64: 1, 1, 1024>}, {transform_indices = @transform_3, window_bounds = array<i64: 256, 1024>}]} {
    %get3A = arith.constant 0 : index
    %get3A_0 = arith.constant 0 : index
    %get3A_1 = vector.load %arg3[%get3A, %get3A_0] : memref<1024x1024xf32, #tpu.memory_space<vmem>>, vector<1024x1024xf32>
    %get3A_2 = arith.constant 0 : index
    %get3A_3 = arith.constant 0 : index
    %get3A_4 = vector.load %arg2[%get3A_2, %get3A_3] : memref<256x1024xf32, #tpu.memory_space<vmem>>, vector<256x1024xf32>
    %dot_general3A = arith.constant dense<0.000000e+00> : vector<256x1024xf32>
    %dot_general3A_5 = tpu.matmul %get3A_4, %get3A_1, %dot_general3A {dimension_numbers = #tpu.dot_dimension_numbers<[1], [1], [0], [0], [0, 0, 1, 0], [], []>, transpose_lhs_hint = false} : vector<256x1024xf32>, vector<1024x1024xf32>, vector<256x1024xf32> -> vector<256x1024xf32>
    %get3A_6 = arith.constant 0 : index
    %get3A_7 = arith.constant 0 : index
    %get3A_8 = arith.constant 0 : index
    %get3A_9 = vector.load %arg4[%get3A_6, %get3A_7, %get3A_8] : memref<1x1x1024xf32, #tpu.memory_space<vmem>>, vector<1x1x1024xf32>
    %get3A_10 = vector.shape_cast %get3A_9 : vector<1x1x1024xf32> to vector<1x1024xf32>
    %add3A = vector.broadcast %get3A_10 : vector<1x1024xf32> to vector<256x1024xf32>
    %add3A_11 = arith.addf %dot_general3A_5, %add3A : vector<256x1024xf32>
    %swap3A = arith.constant 0 : index
    %swap3A_12 = arith.constant 0 : index
    %swap3A_13 = vector.load %arg5[%swap3A, %swap3A_12] : memref<256x1024xf32, #tpu.memory_space<vmem>>, vector<256x1024xf32>
    tpu.vector_store %arg5[%swap3A, %swap3A_12], %add3A_11 {strides = array<i32>} : memref<256x1024xf32, #tpu.memory_space<vmem>>, vector<256x1024xf32>,
    return
  }
  func.func @transform_0(%arg0: i32, %arg1: memref<40xi32, #tpu.memory_space<smem>>) -> (i32, i32) {
    %c0_i32 = arith.constant 0 : i32
    %c0_i32_0 = arith.constant 0 : i32
    return %arg0, %c0_i32 : i32, i32
  }
  func.func @transform_1(%arg0: i32, %arg1: memref<40xi32, #tpu.memory_space<smem>>) -> (i32, i32) {
    %get3A = arith.index_cast %arg0 : i32 to index
    %get3A_0 = memref.load %arg1[%get3A] : memref<40xi32, #tpu.memory_space<smem>>
    %c0_i32 = arith.constant 0 : i32
    %c0_i32_1 = arith.constant 0 : i32
    return %c0_i32, %get3A_0 : i32, i32
  }
  func.func @transform_2(%arg0: i32, %arg1: memref<40xi32, #tpu.memory_space<smem>>) -> (i32, i32, i32) {
    %get3A = arith.index_cast %arg0 : i32 to index
    %get3A_0 = memref.load %arg1[%get3A] : memref<40xi32, #tpu.memory_space<smem>>
    %c0_i32 = arith.constant 0 : i32
    %c0_i32_1 = arith.constant 0 : i32
    %c0_i32_2 = arith.constant 0 : i32
    return %get3A_0, %c0_i32, %c0_i32_1 : i32, i32, i32
  }
  func.func @transform_3(%arg0: i32, %arg1: memref<40xi32, #tpu.memory_space<smem>>) -> (i32, i32) {
    %c0_i32 = arith.constant 0 : i32
    %c0_i32_0 = arith.constant 0 : i32
    return %arg0, %c0_i32 : i32, i32
  }
}

</mosaic_0001>

<sc_bundles>
// kernel: gather_offload_async_start
scs
__scs_entry_jumppad:
0x0: {  	(pc) =	sbr.rel $0x88, $3  }
0x1: {  	(tag) =	ssettag $0x0;
	lr =	simm.s32 $0x1  }
0x2: {  	[smem:$0x3F9D] =	sst lr;
	_ =	strace $0xD0000000  }
0x3: {  	_ = 	snop  }
0x4: {  	_ = 	snop  }
0x5: {  	_ = 	snop  }
0x6: {  	_ = 	snop  }
0x7: {  	_ = 	snop  }
__scs_overlays_trampoline_lowered:
0x8: {  	[smem:$0x3FAC] =	sst s0  }
0x9: {  	[smem:$0x3FAD] =	sst s1  }
0xa: {  	[smem:$0x3FAE] =	sst s2  }
0xb: {  	[smem:$0x3FAF] =	sst s3  }
0xc: {  	[smem:$0x3FB0] =	sst s4  }
0xd: {  	[smem:$0x3FB1] =	sst s5  }
0xe: {  	[smem:$0x3FB2] =	sst s6  }
0xf: {  	[smem:$0x3FB3] =	sst s7  }
0x10: {  	[smem:$0x3FB4] =	sst s8  }
0x11: {  	[smem:$0x3FB5] =	sst s9;
	s0 =	simm.s32 @!p0 $0x0  }
0x12: {  	s1 =	sld [smem:$0x3F9B];
	s0 =	simm.s32 @p0 $0x1  }
0x13: {  	[smem:$0x3FB6] =	sst s0;
	s0 =	simm.s32 @!p1 $0x0  }
0x14: {  	s2 =	sld [smem:$0x3F9A];
	s0 =	simm.s32 @p1 $0x1  }
0x15: {  	[smem:$0x3FB7] =	sst s0;
	s0 =	simm.s32 @!p2 $0x0  }
0x16: {  	s3 =	sld [smem:$0x3FDB];
	s0 =	simm.s32 @p2 $0x1  }
0x17: {  	s4 =	simm.s32 $0x1BF5;
	[smem:$0x3FB9] =	sst s0  }
0x18: {  	s0 =	sld [smem:$0x3F9C];
	_ =	swait.ge [sflag:s4], $0x0  }
0x19: {  	s7 =	sld [smem:$0x3F9D]  }
0x1a: {  	s8 =	sadd.s32 $0xFFFFE003, lr  }
0x1b: {  	s9 =	sadd.s32 $0xFFFFFEF7, lr;
	s5 =	simm.s32 $0xFFFFFFFF;
	p2 =	slt.u32 s8, $0xFFFFF086  }
0x1c: {  	p1 =	slt.u32 s9, $0xF7A;
	s5 =	simm.s32 @!p2 $0x0  }
0x1d: {  	s5 =	simm.s32 @p1 $0x1;
	p0 =	seq.s32 s7, s2  }
0x1e: {  	s7 =	smul.u32 @!p0 $0xF7A, s2;
	p2 =	seq.s32 @!p0 s5, $0x0  }
0x1f: {  	s9 =	smul.u32 $0xF7A, s1;
	s8 =	simm.s32 @!p0 $0x1BF5;
	p2 =	por !p2, p0  }
0x20: {  	[sflag:s8] =	ssyncset.s32 @!p0 $0xFFFFF086;
	s6 =	sadd.s32 @!p0 s3, s7;
	s7 =	simm.s32 @!p0 $0x108  }
0x21: {  	s3 =	sadd.s32 s3, s9;
	s6 =	sadd.s32 @!p0 $0x88, s6;
	s7 =	simm.s32 @p2 $0x1082  }
0x22: {  	[simem:s7], [sflag:s8] =	dma.local @!p0 [hbm:s6], $0xF7A  }
0x23: {  	s9 =	sor.u32 $0xD0000000, s2;
	s6 =	simm.s32 $0x108;
	_ =	swait.ge @!p0 [sflag:s8], $0x0  }
0x24: {  	s3 =	sadd.s32 $0x88, s3;
	s6 =	simm.s32 @!p1 $0x1082;
	[sflag:s4] =	ssyncset.s32 $0xFFFFF086  }
0x25: {  	[simem:s6], [sflag:s4] =	dma.local [hbm:s3], $0xF7A  }
0x26: {  	[smem:$0x3F9D] =	sst s1;
	(tag) =	ssettag s2;
	_ =	strace s9  }
0x27: {  	s1 =	sld [smem:$0x3FAD]  }
0x28: {  	s2 =	sld [smem:$0x3FAE]  }
0x29: {  	s4 =	sld [smem:$0x3FB0]  }
0x2a: {  	p0 =	seq.s32 s5, $0x0;
	s5 =	sld [smem:$0x3FB1]  }
0x2b: {  	s6 =	sld [smem:$0x3FB2]  }
0x2c: {  	s7 =	sld [smem:$0x3FB3]  }
0x2d: {  	s3 =	simm.s32 $0x108;
	s8 =	sld [smem:$0x3FB4]  }
0x2e: {  	s3 =	simm.s32 @!p0 $0x1082;
	s9 =	sld [smem:$0x3FB5]  }
0x2f: {  	lr =	sadd.s32 s0, s3;
	s0 =	sld [smem:$0x3FAC]  }
0x30: {  	s3 =	sld [smem:$0x3FAF]  }
0x31: {  	[smem:$0x3FB8] =	sst s10  }
0x32: {  	s10 =	sld [smem:$0x3FB6];
	_ =	sdelay $0x3  }
0x33: {  	p0 =	seq.s32 s10, $0x1;
	s10 =	sld [smem:$0x3FB8];
	_ =	sdelay $0x3  }
0x34: {  	[smem:$0x3FB8] =	sst s10  }
0x35: {  	s10 =	sld [smem:$0x3FB7];
	_ =	sdelay $0x3  }
0x36: {  	p1 =	seq.s32 s10, $0x1;
	s10 =	sld [smem:$0x3FB8];
	_ =	sdelay $0x3  }
0x37: {  	[smem:$0x3FB8] =	sst s10  }
0x38: {  	s10 =	sld [smem:$0x3FB9]  }
0x39: {  	_ = 	snop;
	(pc) =	sbr.ind lr, $3  }
0x3a: {  	_ = 	snop  }
0x3b: {  	_ = 	snop  }
0x3c: {  	p2 =	seq.s32 s10, $0x1;
	s10 =	sld [smem:$0x3FB8]  }
0x3d: {  	_ =	shalt  }
0x3e: {  	_ =	shalt  }
0x3f: {  	_ =	shalt  }
0x40: {  	_ =	shalt  }
0x41: {  	_ =	shalt  }
0x42: {  	_ =	shalt  }
0x43: {  	_ =	shalt  }
0x44: {  	_ =	shalt  }
0x45: {  	_ =	shalt  }
0x46: {  	_ =	shalt  }
0x47: {  	_ =	shalt  }
0x48: {  	_ =	shalt  }
0x49: {  	_ =	shalt  }
0x4a: {  	_ =	shalt  }
0x4b: {  	_ =	shalt  }
0x4c: {  	_ =	shalt  }
0x4d: {  	_ =	shalt  }
0x4e: {  	_ =	shalt  }
0x4f: {  	_ =	shalt  }
0x50: {  	_ =	shalt  }
0x51: {  	_ =	shalt  }
0x52: {  	_ =	shalt  }
0x53: {  	_ =	shalt  }
0x54: {  	_ =	shalt  }
0x55: {  	_ =	shalt  }
0x56: {  	_ =	shalt  }
0x57: {  	_ =	shalt  }
0x58: {  	_ =	shalt  }
0x59: {  	_ =	shalt  }
0x5a: {  	_ =	shalt  }
0x5b: {  	_ =	shalt  }
0x5c: {  	_ =	shalt  }
0x5d: {  	_ =	shalt  }
0x5e: {  	_ =	shalt  }
0x5f: {  	_ =	shalt  }
0x60: {  	_ =	shalt  }
0x61: {  	_ =	shalt  }
0x62: {  	_ =	shalt  }
0x63: {  	_ =	shalt  }
0x64: {  	_ =	shalt  }
0x65: {  	_ =	shalt  }
0x66: {  	_ =	shalt  }
0x67: {  	_ =	shalt  }
0x68: {  	_ =	shalt  }
0x69: {  	_ =	shalt  }
0x6a: {  	_ =	shalt  }
0x6b: {  	_ =	shalt  }
0x6c: {  	_ =	shalt  }
0x6d: {  	_ =	shalt  }
0x6e: {  	_ =	shalt  }
0x6f: {  	_ =	shalt  }
0x70: {  	_ =	shalt  }
0x71: {  	_ =	shalt  }
0x72: {  	_ =	shalt  }
0x73: {  	_ =	shalt  }
0x74: {  	_ =	shalt  }
0x75: {  	_ =	shalt  }
0x76: {  	_ =	shalt  }
0x77: {  	_ =	shalt  }
0x78: {  	_ =	shalt  }
0x79: {  	_ =	shalt  }
0x7a: {  	_ =	shalt  }
0x7b: {  	_ =	shalt  }
0x7c: {  	_ =	shalt  }
0x7d: {  	_ =	shalt  }
0x7e: {  	_ =	shalt  }
0x7f: {  	_ =	shalt  }
0x80: {  	_ =	shalt  }
0x81: {  	_ =	shalt  }
0x82: {  	_ =	shalt  }
0x83: {  	_ =	shalt  }
0x84: {  	_ =	shalt  }
0x85: {  	_ =	shalt  }
0x86: {  	_ =	shalt  }
0x87: {  	_ =	shalt  }
.Lfunc_end0:
.L_simem_size_0:
called_computation.1_lowered:
.L_overlay_start_0:
0x88: {  	s2 =	sld [smem:$0x3FD9]  }
0x89: {  	s3 =	sld [smem:$0x3FFE];
	_ =	sdelay $0x1  }
0x8a: {  	s1 =	srdreg.scid  }
0x8b: {  	s0 =	sand.u32 $0x1, s1  }
0x8c: {  	s16 =	sshll.u32 s0, $0xA;
	s2 =	sadd.s32 s3, s2  }
0x8d: {  	s2 =	sadd.s32 s2, s16  }
0x8e: {  	[smem:$0x3FC4] =	sst s2  }
0x8f: {  	_ = 	snop  }
0x90: {  	(tm) =	ssettm $0x1  }
0x91: {  	s17 =	sld [smem:$0x3FFB];
	_ =	sdelay $0x3  }
0x92: {  	_ =	strace s17  }
0x93: {  	s2 =	sld [smem:$0x3FFC];
	_ =	sdelay $0x3  }
0x94: {  	_ =	strace s2  }
0x95: {  	s2 =	sld [smem:$0x3FFD];
	_ =	sdelay $0x3  }
0x96: {  	_ =	strace s2  }
0x97: {  	_ =	strace $0x8FFFFFFF  }
0x98: {  	s18 =	sld [smem:$0x3FDB];
	_ =	sdelay $0x1  }
0x99: {  	s19 =	simm.s32 $_scs_section_size  }
0x9a: {  	s4 =	simm.s32 $_size__tile_overlayer_lowered;
	s5 =	simm.s32 $_tile_overlayer_lowered  }
0x9b: {  	s22 =	simm.s32 $0x1BFF;
	s21 =	sshll.u32 s5, $0x1;
	s2 =	sadd.s32 s19, s18  }
0x9c: {  	s6 =	simm.s32 $0x0;
	s20 =	sshll.u32 s4, $0x1;
	s4 =	sadd.s32 s21, s2  }
0x9d: {  	[timem:s6], [sflag:s22] =	dma.local [hbm:s4], s20  }
0x9e: {  	_ =	swait.ge [sflag:s22], s20  }
0x9f: {  	s3 =	ssub.s32 $0x0, s20;
	[sflag:s22] =	ssyncset.done $0x0  }
0xa0: {  	[sflag:s22] =	ssyncadd.s32 s3;
	_ =	sdelay $0x1  }
0xa1: {  	s23 =	simm.s32 $0x1B8B  }
0xa2: {  	_ =	swait.ge [sflag:s23], $0x1  }
0xa3: {  	[sflag:s23] =	ssyncset.done $0x0  }
0xa4: {  	s25 =	simm.s32 $0x1B8E;
	s24 =	sld [smem:$0x3FFE];
	[sflag:s23] =	ssyncadd.s32 $0xFFFFFFFF  }
0xa5: {  	s26 =	simm.s32 $execute0_lowered;
	[smem:$0x3FD2] =	sst s25  }
0xa6: {  	s4 =	sshll.u32 s26, $0x1;
	_ =	strace $0x80000046;
	[dreg:$0x1] =	wrdreg $0xFFFFFFFF  }
0xa7: {  	s28 =	simm.s32 $_size_execute0_lowered;
	s2 =	sadd.s32 s2, s4;
	[dreg:$0x0] =	wrdreg $0x0  }
0xa8: {  	s4 =	sshll.u32 s28, $0x1;
	[dreg:$0x2] =	wrdreg s2  }
0xa9: {  	[dreg:$0x3] =	wrdreg s4  }
0xaa: {  	[dreg:$0x4] =	wrdreg $0xC0  }
0xab: {  	_ =	task [dreg:s6], $0x5FFFF  }
0xac: {  	[dreg:$0x1] =	wrdreg $0xFFFFFFFF  }
0xad: {  	[dreg:$0x0] =	wrdreg $0x60  }
0xae: {  	[dreg:$0x2] =	wrdreg s24  }
0xaf: {  	[dreg:$0x3] =	wrdreg $0xA  }
0xb0: {  	_ =	task.clear_ibuf [dreg:s6], $0x4FFFF;
	_ =	strace $0x90000046  }
0xb1: {  	s29 =	simm.s32 $0xA;
	_ =	strace $0x80000048  }
0xb2: {  	_ =	swait.ge [sflag:s29], $0x1  }
0xb3: {  	[sflag:s29] =	ssyncadd.s32 $0xFFFFFFFF  }
0xb4: {  	_ =	strace $0x90000048  }
0xb5: {  	_ =	sfence  }
0xb6: {  	s30 =	sld [smem:$0x0];
	_ =	sdelay $0x2  }
0xb7: {  	s31 =	sshll.u32 s1, $0xD;
	s1 =	sshrl.u32 s1, $0x2  }
0xb8: {  	s3 =	sand.u32 $0x4000, s31;
	s1 =	sadd.s32 s1, s30  }
0xb9: {  	s0 =	sor.u32 s3, s0;
	s1 =	sshll.u32 s1, $0x11  }
0xba: {  	s0 =	sor.u32 s1, s0  }
0xbb: {  	s0 =	sadd.s32 $0x8F2B, s0  }
0xbc: {  	[sflag:s0] =	ssyncadd.remote.s32 $0x1  }
0xbd: {  	_ =	sfence.sel $0xFFFF  }
0xbe: {  	[dreg:$0x0] =	wrdreg $0xFFFFFFFF;
	(pc) =	sbr.abs _section_cstart, $3  }
0xbf: {  	[dreg:$0x1] =	wrdreg $0xFFFFFFFF  }
0xc0: {  	_ =	task.clear_ibuf [dreg:s6], $0x2FFFF;
	_ =	strace $0x9FFFFFFF  }
0xc1: {  	(tm) =	ssettm $0x7FFFFFFF  }
tec
execute0_lowered:
.L_overlay_start_1:
0x0: {  	(tag) =	ssettag $0x1  }
0x1: {  	s1 =	srdreg.scid  }
0x2: {  	s0 =	stileid.u32;
	s2 =	rddreg [dreg:$0x0];
	s6 =	simm.s32 $0x1  }
0x3: {  	s9 =	simm.s32 $0x1;
	s10 =	simm.s32 $0x3;
	s1 =	sshll.u32 s1, $0x7  }
0x4: {  	s13 =	simm.s32 $0x0;
	s3 =	sshll.u32 s0, $0x8;
	s4 =	sand.u32 $0x80, s1  }
0x5: {  	s12 =	simm.s32 $0x0;
	s5 =	sadd.s32 $0x20400, s2;
	s3 =	sor.u32 s3, s4  }
0x6: {  	s1 =	rddreg [dreg:$0x1];
	_ =	strace $0x80000047;
	s8 =	ssub.s32 $0x2000, s3  }
.Ltmp0:
0x7: {  	s4 =	sadd.s32 $0x400, s2;
	s7 =	sand.u32 $0xF80, s8;
	(pc) =	sbr.rel .LBB2_1-.Ltmp0, $4  }
0x8: {  	[sflag:s6] =	ssyncpa.u1 $0x0;
	s11 =	smov.u32 s3;
	p0 =	sne.s32 s7, $0x0  }
0x9: {  	s8 =	sshrl.u32 s8, $0xC;
	s7 =	simm.s32 $0x2;
	s9 =	simm.s32 @!p0 $0x0  }
0xa: {  	[sflag:s7] =	ssyncpa.u1 $0x0;
	p0 =	por $0x0, $0x0;
	s8 =	sadd.s32 s9, s8  }
0xb: {  	vm0 =	vmmov $0xffff;
	[sflag:s10] =	ssyncpa.u1 $0x0;
	s10 =	simm.s32 $0x0;
	s9 =	sadd.s32 $0x1, s8  }
.LBB2_4:
0xc: {  	v5 =	vshrl.u32 v1, $0xD;
	v6 =	vshll.u32 v1, $0x7  }
0xd: {  	vm1 =	veq.s32 v1, $0x80000000;
	v58 =	vand.u32 $0x7, v5;
	v59 =	vand.u32 $0xFFF80, v6  }
0xe: {  	v1 =	vsel vm1, $0xFFFFFFFF, v58;
	v5 =	vsel vm1, $0xFFFFFF80, v59  }
0xf: {  	v3 =	vor.u32 v4, v3;
	v60 =	vand.u32 $0xFFFFFC00, v5;
	v61 =	vand.u32 $0xFFFFFC00, v1  }
0x10: {  	v2 =	vor.u32 v2, v3;
	v63 =	vand.u32 $0x380, v5;
	v62 =	vadd.s32 v61, v60  }
0x11: {  	v1 =	vand.u32 $0x7F, v1;
	v3 =	vor.u32 v63, v62  }
0x12: {  	v1 =	vor.u32 v1, v3  }
0x13: {  	[tilespmem:s15], [sflag:$0x1] =	stream.indirect_vreg.gather [hbm4b:s4+s10], $0x1, v0, vm0, $0x4038;
	[tilespmem:$0x200] =	vst v63  }
0x14: {  	(ifvalue) =	ssetifvalue $0x7FFFFFFF  }
0x15: {  	[tilespmem:s16], [sflag:$0x1] =	stream.indirect_vreg.gather [hbm4b:s4+s10], $0x1, v2, vm0, $0x4038;
	[tilespmem:$0x200] =	vst v63  }
0x16: {  	s29 =	sadd.s32 $0x10, s16;
	(ifvalue) =	ssetifvalue $0x7FFFFFFF  }
0x17: {  	[tilespmem:s29], [sflag:$0x1] =	stream.indirect_vreg.gather [hbm4b:s4+s10], $0x1, v1, vm0, $0x4038;
	[tilespmem:$0x200] =	vst v63  }
0x18: {  	_ =	swait.ge [sflag:s6], $0x80  }
0x19: {  	s30 =	sshrl.u32 s13, $0x3;
	[sflag:s6] =	ssyncset.done $0x0  }
0x1a: {  	s31 =	sand.u32 $0x7, s13;
	s15 =	sadd.s32 s5, s30;
	[sflag:s6] =	ssyncadd.s32 $0xFFFFFF80  }
0x1b: {  	[hbm4b:s15+s31] =	stream.linear.scatter [tilespmem:s14], [sflag:$0x3], $0x80, $0x38;
	[tilespmem:$0x200] =	vst v63  }
.LBB2_5:
0x1c: {  	s15 =	sadd.s32 $0x1000, s11  }
0x1d: {  	p2 =	sgt.s32 s15, $0x1FFF  }
0x1e: {  	s15 =	smov.u32 @p2 s3;
	p2 =	sne.s32 s12, s9  }
.Ltmp1:
0x1f: {  	p1 =	slt.u32 s12, $0x2;
	(pc) =	sbr.rel @!p2 .LBB2_6-.Ltmp1, $4  }
0x20: {  	s14 =	simm.s32 @!p1 $0x3  }
0x21: {  	s16 =	sadd.s32 $0x1, s12;
	_ =	swait.ge @!p1 [sflag:s14], $0x80  }
0x22: {  	s13 =	smov.u32 s11;
	p0 =	por !p0, !p0;
	[sflag:s14] =	ssyncset.done @!p1 $0x0  }
0x23: {  	s12 =	smov.u32 s16;
	s11 =	smov.u32 s15;
	[sflag:s14] =	ssyncadd.s32 @!p1 $0xFFFFFF80  }
.LBB2_1:
0x24: {  	p1 =	sge.u32 s12, s8  }
0x25: {  	s14 =	sxor.u32 @!p1 $0xFFFFFFFF, s12  }
0x26: {  	s31 =	sadd.s32 $0xFFFFFFFF, s12;
	s15 =	sshrl.u32 @!p1 s11, $0x3;
	s14 =	sshll.u32 @!p1 s14, $0x7  }
0x27: {  	s16 =	sand.u32 @!p1 $0x7, s11;
	s15 =	sadd.s32 @!p1 s2, s15;
	s14 =	sand.u32 @!p1 $0x80, s14  }
0x28: {  	[tilespmem:s14], [sflag:$0x2] =	stream.linear.gather @!p1 [hbm4b:s15+s16], $0x80, $0x38;
	[tilespmem:$0x200] =	vst v63  }
0x29: {  	p1 =	sge.u32 s31, s8  }
.Ltmp2:
0x2a: {  	_ = 	snop;
	(pc) =	sbr.rel @p1 .LBB2_5-.Ltmp2, $1  }
0x2b: {  	_ =	sdelay $0x3  }
0x2c: {  	s14 =	simm.s32 $0x1  }
0x2d: {  	_ =	swait.ge [sflag:s7], $0x80;
	s14 =	simm.s32 @!p0 $0x0  }
0x2e: {  	[sflag:s7] =	ssyncset.done $0x0;
	s14 =	sshll.u32 s14, $0x7  }
0x2f: {  	[sflag:s7] =	ssyncadd.s32 $0xFFFFFF80;
	(ifvalue) =	ssetifvalue $0x7FFFFFFF;
	v0 =	vld.msk [tilespmem:s14+$0x0 ss:$0x1], $0xffff;
	_ =	sdelay $0x4  }
0x30: {  	s15 =	sadd.s32 $0x10, s14;
	v2 =	vshrl.u32 v0, $0xD;
	v3 =	vshll.u32 v0, $0x7  }
0x31: {  	v1 =	vld.msk [tilespmem:s15+$0x0 ss:$0x1], $0xffff;
	vm1 =	veq.s32 v0, $0x80000000;
	v0 =	vand.u32 $0x7, v2;
	v2 =	vand.u32 $0xFFF80, v3  }
0x32: {  	v0 =	vsel vm1, $0xFFFFFFFF, v0;
	v2 =	vsel vm1, $0xFFFFFF80, v2  }
0x33: {  	v3 =	vand.u32 $0xFFFFFC00, v2;
	v4 =	vand.u32 $0xFFFFFC00, v0  }
0x34: {  	v2 =	vand.u32 $0x380, v2;
	v3 =	vadd.s32 v4, v3  }
0x35: {  	v0 =	vand.u32 $0x7F, v0;
	v2 =	vor.u32 v2, v3  }
0x36: {  	v5 =	vshll.u32 v1, $0x7;
	v4 =	vshrl.u32 v1, $0xD;
	v0 =	vor.u32 v0, v2  }
0x37: {  	s16 =	sshll.u32 s12, $0x7;
	vm1 =	veq.s32 v1, $0x80000000;
	v1 =	vand.u32 $0x7, v4;
	v4 =	vand.u32 $0xFFF80, v5  }
0x38: {  	s16 =	sand.u32 $0x80, s16;
	s18 =	sadd.s32 $0x10, s15;
	v3 =	vsel vm1, $0xFFFFFFFF, v1;
	v4 =	vsel vm1, $0xFFFFFF80, v4  }
0x39: {  	s17 =	simm.s32 $0x20;
	s15 =	sor.u32 $0x100, s14;
	s14 =	sor.u32 $0x100, s16;
	v1 =	vld.msk [tilespmem:s18+$0x0 ss:$0x1], $0xffff;
	v5 =	vand.u32 $0xFFFFFC00, v4;
	v6 =	vand.u32 $0xFFFFFC00, v3  }
0x3a: {  	s16 =	sadd.s32 $0x10, s15;
	s18 =	sadd.s32 $0x10, s18;
	(ifvalue) =	ssetifvalue $0x7FFFFFFF;
	v2 =	vand.u32 $0x7F, v3;
	v4 =	vand.u32 $0x380, v4;
	v3 =	vadd.s32 v6, v5  }
.LBB2_3:
0x3b: {  	[tilespmem:s15], [sflag:$0x1] =	stream.indirect_vreg.gather [hbm4b:s4+s10], $0x1, v0, vm0, $0x4038;
	[tilespmem:$0x200] =	vst v63  }
0x3c: {  	s17 =	sadd.s32 $0x10, s17  }
0x3d: {  	v3 =	vor.u32 v4, v3;
	p1 =	slt.u32 s17, $0x70  }
.Ltmp3:
0x3e: {  	v4 =	vshrl.u32 v1, $0xD;
	v5 =	vshll.u32 v1, $0x7;
	s15 =	smov.u32 s16;
	v0 =	vor.u32 v2, v3;
	v2 =	vmovc v1;
	v1 =	vld.msk [tilespmem:s18+$0x0 ss:$0x1], $0xffff;
	(pc) =	sbr.rel @p1 .LBB2_3-.Ltmp3, $4  }
0x3f: {  	v3 =	vand.u32 $0xFFF80, v5;
	vm1 =	veq.s32 v2, $0x80000000;
	v2 =	vand.u32 $0x7, v4  }
0x40: {  	v4 =	vsel vm1, $0xFFFFFFFF, v2;
	v5 =	vsel vm1, $0xFFFFFF80, v3  }
0x41: {  	v2 =	vand.u32 $0x7F, v4;
	v3 =	vand.u32 $0xFFFFFC00, v5;
	v4 =	vand.u32 $0xFFFFFC00, v4  }
0x42: {  	s16 =	sadd.s32 $0x10, s16;
	s18 =	sadd.s32 $0x10, s18;
	v3 =	vadd.s32 v4, v3;
	v4 =	vand.u32 $0x380, v5;
	(ifvalue) =	ssetifvalue $0x7FFFFFFF  }
.Ltmp4:
0x43: {  	_ = 	snop;
	(pc) =	sbr.rel .LBB2_4-.Ltmp4, $1  }
0x44: {  	_ =	sdelay $0x3  }
.LBB2_6:
0x45: {  	_ =	sfence.sel $0x180000  }
0x46: {  	s2 =	simm.s32 $0x2;
	[bflag:$0x0] =	sbarrier.arrive $0xFFFF  }
0x47: {  	s30 =	simm.s32 $0x3;
	[sflag:s2] =	ssyncpa.u1 $0x1  }
0x48: {  	s31 =	simm.s32 $0x1;
	[sflag:s30] =	ssyncpa.u1 $0x1  }
0x49: {  	[sflag:s31] =	ssyncpa.u1 $0x1  }
0x4a: {  	p0 =	sne.s32 s0, $0x0;
	_ =	strace $0x90000047  }
0x4b: {  	s0 =	sadd.s32 @!p0 $0x100000, s1;
	[bflag:$0x2] =	sbarrier.arrive $0xFFFF  }
0x4c: {  	[sflag:s0] =	ssyncadd.tile.s32 @!p0 $0x1;
	_ =	shalt  }
.Lfunc_end2:
_tile_overlayer_lowered:
.L_overlay_start_2:
0x4d: {  	(tag) =	ssettag $0x2  }
0x4e: {  	s0 =	rddreg [dreg:$0x0];
	s2 =	stileid.u32  }
0x4f: {  	s1 =	rddreg [dreg:$0x1];
	p0 =	sne.s32 s2, $0x0  }
0x50: {  	s3 =	rddreg [dreg:$0x2];
	[bflag:$0x3] =	sbarrier.arrive $0xFFFF;
	s2 =	simm.s32 @!p0 $0x1C01  }
0x51: {  	[timem:s3], [sflag:s2] =	dma.local @!p0 [hbm:s0], s1  }
0x52: {  	s0 =	simm.s32 @!p0 $0x1  }
0x53: {  	_ =	swait.ge @!p0 [sflag:s0], s1  }
0x54: {  	s1 =	ssub.s32 @!p0 $0x0, s1;
	[sflag:s0] =	ssyncset.done @!p0 $0x0  }
0x55: {  	[sflag:s0] =	ssyncadd.s32 @!p0 s1  }
0x56: {  	[bflag:$0x3] =	sbarrier.arrive $0xFFFF  }
0x57: {  	_ =	shalt  }

// kernel: scatter_tokens.3.cloned.1.call-start
scs
__scs_entry_jumppad:
0x0: {  	(pc) =	sbr.rel $0x88, $3  }
0x1: {  	(tag) =	ssettag $0x0;
	lr =	simm.s32 $0x1  }
0x2: {  	[smem:$0x3F9D] =	sst lr;
	_ =	strace $0xD0000000  }
0x3: {  	_ = 	snop  }
0x4: {  	_ = 	snop  }
0x5: {  	_ = 	snop  }
0x6: {  	_ = 	snop  }
0x7: {  	_ = 	snop  }
__scs_overlays_trampoline_lowered:
0x8: {  	[smem:$0x3FAC] =	sst s0  }
0x9: {  	[smem:$0x3FAD] =	sst s1  }
0xa: {  	[smem:$0x3FAE] =	sst s2  }
0xb: {  	[smem:$0x3FAF] =	sst s3  }
0xc: {  	[smem:$0x3FB0] =	sst s4  }
0xd: {  	[smem:$0x3FB1] =	sst s5  }
0xe: {  	[smem:$0x3FB2] =	sst s6  }
0xf: {  	[smem:$0x3FB3] =	sst s7  }
0x10: {  	[smem:$0x3FB4] =	sst s8  }
0x11: {  	[smem:$0x3FB5] =	sst s9;
	s0 =	simm.s32 @!p0 $0x0  }
0x12: {  	s1 =	sld [smem:$0x3F9B];
	s0 =	simm.s32 @p0 $0x1  }
0x13: {  	[smem:$0x3FB6] =	sst s0;
	s0 =	simm.s32 @!p1 $0x0  }
0x14: {  	s2 =	sld [smem:$0x3F9A];
	s0 =	simm.s32 @p1 $0x1  }
0x15: {  	[smem:$0x3FB7] =	sst s0;
	s0 =	simm.s32 @!p2 $0x0  }
0x16: {  	s3 =	sld [smem:$0x3FDB];
	s0 =	simm.s32 @p2 $0x1  }
0x17: {  	s4 =	simm.s32 $0x1BF5;
	[smem:$0x3FB9] =	sst s0  }
0x18: {  	s0 =	sld [smem:$0x3F9C];
	_ =	swait.ge [sflag:s4], $0x0  }
0x19: {  	s7 =	sld [smem:$0x3F9D]  }
0x1a: {  	s8 =	sadd.s32 $0xFFFFE003, lr  }
0x1b: {  	s9 =	sadd.s32 $0xFFFFFEF7, lr;
	s5 =	simm.s32 $0xFFFFFFFF;
	p2 =	slt.u32 s8, $0xFFFFF086  }
0x1c: {  	p1 =	slt.u32 s9, $0xF7A;
	s5 =	simm.s32 @!p2 $0x0  }
0x1d: {  	s5 =	simm.s32 @p1 $0x1;
	p0 =	seq.s32 s7, s2  }
0x1e: {  	s7 =	smul.u32 @!p0 $0xF7A, s2;
	p2 =	seq.s32 @!p0 s5, $0x0  }
0x1f: {  	s9 =	smul.u32 $0xF7A, s1;
	s8 =	simm.s32 @!p0 $0x1BF5;
	p2 =	por !p2, p0  }
0x20: {  	[sflag:s8] =	ssyncset.s32 @!p0 $0xFFFFF086;
	s6 =	sadd.s32 @!p0 s3, s7;
	s7 =	simm.s32 @!p0 $0x108  }
0x21: {  	s3 =	sadd.s32 s3, s9;
	s6 =	sadd.s32 @!p0 $0x88, s6;
	s7 =	simm.s32 @p2 $0x1082  }
0x22: {  	[simem:s7], [sflag:s8] =	dma.local @!p0 [hbm:s6], $0xF7A  }
0x23: {  	s9 =	sor.u32 $0xD0000000, s2;
	s6 =	simm.s32 $0x108;
	_ =	swait.ge @!p0 [sflag:s8], $0x0  }
0x24: {  	s3 =	sadd.s32 $0x88, s3;
	s6 =	simm.s32 @!p1 $0x1082;
	[sflag:s4] =	ssyncset.s32 $0xFFFFF086  }
0x25: {  	[simem:s6], [sflag:s4] =	dma.local [hbm:s3], $0xF7A  }
0x26: {  	[smem:$0x3F9D] =	sst s1;
	(tag) =	ssettag s2;
	_ =	strace s9  }
0x27: {  	s1 =	sld [smem:$0x3FAD]  }
0x28: {  	s2 =	sld [smem:$0x3FAE]  }
0x29: {  	s4 =	sld [smem:$0x3FB0]  }
0x2a: {  	p0 =	seq.s32 s5, $0x0;
	s5 =	sld [smem:$0x3FB1]  }
0x2b: {  	s6 =	sld [smem:$0x3FB2]  }
0x2c: {  	s7 =	sld [smem:$0x3FB3]  }
0x2d: {  	s3 =	simm.s32 $0x108;
	s8 =	sld [smem:$0x3FB4]  }
0x2e: {  	s3 =	simm.s32 @!p0 $0x1082;
	s9 =	sld [smem:$0x3FB5]  }
0x2f: {  	lr =	sadd.s32 s0, s3;
	s0 =	sld [smem:$0x3FAC]  }
0x30: {  	s3 =	sld [smem:$0x3FAF]  }
0x31: {  	[smem:$0x3FB8] =	sst s10  }
0x32: {  	s10 =	sld [smem:$0x3FB6];
	_ =	sdelay $0x3  }
0x33: {  	p0 =	seq.s32 s10, $0x1;
	s10 =	sld [smem:$0x3FB8];
	_ =	sdelay $0x3  }
0x34: {  	[smem:$0x3FB8] =	sst s10  }
0x35: {  	s10 =	sld [smem:$0x3FB7];
	_ =	sdelay $0x3  }
0x36: {  	p1 =	seq.s32 s10, $0x1;
	s10 =	sld [smem:$0x3FB8];
	_ =	sdelay $0x3  }
0x37: {  	[smem:$0x3FB8] =	sst s10  }
0x38: {  	s10 =	sld [smem:$0x3FB9]  }
0x39: {  	_ = 	snop;
	(pc) =	sbr.ind lr, $3  }
0x3a: {  	_ = 	snop  }
0x3b: {  	_ = 	snop  }
0x3c: {  	p2 =	seq.s32 s10, $0x1;
	s10 =	sld [smem:$0x3FB8]  }
0x3d: {  	_ =	shalt  }
0x3e: {  	_ =	shalt  }
0x3f: {  	_ =	shalt  }
0x40: {  	_ =	shalt  }
0x41: {  	_ =	shalt  }
0x42: {  	_ =	shalt  }
0x43: {  	_ =	shalt  }
0x44: {  	_ =	shalt  }
0x45: {  	_ =	shalt  }
0x46: {  	_ =	shalt  }
0x47: {  	_ =	shalt  }
0x48: {  	_ =	shalt  }
0x49: {  	_ =	shalt  }
0x4a: {  	_ =	shalt  }
0x4b: {  	_ =	shalt  }
0x4c: {  	_ =	shalt  }
0x4d: {  	_ =	shalt  }
0x4e: {  	_ =	shalt  }
0x4f: {  	_ =	shalt  }
0x50: {  	_ =	shalt  }
0x51: {  	_ =	shalt  }
0x52: {  	_ =	shalt  }
0x53: {  	_ =	shalt  }
0x54: {  	_ =	shalt  }
0x55: {  	_ =	shalt  }
0x56: {  	_ =	shalt  }
0x57: {  	_ =	shalt  }
0x58: {  	_ =	shalt  }
0x59: {  	_ =	shalt  }
0x5a: {  	_ =	shalt  }
0x5b: {  	_ =	shalt  }
0x5c: {  	_ =	shalt  }
0x5d: {  	_ =	shalt  }
0x5e: {  	_ =	shalt  }
0x5f: {  	_ =	shalt  }
0x60: {  	_ =	shalt  }
0x61: {  	_ =	shalt  }
0x62: {  	_ =	shalt  }
0x63: {  	_ =	shalt  }
0x64: {  	_ =	shalt  }
0x65: {  	_ =	shalt  }
0x66: {  	_ =	shalt  }
0x67: {  	_ =	shalt  }
0x68: {  	_ =	shalt  }
0x69: {  	_ =	shalt  }
0x6a: {  	_ =	shalt  }
0x6b: {  	_ =	shalt  }
0x6c: {  	_ =	shalt  }
0x6d: {  	_ =	shalt  }
0x6e: {  	_ =	shalt  }
0x6f: {  	_ =	shalt  }
0x70: {  	_ =	shalt  }
0x71: {  	_ =	shalt  }
0x72: {  	_ =	shalt  }
0x73: {  	_ =	shalt  }
0x74: {  	_ =	shalt  }
0x75: {  	_ =	shalt  }
0x76: {  	_ =	shalt  }
0x77: {  	_ =	shalt  }
0x78: {  	_ =	shalt  }
0x79: {  	_ =	shalt  }
0x7a: {  	_ =	shalt  }
0x7b: {  	_ =	shalt  }
0x7c: {  	_ =	shalt  }
0x7d: {  	_ =	shalt  }
0x7e: {  	_ =	shalt  }
0x7f: {  	_ =	shalt  }
0x80: {  	_ =	shalt  }
0x81: {  	_ =	shalt  }
0x82: {  	_ =	shalt  }
0x83: {  	_ =	shalt  }
0x84: {  	_ =	shalt  }
0x85: {  	_ =	shalt  }
0x86: {  	_ =	shalt  }
0x87: {  	_ =	shalt  }
.Lfunc_end0:
.L_simem_size_0:
called_computation.2_lowered:
.L_overlay_start_0:
0x88: {  	s2 =	sld [smem:$0x3FD9]  }
0x89: {  	s3 =	sld [smem:$0x3FFE];
	_ =	sdelay $0x1  }
0x8a: {  	s1 =	srdreg.scid  }
0x8b: {  	s0 =	sand.u32 $0x1, s1  }
0x8c: {  	s17 =	sshll.u32 s0, $0xA;
	s2 =	sadd.s32 s3, s2  }
0x8d: {  	s2 =	sadd.s32 s2, s17  }
0x8e: {  	[smem:$0x3FC4] =	sst s2  }
0x8f: {  	_ = 	snop  }
0x90: {  	s18 =	sld [smem:$0x3FD0];
	(tm) =	ssettm $0x1  }
0x91: {  	s19 =	sld [smem:$0x3FFB];
	_ =	sdelay $0x3  }
0x92: {  	_ =	strace s19  }
0x93: {  	s2 =	sld [smem:$0x3FFC];
	_ =	sdelay $0x3  }
0x94: {  	_ =	strace s2  }
0x95: {  	s2 =	sld [smem:$0x3FFD];
	_ =	sdelay $0x3  }
0x96: {  	_ =	strace s2  }
0x97: {  	_ =	strace $0x8FFFFFFF  }
0x98: {  	s20 =	sld [smem:$0x3FDB];
	_ =	sdelay $0x1  }
0x99: {  	s4 =	simm.s32 $_scs_section_size  }
0x9a: {  	s5 =	simm.s32 $_size__tile_overlayer_lowered;
	s6 =	simm.s32 $_tile_overlayer_lowered  }
0x9b: {  	s7 =	simm.s32 $0x1BFF;
	s21 =	sshll.u32 s6, $0x1;
	s4 =	sadd.s32 s4, s20  }
0x9c: {  	s22 =	simm.s32 $0x0;
	s5 =	sshll.u32 s5, $0x1;
	s6 =	sadd.s32 s21, s4  }
0x9d: {  	[timem:s22], [sflag:s7] =	dma.local [hbm:s6], s5  }
0x9e: {  	_ =	swait.ge [sflag:s7], s5  }
0x9f: {  	s5 =	ssub.s32 $0x0, s5;
	[sflag:s7] =	ssyncset.done $0x0  }
0xa0: {  	[sflag:s7] =	ssyncadd.s32 s5;
	_ =	sdelay $0x1  }
0xa1: {  	s23 =	simm.s32 $0x1B8B  }
0xa2: {  	_ =	swait.ge [sflag:s23], $0x1  }
0xa3: {  	[sflag:s23] =	ssyncset.done $0x0  }
0xa4: {  	[sflag:s23] =	ssyncadd.s32 $0xFFFFFFFF  }
0xa5: {  	s5 =	sld [smem:$0x0]  }
0xa6: {  	s6 =	sand.u32 $0xFFFFFFFE, s1  }
0xa7: {  	p0 =	sne.s32 s1, s6  }
0xa8: {  	s6 =	sshll.u32 @p0 s6, $0xE  }
0xa9: {  	s6 =	sadd.s32 @p0 $0x11B8D, s6;
	s7 =	sshll.u32 @p0 s5, $0x11  }
0xaa: {  	s6 =	sor.u32 @p0 s7, s6  }
0xab: {  	[sflag:s6] =	ssyncadd.remote.s32 @p0 $0x1;
	_ =	sdelay $0x1  }
0xac: {  	s6 =	simm.s32 @p0 $0x1B8D  }
0xad: {  	_ =	swait.eq @p0 [sflag:s6], $0x1  }
0xae: {  	[sflag:s6] =	ssyncadd.s32 @p0 $0xFFFFFFFF  }
0xaf: {  	s7 =	sshll.u32 @!p0 s1, $0xE  }
0xb0: {  	s7 =	sor.u32 @!p0 $0x4000, s7;
	s6 =	simm.s32 @!p0 $0x1B8D  }
0xb1: {  	s5 =	sshll.u32 @!p0 s5, $0x11;
	s7 =	sadd.s32 @!p0 $0x11B8D, s7;
	_ =	swait.eq @!p0 [sflag:s6], $0x1  }
0xb2: {  	s5 =	sor.u32 @!p0 s5, s7;
	[sflag:s6] =	ssyncadd.s32 @!p0 $0xFFFFFFFF  }
0xb3: {  	s25 =	simm.s32 $0x1B8E;
	s24 =	sld [smem:$0x3FFE];
	[sflag:s5] =	ssyncadd.remote.s32 @!p0 $0x1  }
0xb4: {  	s26 =	simm.s32 $execute0_lowered;
	[smem:$0x3FD2] =	sst s25  }
0xb5: {  	s6 =	sshll.u32 s26, $0x1;
	_ =	strace $0x8000004C;
	[dreg:$0x1] =	wrdreg $0xFFFFFFFF  }
0xb6: {  	s28 =	simm.s32 $_size_execute0_lowered;
	s4 =	sadd.s32 s4, s6;
	[dreg:$0x0] =	wrdreg $0x0  }
0xb7: {  	s6 =	sshll.u32 s28, $0x1;
	[dreg:$0x2] =	wrdreg s4  }
0xb8: {  	[dreg:$0x3] =	wrdreg s6  }
0xb9: {  	[dreg:$0x4] =	wrdreg $0xC0  }
0xba: {  	_ =	task [dreg:s22], $0x5FFFF  }
0xbb: {  	[dreg:$0x1] =	wrdreg $0xFFFFFFFF  }
0xbc: {  	[dreg:$0x0] =	wrdreg $0x60  }
0xbd: {  	[dreg:$0x2] =	wrdreg s18  }
0xbe: {  	[dreg:$0x3] =	wrdreg s24  }
0xbf: {  	[dreg:$0x4] =	wrdreg $0xA  }
0xc0: {  	_ =	task.clear_ibuf [dreg:s22], $0x5FFFF;
	_ =	strace $0x9000004C  }
0xc1: {  	s29 =	simm.s32 $0xA;
	_ =	strace $0x8000004E  }
0xc2: {  	_ =	swait.ge [sflag:s29], $0x1  }
0xc3: {  	[sflag:s29] =	ssyncadd.s32 $0xFFFFFFFF  }
0xc4: {  	_ =	strace $0x9000004E  }
0xc5: {  	_ =	sfence  }
0xc6: {  	s30 =	sld [smem:$0x0];
	_ =	sdelay $0x2  }
0xc7: {  	s31 =	sshll.u32 s1, $0xD;
	s1 =	sshrl.u32 s1, $0x2  }
0xc8: {  	s4 =	sand.u32 $0x4000, s31;
	s1 =	sadd.s32 s1, s30  }
0xc9: {  	s0 =	sor.u32 s4, s0;
	s1 =	sshll.u32 s1, $0x11  }
0xca: {  	s0 =	sor.u32 s1, s0  }
0xcb: {  	s0 =	sadd.s32 $0x8F2B, s0  }
0xcc: {  	[sflag:s0] =	ssyncadd.remote.s32 $0x1  }
0xcd: {  	_ =	sfence.sel $0xFFFF  }
0xce: {  	[dreg:$0x0] =	wrdreg $0xFFFFFFFF;
	(pc) =	sbr.abs _section_cstart, $3  }
0xcf: {  	[dreg:$0x1] =	wrdreg $0xFFFFFFFF  }
0xd0: {  	_ =	task.clear_ibuf [dreg:s22], $0x2FFFF;
	_ =	strace $0x9FFFFFFF  }
0xd1: {  	(tm) =	ssettm $0x7FFFFFFF  }
tec
execute0_lowered:
.L_overlay_start_1:
0x0: {  	(tag) =	ssettag $0x1  }
0x1: {  	s0 =	rddreg [dreg:$0x0];
	s1 =	srdreg.scid  }
0x2: {  	s2 =	stileid.u32;
	s3 =	rddreg [dreg:$0x1];
	s21 =	simm.s32 $0x400  }
0x3: {  	s11 =	simm.s32 $0x8400;
	s1 =	sand.u32 $0x1, s1;
	s4 =	sshll.u32 s2, $0x1  }
0x4: {  	s12 =	simm.s32 $0x1;
	s29 =	simm.s32 $0x3;
	s4 =	sor.u32 s1, s4  }
0x5: {  	s30 =	simm.s32 $0x2;
	s2 =	simm.s32 $0x0;
	s5 =	sshll.u32 s4, $0x7  }
0x6: {  	[smem:$0x7FF] =	sst s2;
	s4 =	sshll.u32 s4, $0xF;
	s5 =	sadd.s32 s3, s5  }
0x7: {  	_ =	strace $0x8000004D;
	s8 =	sadd.s32 s0, s4;
	[dreg:$0x3] =	wrdreg s5  }
0x8: {  	s6 =	sadd.s32 $0x120E00, s3;
	s0 =	sadd.s32 $0x1000, s8;
	[dreg:$0xb] =	wrdreg s8  }
0x9: {  	s7 =	sadd.s32 $0x120F00, s3;
	s22 =	sadd.s32 $0x2000, s8;
	[dreg:$0x4] =	wrdreg s0  }
0xa: {  	s1 =	ssub.s32 $0x2, s1;
	s24 =	sadd.s32 $0x3000, s8;
	[dreg:$0x5] =	wrdreg s22  }
0xb: {  	s23 =	sshrl.u32 s1, $0x1;
	s25 =	sadd.s32 $0x4000, s8;
	[dreg:$0x6] =	wrdreg s24  }
0xc: {  	s4 =	sadd.s32 $0x120C00, s3;
	s26 =	sadd.s32 $0x5000, s8;
	[dreg:$0x7] =	wrdreg s25  }
0xd: {  	v2 =	vlaneseq.u32;
	s1 =	ssub.s32 s1, s23;
	s28 =	sadd.s32 $0x6000, s8;
	[dreg:$0x8] =	wrdreg s26  }
0xe: {  	vm0 =	vmmov $0xffff;
	v1 =	vshrl.u32 v2, $0x3;
	s23 =	simm.s32 $0x4;
	s31 =	sadd.s32 $0x7000, s8;
	[dreg:$0x9] =	wrdreg s28  }
0xf: {  	v0 =	vand.u32 $0x7, v2;
	v2 =	vor.u32 $0x8, v2;
	v1 =	vmul.u32 $0x8, v1;
	s5 =	sadd.s32 $0x120D00, s3;
	s8 =	smax.u32 s1, $0x1;
	[dreg:$0xa] =	wrdreg s31  }
.LBB2_1:
0x10: {  	s24 =	rddreg [dreg:$0x3];
	s14 =	simm.s32 $0x5  }
0x11: {  	[tilespmem:s2], [sflag:$0x5] =	stream.linear.gather [hbm4b:s24+s2], $0x400, $0x38;
	[tilespmem:$0x10400] =	vst v63  }
0x12: {  	_ =	swait.ge [sflag:s14], $0x400  }
0x13: {  	[sflag:s14] =	ssyncset.done $0x0  }
0x14: {  	s25 =	rddreg [dreg:$0xb];
	[sflag:s14] =	ssyncadd.s32 $0xFFFFFC00  }
0x15: {  	[tilespmem:s21], [sflag:$0x1] =	stream.linear.gather [hbm4b:s25+s2], $0x8000, $0x38;
	[tilespmem:$0x10400] =	vst v63  }
0x16: {  	s15 =	rddreg [dreg:$0x4]  }
0x17: {  	[tilespmem:s11], [sflag:$0x2] =	stream.linear.gather [hbm4b:s15+s2], $0x8000, $0x38;
	[tilespmem:$0x10400] =	vst v63  }
0x18: {  	_ =	swait.ge [sflag:s12], $0x8000  }
0x19: {  	[sflag:s12] =	ssyncset.done $0x0  }
0x1a: {  	[sflag:s12] =	ssyncadd.s32 $0xFFFF8000  }
0x1b: {  	v3 =	vld [tilespmem:$0x0];
	_ =	sdelay $0x4  }
0x1c: {  	v4 =	vshll.u32 v3, $0x3  }
0x1d: {  	v3 =	vand.u32 $0x7, v3;
	v4 =	vand.u32 $0xFFFFFFC0, v4  }
0x1e: {  	v3 =	vor.u32 v3, v4  }
0x1f: {  	v4 =	vperm.xlane v3, v0;
	_ =	sdelay $0x1  }
0x20: {  	v4 =	vadd.s32 v1, v4;
	_ =	sdelay $0x4  }
0x21: {  	[hbm4b:s4+s2] =	stream.indirect_vreg.scatter [tilespmem:s21], [sflag:$0x3], $0x80, v4, vm0, $0xb8;
	[tilespmem:$0x10400] =	vst v63  }
0x22: {  	s0 =	simm.s32 $0xC00;
	v3 =	vperm.xlane v3, v2  }
0x23: {  	[hbm4b:s5+s2] =	stream.indirect_vreg.scatter [tilespmem:s0], [sflag:$0x3], $0x80, v4, vm0, $0xb8;
	[tilespmem:$0x10400] =	vst v63  }
0x24: {  	s16 =	simm.s32 $0x1400;
	v3 =	vadd.s32 v1, v3  }
0x25: {  	[hbm4b:s6+s2] =	stream.indirect_vreg.scatter [tilespmem:s16], [sflag:$0x3], $0x80, v4, vm0, $0xb8;
	[tilespmem:$0x10400] =	vst v63  }
0x26: {  	s17 =	simm.s32 $0x1C00  }
0x27: {  	[hbm4b:s7+s2] =	stream.indirect_vreg.scatter [tilespmem:s17], [sflag:$0x3], $0x80, v4, vm0, $0xb8;
	[tilespmem:$0x10400] =	vst v63  }
0x28: {  	s18 =	simm.s32 $0x2400  }
0x29: {  	[hbm4b:s4+s2] =	stream.indirect_vreg.scatter [tilespmem:s18], [sflag:$0x3], $0x80, v3, vm0, $0xb8;
	[tilespmem:$0x10400] =	vst v63  }
0x2a: {  	s19 =	simm.s32 $0x2C00  }
0x2b: {  	[hbm4b:s5+s2] =	stream.indirect_vreg.scatter [tilespmem:s19], [sflag:$0x3], $0x80, v3, vm0, $0xb8;
	[tilespmem:$0x10400] =	vst v63  }
0x2c: {  	s20 =	simm.s32 $0x3400  }
0x2d: {  	[hbm4b:s6+s2] =	stream.indirect_vreg.scatter [tilespmem:s20], [sflag:$0x3], $0x80, v3, vm0, $0xb8;
	[tilespmem:$0x10400] =	vst v63  }
0x2e: {  	s22 =	simm.s32 $0x3C00  }
0x2f: {  	[hbm4b:s7+s2] =	stream.indirect_vreg.scatter [tilespmem:s22], [sflag:$0x3], $0x80, v3, vm0, $0xb8;
	[tilespmem:$0x10400] =	vst v63  }
0x30: {  	v3 =	vld [tilespmem:$0x10];
	_ =	sdelay $0x4  }
0x31: {  	v49 =	vshll.u32 v3, $0x3  }
0x32: {  	v3 =	vand.u32 $0x7, v3;
	v4 =	vand.u32 $0xFFFFFFC0, v49  }
0x33: {  	v3 =	vor.u32 v3, v4  }
0x34: {  	v4 =	vperm.xlane v3, v0;
	_ =	sdelay $0x1  }
0x35: {  	v4 =	vadd.s32 v1, v4;
	_ =	sdelay $0x3  }
0x36: {  	s24 =	simm.s32 $0x4400  }
0x37: {  	[hbm4b:s4+s2] =	stream.indirect_vreg.scatter [tilespmem:s24], [sflag:$0x3], $0x80, v4, vm0, $0xb8;
	[tilespmem:$0x10400] =	vst v63  }
0x38: {  	s25 =	simm.s32 $0x4C00;
	v3 =	vperm.xlane v3, v2  }
0x39: {  	[hbm4b:s5+s2] =	stream.indirect_vreg.scatter [tilespmem:s25], [sflag:$0x3], $0x80, v4, vm0, $0xb8;
	[tilespmem:$0x10400] =	vst v63  }
0x3a: {  	s26 =	simm.s32 $0x5400;
	v3 =	vadd.s32 v1, v3  }
0x3b: {  	[hbm4b:s6+s2] =	stream.indirect_vreg.scatter [tilespmem:s26], [sflag:$0x3], $0x80, v4, vm0, $0xb8;
	[tilespmem:$0x10400] =	vst v63  }
0x3c: {  	s28 =	simm.s32 $0x5C00  }
0x3d: {  	[hbm4b:s7+s2] =	stream.indirect_vreg.scatter [tilespmem:s28], [sflag:$0x3], $0x80, v4, vm0, $0xb8;
	[tilespmem:$0x10400] =	vst v63  }
0x3e: {  	s31 =	simm.s32 $0x6400  }
0x3f: {  	[hbm4b:s4+s2] =	stream.indirect_vreg.scatter [tilespmem:s31], [sflag:$0x3], $0x80, v3, vm0, $0xb8;
	[tilespmem:$0x10400] =	vst v63  }
0x40: {  	s15 =	simm.s32 $0x6C00  }
0x41: {  	[hbm4b:s5+s2] =	stream.indirect_vreg.scatter [tilespmem:s15], [sflag:$0x3], $0x80, v3, vm0, $0xb8;
	[tilespmem:$0x10400] =	vst v63  }
0x42: {  	s16 =	simm.s32 $0x7400  }
0x43: {  	[hbm4b:s6+s2] =	stream.indirect_vreg.scatter [tilespmem:s16], [sflag:$0x3], $0x80, v3, vm0, $0xb8;
	[tilespmem:$0x10400] =	vst v63  }
0x44: {  	s17 =	simm.s32 $0x7C00  }
0x45: {  	[hbm4b:s7+s2] =	stream.indirect_vreg.scatter [tilespmem:s17], [sflag:$0x3], $0x80, v3, vm0, $0xb8;
	[tilespmem:$0x10400] =	vst v63  }
0x46: {  	_ =	swait.ge [sflag:s29], $0x8000  }
0x47: {  	[sflag:s29] =	ssyncset.done $0x0  }
0x48: {  	s18 =	rddreg [dreg:$0x5];
	[sflag:s29] =	ssyncadd.s32 $0xFFFF8000  }
0x49: {  	[tilespmem:s21], [sflag:$0x1] =	stream.linear.gather [hbm4b:s18+s2], $0x8000, $0x38;
	[tilespmem:$0x10400] =	vst v63  }
0x4a: {  	_ =	swait.ge [sflag:s30], $0x8000  }
0x4b: {  	[sflag:s30] =	ssyncset.done $0x0  }
0x4c: {  	[sflag:s30] =	ssyncadd.s32 $0xFFFF8000  }
0x4d: {  	v3 =	vld [tilespmem:$0x80];
	_ =	sdelay $0x4  }
0x4e: {  	v50 =	vshll.u32 v3, $0x3  }
0x4f: {  	v3 =	vand.u32 $0x7, v3;
	v4 =	vand.u32 $0xFFFFFFC0, v50  }
0x50: {  	v3 =	vor.u32 v3, v4  }
0x51: {  	v4 =	vperm.xlane v3, v0;
	_ =	sdelay $0x1  }
0x52: {  	v4 =	vadd.s32 v1, v4;
	_ =	sdelay $0x4  }
0x53: {  	[hbm4b:s4+s2] =	stream.indirect_vreg.scatter [tilespmem:s11], [sflag:$0x4], $0x80, v4, vm0, $0xb8;
	[tilespmem:$0x10400] =	vst v63  }
0x54: {  	s19 =	simm.s32 $0x8C00;
	v3 =	vperm.xlane v3, v2  }
0x55: {  	[hbm4b:s5+s2] =	stream.indirect_vreg.scatter [tilespmem:s19], [sflag:$0x4], $0x80, v4, vm0, $0xb8;
	[tilespmem:$0x10400] =	vst v63  }
0x56: {  	s20 =	simm.s32 $0x9400;
	v3 =	vadd.s32 v1, v3  }
0x57: {  	[hbm4b:s6+s2] =	stream.indirect_vreg.scatter [tilespmem:s20], [sflag:$0x4], $0x80, v4, vm0, $0xb8;
	[tilespmem:$0x10400] =	vst v63  }
0x58: {  	s22 =	simm.s32 $0x9C00  }
0x59: {  	[hbm4b:s7+s2] =	stream.indirect_vreg.scatter [tilespmem:s22], [sflag:$0x4], $0x80, v4, vm0, $0xb8;
	[tilespmem:$0x10400] =	vst v63  }
0x5a: {  	s24 =	simm.s32 $0xA400  }
0x5b: {  	[hbm4b:s4+s2] =	stream.indirect_vreg.scatter [tilespmem:s24], [sflag:$0x4], $0x80, v3, vm0, $0xb8;
	[tilespmem:$0x10400] =	vst v63  }
0x5c: {  	s25 =	simm.s32 $0xAC00  }
0x5d: {  	[hbm4b:s5+s2] =	stream.indirect_vreg.scatter [tilespmem:s25], [sflag:$0x4], $0x80, v3, vm0, $0xb8;
	[tilespmem:$0x10400] =	vst v63  }
0x5e: {  	s26 =	simm.s32 $0xB400  }
0x5f: {  	[hbm4b:s6+s2] =	stream.indirect_vreg.scatter [tilespmem:s26], [sflag:$0x4], $0x80, v3, vm0, $0xb8;
	[tilespmem:$0x10400] =	vst v63  }
0x60: {  	s28 =	simm.s32 $0xBC00  }
0x61: {  	[hbm4b:s7+s2] =	stream.indirect_vreg.scatter [tilespmem:s28], [sflag:$0x4], $0x80, v3, vm0, $0xb8;
	[tilespmem:$0x10400] =	vst v63  }
0x62: {  	v3 =	vld [tilespmem:$0x90];
	_ =	sdelay $0x4  }
0x63: {  	v51 =	vshll.u32 v3, $0x3  }
0x64: {  	v3 =	vand.u32 $0x7, v3;
	v4 =	vand.u32 $0xFFFFFFC0, v51  }
0x65: {  	v3 =	vor.u32 v3, v4  }
0x66: {  	v4 =	vperm.xlane v3, v0;
	_ =	sdelay $0x1  }
0x67: {  	v4 =	vadd.s32 v1, v4;
	_ =	sdelay $0x3  }
0x68: {  	s31 =	simm.s32 $0xC400  }
0x69: {  	[hbm4b:s4+s2] =	stream.indirect_vreg.scatter [tilespmem:s31], [sflag:$0x4], $0x80, v4, vm0, $0xb8;
	[tilespmem:$0x10400] =	vst v63  }
0x6a: {  	s15 =	simm.s32 $0xCC00;
	v3 =	vperm.xlane v3, v2  }
0x6b: {  	[hbm4b:s5+s2] =	stream.indirect_vreg.scatter [tilespmem:s15], [sflag:$0x4], $0x80, v4, vm0, $0xb8;
	[tilespmem:$0x10400] =	vst v63  }
0x6c: {  	s22 =	simm.s32 $0xD400;
	v3 =	vadd.s32 v1, v3  }
0x6d: {  	[hbm4b:s6+s2] =	stream.indirect_vreg.scatter [tilespmem:s22], [sflag:$0x4], $0x80, v4, vm0, $0xb8;
	[tilespmem:$0x10400] =	vst v63  }
0x6e: {  	s24 =	simm.s32 $0xDC00  }
0x6f: {  	[hbm4b:s7+s2] =	stream.indirect_vreg.scatter [tilespmem:s24], [sflag:$0x4], $0x80, v4, vm0, $0xb8;
	[tilespmem:$0x10400] =	vst v63  }
0x70: {  	s25 =	simm.s32 $0xE400  }
0x71: {  	[hbm4b:s4+s2] =	stream.indirect_vreg.scatter [tilespmem:s25], [sflag:$0x4], $0x80, v3, vm0, $0xb8;
	[tilespmem:$0x10400] =	vst v63  }
0x72: {  	s26 =	simm.s32 $0xEC00  }
0x73: {  	[hbm4b:s5+s2] =	stream.indirect_vreg.scatter [tilespmem:s26], [sflag:$0x4], $0x80, v3, vm0, $0xb8;
	[tilespmem:$0x10400] =	vst v63  }
0x74: {  	s28 =	simm.s32 $0xF400  }
0x75: {  	[hbm4b:s6+s2] =	stream.indirect_vreg.scatter [tilespmem:s28], [sflag:$0x4], $0x80, v3, vm0, $0xb8;
	[tilespmem:$0x10400] =	vst v63  }
0x76: {  	s31 =	simm.s32 $0xFC00  }
0x77: {  	[hbm4b:s7+s2] =	stream.indirect_vreg.scatter [tilespmem:s31], [sflag:$0x4], $0x80, v3, vm0, $0xb8;
	[tilespmem:$0x10400] =	vst v63  }
0x78: {  	_ =	swait.ge [sflag:s23], $0x8000  }
0x79: {  	[sflag:s23] =	ssyncset.done $0x0  }
0x7a: {  	s15 =	rddreg [dreg:$0x6];
	[sflag:s23] =	ssyncadd.s32 $0xFFFF8000  }
0x7b: {  	[tilespmem:s11], [sflag:$0x2] =	stream.linear.gather [hbm4b:s15+s2], $0x8000, $0x38;
	[tilespmem:$0x10400] =	vst v63  }
0x7c: {  	_ =	swait.ge [sflag:s12], $0x8000  }
0x7d: {  	[sflag:s12] =	ssyncset.done $0x0  }
0x7e: {  	[sflag:s12] =	ssyncadd.s32 $0xFFFF8000  }
0x7f: {  	v3 =	vld [tilespmem:$0x100];
	_ =	sdelay $0x4  }
0x80: {  	v52 =	vshll.u32 v3, $0x3  }
0x81: {  	v3 =	vand.u32 $0x7, v3;
	v4 =	vand.u32 $0xFFFFFFC0, v52  }
0x82: {  	v3 =	vor.u32 v3, v4  }
0x83: {  	v4 =	vperm.xlane v3, v0;
	_ =	sdelay $0x1  }
0x84: {  	v4 =	vadd.s32 v1, v4;
	_ =	sdelay $0x4  }
0x85: {  	[hbm4b:s4+s2] =	stream.indirect_vreg.scatter [tilespmem:s21], [sflag:$0x3], $0x80, v4, vm0, $0xb8;
	[tilespmem:$0x10400] =	vst v63  }
0x86: {  	s10 =	simm.s32 $0xC00;
	v3 =	vperm.xlane v3, v2  }
0x87: {  	[hbm4b:s5+s2] =	stream.indirect_vreg.scatter [tilespmem:s10], [sflag:$0x3], $0x80, v4, vm0, $0xb8;
	[tilespmem:$0x10400] =	vst v63  }
0x88: {  	s1 =	simm.s32 $0x1400;
	v3 =	vadd.s32 v1, v3  }
0x89: {  	[hbm4b:s6+s2] =	stream.indirect_vreg.scatter [tilespmem:s1], [sflag:$0x3], $0x80, v4, vm0, $0xb8;
	[tilespmem:$0x10400] =	vst v63  }
0x8a: {  	s3 =	simm.s32 $0x1C00  }
0x8b: {  	[hbm4b:s7+s2] =	stream.indirect_vreg.scatter [tilespmem:s3], [sflag:$0x3], $0x80, v4, vm0, $0xb8;
	[tilespmem:$0x10400] =	vst v63  }
0x8c: {  	s9 =	simm.s32 $0x2400  }
0x8d: {  	[hbm4b:s4+s2] =	stream.indirect_vreg.scatter [tilespmem:s9], [sflag:$0x3], $0x80, v3, vm0, $0xb8;
	[tilespmem:$0x10400] =	vst v63  }
0x8e: {  	s0 =	simm.s32 $0x2C00  }
0x8f: {  	[hbm4b:s5+s2] =	stream.indirect_vreg.scatter [tilespmem:s0], [sflag:$0x3], $0x80, v3, vm0, $0xb8;
	[tilespmem:$0x10400] =	vst v63  }
0x90: {  	s1 =	simm.s32 $0x3400  }
0x91: {  	[hbm4b:s6+s2] =	stream.indirect_vreg.scatter [tilespmem:s1], [sflag:$0x3], $0x80, v3, vm0, $0xb8;
	[tilespmem:$0x10400] =	vst v63  }
0x92: {  	s13 =	simm.s32 $0x3C00  }
0x93: {  	[hbm4b:s7+s2] =	stream.indirect_vreg.scatter [tilespmem:s13], [sflag:$0x3], $0x80, v3, vm0, $0xb8;
	[tilespmem:$0x10400] =	vst v63  }
0x94: {  	v3 =	vld [tilespmem:$0x110];
	_ =	sdelay $0x4  }
0x95: {  	v53 =	vshll.u32 v3, $0x3  }
0x96: {  	v3 =	vand.u32 $0x7, v3;
	v4 =	vand.u32 $0xFFFFFFC0, v53  }
0x97: {  	v3 =	vor.u32 v3, v4  }
0x98: {  	v4 =	vperm.xlane v3, v0;
	_ =	sdelay $0x1  }
0x99: {  	v4 =	vadd.s32 v1, v4;
	_ =	sdelay $0x3  }
0x9a: {  	s14 =	simm.s32 $0x4400  }
0x9b: {  	[hbm4b:s4+s2] =	stream.indirect_vreg.scatter [tilespmem:s14], [sflag:$0x3], $0x80, v4, vm0, $0xb8;
	[tilespmem:$0x10400] =	vst v63  }
0x9c: {  	s15 =	simm.s32 $0x4C00;
	v3 =	vperm.xlane v3, v2  }
0x9d: {  	[hbm4b:s5+s2] =	stream.indirect_vreg.scatter [tilespmem:s15], [sflag:$0x3], $0x80, v4, vm0, $0xb8;
	[tilespmem:$0x10400] =	vst v63  }
0x9e: {  	s3 =	simm.s32 $0x5400;
	v3 =	vadd.s32 v1, v3  }
0x9f: {  	[hbm4b:s6+s2] =	stream.indirect_vreg.scatter [tilespmem:s3], [sflag:$0x3], $0x80, v4, vm0, $0xb8;
	[tilespmem:$0x10400] =	vst v63  }
0xa0: {  	s9 =	simm.s32 $0x5C00  }
0xa1: {  	[hbm4b:s7+s2] =	stream.indirect_vreg.scatter [tilespmem:s9], [sflag:$0x3], $0x80, v4, vm0, $0xb8;
	[tilespmem:$0x10400] =	vst v63  }
0xa2: {  	s10 =	simm.s32 $0x6400  }
0xa3: {  	[hbm4b:s4+s2] =	stream.indirect_vreg.scatter [tilespmem:s10], [sflag:$0x3], $0x80, v3, vm0, $0xb8;
	[tilespmem:$0x10400] =	vst v63  }
0xa4: {  	s13 =	simm.s32 $0x6C00  }
0xa5: {  	[hbm4b:s5+s2] =	stream.indirect_vreg.scatter [tilespmem:s13], [sflag:$0x3], $0x80, v3, vm0, $0xb8;
	[tilespmem:$0x10400] =	vst v63  }
0xa6: {  	s14 =	simm.s32 $0x7400  }
0xa7: {  	[hbm4b:s6+s2] =	stream.indirect_vreg.scatter [tilespmem:s14], [sflag:$0x3], $0x80, v3, vm0, $0xb8;
	[tilespmem:$0x10400] =	vst v63  }
0xa8: {  	s17 =	simm.s32 $0x7C00  }
0xa9: {  	[hbm4b:s7+s2] =	stream.indirect_vreg.scatter [tilespmem:s17], [sflag:$0x3], $0x80, v3, vm0, $0xb8;
	[tilespmem:$0x10400] =	vst v63  }
0xaa: {  	_ =	swait.ge [sflag:s29], $0x8000  }
0xab: {  	[sflag:s29] =	ssyncset.done $0x0  }
0xac: {  	s22 =	rddreg [dreg:$0x7];
	[sflag:s29] =	ssyncadd.s32 $0xFFFF8000  }
0xad: {  	[tilespmem:s21], [sflag:$0x1] =	stream.linear.gather [hbm4b:s22+s2], $0x8000, $0x38;
	[tilespmem:$0x10400] =	vst v63  }
0xae: {  	_ =	swait.ge [sflag:s30], $0x8000  }
0xaf: {  	[sflag:s30] =	ssyncset.done $0x0  }
0xb0: {  	[sflag:s30] =	ssyncadd.s32 $0xFFFF8000  }
0xb1: {  	v3 =	vld [tilespmem:$0x180];
	_ =	sdelay $0x4  }
0xb2: {  	v54 =	vshll.u32 v3, $0x3  }
0xb3: {  	v3 =	vand.u32 $0x7, v3;
	v4 =	vand.u32 $0xFFFFFFC0, v54  }
0xb4: {  	v3 =	vor.u32 v3, v4  }
0xb5: {  	v4 =	vperm.xlane v3, v0;
	_ =	sdelay $0x1  }
0xb6: {  	v4 =	vadd.s32 v1, v4;
	_ =	sdelay $0x4  }
0xb7: {  	[hbm4b:s4+s2] =	stream.indirect_vreg.scatter [tilespmem:s11], [sflag:$0x4], $0x80, v4, vm0, $0xb8;
	[tilespmem:$0x10400] =	vst v63  }
0xb8: {  	s22 =	simm.s32 $0x8C00;
	v3 =	vperm.xlane v3, v2  }
0xb9: {  	[hbm4b:s5+s2] =	stream.indirect_vreg.scatter [tilespmem:s22], [sflag:$0x4], $0x80, v4, vm0, $0xb8;
	[tilespmem:$0x10400] =	vst v63  }
0xba: {  	s16 =	simm.s32 $0x9400;
	v3 =	vadd.s32 v1, v3  }
0xbb: {  	[hbm4b:s6+s2] =	stream.indirect_vreg.scatter [tilespmem:s16], [sflag:$0x4], $0x80, v4, vm0, $0xb8;
	[tilespmem:$0x10400] =	vst v63  }
0xbc: {  	s20 =	simm.s32 $0x9C00  }
0xbd: {  	[hbm4b:s7+s2] =	stream.indirect_vreg.scatter [tilespmem:s20], [sflag:$0x4], $0x80, v4, vm0, $0xb8;
	[tilespmem:$0x10400] =	vst v63  }
0xbe: {  	s26 =	simm.s32 $0xA400  }
0xbf: {  	[hbm4b:s4+s2] =	stream.indirect_vreg.scatter [tilespmem:s26], [sflag:$0x4], $0x80, v3, vm0, $0xb8;
	[tilespmem:$0x10400] =	vst v63  }
0xc0: {  	s28 =	simm.s32 $0xAC00  }
0xc1: {  	[hbm4b:s5+s2] =	stream.indirect_vreg.scatter [tilespmem:s28], [sflag:$0x4], $0x80, v3, vm0, $0xb8;
	[tilespmem:$0x10400] =	vst v63  }
0xc2: {  	s31 =	simm.s32 $0xB400  }
0xc3: {  	[hbm4b:s6+s2] =	stream.indirect_vreg.scatter [tilespmem:s31], [sflag:$0x4], $0x80, v3, vm0, $0xb8;
	[tilespmem:$0x10400] =	vst v63  }
0xc4: {  	s18 =	simm.s32 $0xBC00  }
0xc5: {  	[hbm4b:s7+s2] =	stream.indirect_vreg.scatter [tilespmem:s18], [sflag:$0x4], $0x80, v3, vm0, $0xb8;
	[tilespmem:$0x10400] =	vst v63  }
0xc6: {  	v3 =	vld [tilespmem:$0x190];
	_ =	sdelay $0x4  }
0xc7: {  	v55 =	vshll.u32 v3, $0x3  }
0xc8: {  	v3 =	vand.u32 $0x7, v3;
	v4 =	vand.u32 $0xFFFFFFC0, v55  }
0xc9: {  	v3 =	vor.u32 v3, v4  }
0xca: {  	v4 =	vperm.xlane v3, v0;
	_ =	sdelay $0x1  }
0xcb: {  	v4 =	vadd.s32 v1, v4;
	_ =	sdelay $0x3  }
0xcc: {  	s19 =	simm.s32 $0xC400  }
0xcd: {  	[hbm4b:s4+s2] =	stream.indirect_vreg.scatter [tilespmem:s19], [sflag:$0x4], $0x80, v4, vm0, $0xb8;
	[tilespmem:$0x10400] =	vst v63  }
0xce: {  	s20 =	simm.s32 $0xCC00;
	v3 =	vperm.xlane v3, v2  }
0xcf: {  	[hbm4b:s5+s2] =	stream.indirect_vreg.scatter [tilespmem:s20], [sflag:$0x4], $0x80, v4, vm0, $0xb8;
	[tilespmem:$0x10400] =	vst v63  }
0xd0: {  	s17 =	simm.s32 $0xD400;
	v3 =	vadd.s32 v1, v3  }
0xd1: {  	[hbm4b:s6+s2] =	stream.indirect_vreg.scatter [tilespmem:s17], [sflag:$0x4], $0x80, v4, vm0, $0xb8;
	[tilespmem:$0x10400] =	vst v63  }
0xd2: {  	s16 =	simm.s32 $0xDC00  }
0xd3: {  	[hbm4b:s7+s2] =	stream.indirect_vreg.scatter [tilespmem:s16], [sflag:$0x4], $0x80, v4, vm0, $0xb8;
	[tilespmem:$0x10400] =	vst v63  }
0xd4: {  	s18 =	simm.s32 $0xE400  }
0xd5: {  	[hbm4b:s4+s2] =	stream.indirect_vreg.scatter [tilespmem:s18], [sflag:$0x4], $0x80, v3, vm0, $0xb8;
	[tilespmem:$0x10400] =	vst v63  }
0xd6: {  	s19 =	simm.s32 $0xEC00  }
0xd7: {  	[hbm4b:s5+s2] =	stream.indirect_vreg.scatter [tilespmem:s19], [sflag:$0x4], $0x80, v3, vm0, $0xb8;
	[tilespmem:$0x10400] =	vst v63  }
0xd8: {  	s24 =	simm.s32 $0xF400  }
0xd9: {  	[hbm4b:s6+s2] =	stream.indirect_vreg.scatter [tilespmem:s24], [sflag:$0x4], $0x80, v3, vm0, $0xb8;
	[tilespmem:$0x10400] =	vst v63  }
0xda: {  	s25 =	simm.s32 $0xFC00  }
0xdb: {  	[hbm4b:s7+s2] =	stream.indirect_vreg.scatter [tilespmem:s25], [sflag:$0x4], $0x80, v3, vm0, $0xb8;
	[tilespmem:$0x10400] =	vst v63  }
0xdc: {  	_ =	swait.ge [sflag:s23], $0x8000  }
0xdd: {  	[sflag:s23] =	ssyncset.done $0x0  }
0xde: {  	s25 =	rddreg [dreg:$0x8];
	[sflag:s23] =	ssyncadd.s32 $0xFFFF8000  }
0xdf: {  	[tilespmem:s11], [sflag:$0x2] =	stream.linear.gather [hbm4b:s25+s2], $0x8000, $0x38;
	[tilespmem:$0x10400] =	vst v63  }
0xe0: {  	_ =	swait.ge [sflag:s12], $0x8000  }
0xe1: {  	[sflag:s12] =	ssyncset.done $0x0  }
0xe2: {  	[sflag:s12] =	ssyncadd.s32 $0xFFFF8000  }
0xe3: {  	v3 =	vld [tilespmem:$0x200];
	_ =	sdelay $0x4  }
0xe4: {  	v56 =	vshll.u32 v3, $0x3  }
0xe5: {  	v3 =	vand.u32 $0x7, v3;
	v4 =	vand.u32 $0xFFFFFFC0, v56  }
0xe6: {  	v3 =	vor.u32 v3, v4  }
0xe7: {  	v4 =	vperm.xlane v3, v0;
	_ =	sdelay $0x1  }
0xe8: {  	v4 =	vadd.s32 v1, v4;
	_ =	sdelay $0x4  }
0xe9: {  	[hbm4b:s4+s2] =	stream.indirect_vreg.scatter [tilespmem:s21], [sflag:$0x3], $0x80, v4, vm0, $0xb8;
	[tilespmem:$0x10400] =	vst v63  }
0xea: {  	s25 =	simm.s32 $0xC00;
	v3 =	vperm.xlane v3, v2  }
0xeb: {  	[hbm4b:s5+s2] =	stream.indirect_vreg.scatter [tilespmem:s25], [sflag:$0x3], $0x80, v4, vm0, $0xb8;
	[tilespmem:$0x10400] =	vst v63  }
0xec: {  	v3 =	vadd.s32 v1, v3;
	s25 =	simm.s32 $0x1400  }
0xed: {  	[hbm4b:s6+s2] =	stream.indirect_vreg.scatter [tilespmem:s25], [sflag:$0x3], $0x80, v4, vm0, $0xb8;
	[tilespmem:$0x10400] =	vst v63  }
0xee: {  	s25 =	simm.s32 $0x1C00  }
0xef: {  	[hbm4b:s7+s2] =	stream.indirect_vreg.scatter [tilespmem:s25], [sflag:$0x3], $0x80, v4, vm0, $0xb8;
	[tilespmem:$0x10400] =	vst v63  }
0xf0: {  	s25 =	simm.s32 $0x2400  }
0xf1: {  	[hbm4b:s4+s2] =	stream.indirect_vreg.scatter [tilespmem:s25], [sflag:$0x3], $0x80, v3, vm0, $0xb8;
	[tilespmem:$0x10400] =	vst v63  }
0xf2: {  	_ = 	snop  }
0xf3: {  	[hbm4b:s5+s2] =	stream.indirect_vreg.scatter [tilespmem:s0], [sflag:$0x3], $0x80, v3, vm0, $0xb8;
	[tilespmem:$0x10400] =	vst v63  }
0xf4: {  	_ = 	snop  }
0xf5: {  	[hbm4b:s6+s2] =	stream.indirect_vreg.scatter [tilespmem:s1], [sflag:$0x3], $0x80, v3, vm0, $0xb8;
	[tilespmem:$0x10400] =	vst v63  }
0xf6: {  	s0 =	simm.s32 $0x3C00  }
0xf7: {  	[hbm4b:s7+s2] =	stream.indirect_vreg.scatter [tilespmem:s0], [sflag:$0x3], $0x80, v3, vm0, $0xb8;
	[tilespmem:$0x10400] =	vst v63  }
0xf8: {  	v3 =	vld [tilespmem:$0x210];
	_ =	sdelay $0x4  }
0xf9: {  	v57 =	vshll.u32 v3, $0x3  }
0xfa: {  	v3 =	vand.u32 $0x7, v3;
	v4 =	vand.u32 $0xFFFFFFC0, v57  }
0xfb: {  	v3 =	vor.u32 v3, v4  }
0xfc: {  	v4 =	vperm.xlane v3, v0;
	_ =	sdelay $0x1  }
0xfd: {  	v4 =	vadd.s32 v1, v4;
	_ =	sdelay $0x3  }
0xfe: {  	s1 =	simm.s32 $0x4400  }
0xff: {  	[hbm4b:s4+s2] =	stream.indirect_vreg.scatter [tilespmem:s1], [sflag:$0x3], $0x80, v4, vm0, $0xb8;
	[tilespmem:$0x10400] =	vst v63  }
0x100: {  	v3 =	vperm.xlane v3, v2  }
0x101: {  	[hbm4b:s5+s2] =	stream.indirect_vreg.scatter [tilespmem:s15], [sflag:$0x3], $0x80, v4, vm0, $0xb8;
	[tilespmem:$0x10400] =	vst v63  }
0x102: {  	v3 =	vadd.s32 v1, v3  }
0x103: {  	[hbm4b:s6+s2] =	stream.indirect_vreg.scatter [tilespmem:s3], [sflag:$0x3], $0x80, v4, vm0, $0xb8;
	[tilespmem:$0x10400] =	vst v63  }
0x104: {  	_ = 	snop  }
0x105: {  	[hbm4b:s7+s2] =	stream.indirect_vreg.scatter [tilespmem:s9], [sflag:$0x3], $0x80, v4, vm0, $0xb8;
	[tilespmem:$0x10400] =	vst v63  }
0x106: {  	_ = 	snop  }
0x107: {  	[hbm4b:s4+s2] =	stream.indirect_vreg.scatter [tilespmem:s10], [sflag:$0x3], $0x80, v3, vm0, $0xb8;
	[tilespmem:$0x10400] =	vst v63  }
0x108: {  	_ = 	snop  }
0x109: {  	[hbm4b:s5+s2] =	stream.indirect_vreg.scatter [tilespmem:s13], [sflag:$0x3], $0x80, v3, vm0, $0xb8;
	[tilespmem:$0x10400] =	vst v63  }
0x10a: {  	_ = 	snop  }
0x10b: {  	[hbm4b:s6+s2] =	stream.indirect_vreg.scatter [tilespmem:s14], [sflag:$0x3], $0x80, v3, vm0, $0xb8;
	[tilespmem:$0x10400] =	vst v63  }
0x10c: {  	s9 =	simm.s32 $0x7C00  }
0x10d: {  	[hbm4b:s7+s2] =	stream.indirect_vreg.scatter [tilespmem:s9], [sflag:$0x3], $0x80, v3, vm0, $0xb8;
	[tilespmem:$0x10400] =	vst v63  }
0x10e: {  	_ =	swait.ge [sflag:s29], $0x8000  }
0x10f: {  	[sflag:s29] =	ssyncset.done $0x0  }
0x110: {  	s10 =	rddreg [dreg:$0x9];
	[sflag:s29] =	ssyncadd.s32 $0xFFFF8000  }
0x111: {  	[tilespmem:s21], [sflag:$0x1] =	stream.linear.gather [hbm4b:s10+s2], $0x8000, $0x38;
	[tilespmem:$0x10400] =	vst v63  }
0x112: {  	_ =	swait.ge [sflag:s30], $0x8000  }
0x113: {  	[sflag:s30] =	ssyncset.done $0x0  }
0x114: {  	[sflag:s30] =	ssyncadd.s32 $0xFFFF8000  }
0x115: {  	v3 =	vld [tilespmem:$0x280];
	_ =	sdelay $0x4  }
0x116: {  	v58 =	vshll.u32 v3, $0x3  }
0x117: {  	v3 =	vand.u32 $0x7, v3;
	v4 =	vand.u32 $0xFFFFFFC0, v58  }
0x118: {  	v3 =	vor.u32 v3, v4  }
0x119: {  	v4 =	vperm.xlane v3, v0;
	_ =	sdelay $0x1  }
0x11a: {  	v4 =	vadd.s32 v1, v4;
	_ =	sdelay $0x4  }
0x11b: {  	[hbm4b:s4+s2] =	stream.indirect_vreg.scatter [tilespmem:s11], [sflag:$0x4], $0x80, v4, vm0, $0xb8;
	[tilespmem:$0x10400] =	vst v63  }
0x11c: {  	v3 =	vperm.xlane v3, v2  }
0x11d: {  	[hbm4b:s5+s2] =	stream.indirect_vreg.scatter [tilespmem:s22], [sflag:$0x4], $0x80, v4, vm0, $0xb8;
	[tilespmem:$0x10400] =	vst v63  }
0x11e: {  	v3 =	vadd.s32 v1, v3;
	s22 =	simm.s32 $0x9400  }
0x11f: {  	[hbm4b:s6+s2] =	stream.indirect_vreg.scatter [tilespmem:s22], [sflag:$0x4], $0x80, v4, vm0, $0xb8;
	[tilespmem:$0x10400] =	vst v63  }
0x120: {  	s24 =	simm.s32 $0x9C00  }
0x121: {  	[hbm4b:s7+s2] =	stream.indirect_vreg.scatter [tilespmem:s24], [sflag:$0x4], $0x80, v4, vm0, $0xb8;
	[tilespmem:$0x10400] =	vst v63  }
0x122: {  	_ = 	snop  }
0x123: {  	[hbm4b:s4+s2] =	stream.indirect_vreg.scatter [tilespmem:s26], [sflag:$0x4], $0x80, v3, vm0, $0xb8;
	[tilespmem:$0x10400] =	vst v63  }
0x124: {  	_ = 	snop  }
0x125: {  	[hbm4b:s5+s2] =	stream.indirect_vreg.scatter [tilespmem:s28], [sflag:$0x4], $0x80, v3, vm0, $0xb8;
	[tilespmem:$0x10400] =	vst v63  }
0x126: {  	_ = 	snop  }
0x127: {  	[hbm4b:s6+s2] =	stream.indirect_vreg.scatter [tilespmem:s31], [sflag:$0x4], $0x80, v3, vm0, $0xb8;
	[tilespmem:$0x10400] =	vst v63  }
0x128: {  	s0 =	simm.s32 $0xBC00  }
0x129: {  	[hbm4b:s7+s2] =	stream.indirect_vreg.scatter [tilespmem:s0], [sflag:$0x4], $0x80, v3, vm0, $0xb8;
	[tilespmem:$0x10400] =	vst v63  }
0x12a: {  	v3 =	vld [tilespmem:$0x290];
	_ =	sdelay $0x4  }
0x12b: {  	v59 =	vshll.u32 v3, $0x3  }
0x12c: {  	v3 =	vand.u32 $0x7, v3;
	v4 =	vand.u32 $0xFFFFFFC0, v59  }
0x12d: {  	v3 =	vor.u32 v3, v4  }
0x12e: {  	v4 =	vperm.xlane v3, v0;
	_ =	sdelay $0x1  }
0x12f: {  	v4 =	vadd.s32 v1, v4;
	_ =	sdelay $0x3  }
0x130: {  	s31 =	simm.s32 $0xC400  }
0x131: {  	[hbm4b:s4+s2] =	stream.indirect_vreg.scatter [tilespmem:s31], [sflag:$0x4], $0x80, v4, vm0, $0xb8;
	[tilespmem:$0x10400] =	vst v63  }
0x132: {  	v3 =	vperm.xlane v3, v2  }
0x133: {  	[hbm4b:s5+s2] =	stream.indirect_vreg.scatter [tilespmem:s20], [sflag:$0x4], $0x80, v4, vm0, $0xb8;
	[tilespmem:$0x10400] =	vst v63  }
0x134: {  	v3 =	vadd.s32 v1, v3  }
0x135: {  	[hbm4b:s6+s2] =	stream.indirect_vreg.scatter [tilespmem:s17], [sflag:$0x4], $0x80, v4, vm0, $0xb8;
	[tilespmem:$0x10400] =	vst v63  }
0x136: {  	_ = 	snop  }
0x137: {  	[hbm4b:s7+s2] =	stream.indirect_vreg.scatter [tilespmem:s16], [sflag:$0x4], $0x80, v4, vm0, $0xb8;
	[tilespmem:$0x10400] =	vst v63  }
0x138: {  	_ = 	snop  }
0x139: {  	[hbm4b:s4+s2] =	stream.indirect_vreg.scatter [tilespmem:s18], [sflag:$0x4], $0x80, v3, vm0, $0xb8;
	[tilespmem:$0x10400] =	vst v63  }
0x13a: {  	_ = 	snop  }
0x13b: {  	[hbm4b:s5+s2] =	stream.indirect_vreg.scatter [tilespmem:s19], [sflag:$0x4], $0x80, v3, vm0, $0xb8;
	[tilespmem:$0x10400] =	vst v63  }
0x13c: {  	s1 =	simm.s32 $0xF400  }
0x13d: {  	[hbm4b:s6+s2] =	stream.indirect_vreg.scatter [tilespmem:s1], [sflag:$0x4], $0x80, v3, vm0, $0xb8;
	[tilespmem:$0x10400] =	vst v63  }
0x13e: {  	s1 =	simm.s32 $0xFC00  }
0x13f: {  	[hbm4b:s7+s2] =	stream.indirect_vreg.scatter [tilespmem:s1], [sflag:$0x4], $0x80, v3, vm0, $0xb8;
	[tilespmem:$0x10400] =	vst v63  }
0x140: {  	_ =	swait.ge [sflag:s23], $0x8000  }
0x141: {  	[sflag:s23] =	ssyncset.done $0x0  }
0x142: {  	s24 =	rddreg [dreg:$0xa];
	[sflag:s23] =	ssyncadd.s32 $0xFFFF8000  }
0x143: {  	[tilespmem:s11], [sflag:$0x2] =	stream.linear.gather [hbm4b:s24+s2], $0x8000, $0x38;
	[tilespmem:$0x10400] =	vst v63  }
0x144: {  	_ =	swait.ge [sflag:s12], $0x8000  }
0x145: {  	[sflag:s12] =	ssyncset.done $0x0  }
0x146: {  	[sflag:s12] =	ssyncadd.s32 $0xFFFF8000  }
0x147: {  	v3 =	vld [tilespmem:$0x300];
	_ =	sdelay $0x4  }
0x148: {  	v60 =	vshll.u32 v3, $0x3  }
0x149: {  	v3 =	vand.u32 $0x7, v3;
	v4 =	vand.u32 $0xFFFFFFC0, v60  }
0x14a: {  	v3 =	vor.u32 v3, v4  }
0x14b: {  	v4 =	vperm.xlane v3, v0;
	_ =	sdelay $0x1  }
0x14c: {  	v4 =	vadd.s32 v1, v4;
	_ =	sdelay $0x4  }
0x14d: {  	[hbm4b:s4+s2] =	stream.indirect_vreg.scatter [tilespmem:s21], [sflag:$0x3], $0x80, v4, vm0, $0xb8;
	[tilespmem:$0x10400] =	vst v63  }
0x14e: {  	s24 =	simm.s32 $0xC00;
	v3 =	vperm.xlane v3, v2  }
0x14f: {  	[hbm4b:s5+s2] =	stream.indirect_vreg.scatter [tilespmem:s24], [sflag:$0x3], $0x80, v4, vm0, $0xb8;
	[tilespmem:$0x10400] =	vst v63  }
0x150: {  	v3 =	vadd.s32 v1, v3;
	s24 =	simm.s32 $0x1400  }
0x151: {  	[hbm4b:s6+s2] =	stream.indirect_vreg.scatter [tilespmem:s24], [sflag:$0x3], $0x80, v4, vm0, $0xb8;
	[tilespmem:$0x10400] =	vst v63  }
0x152: {  	s24 =	simm.s32 $0x1C00  }
0x153: {  	[hbm4b:s7+s2] =	stream.indirect_vreg.scatter [tilespmem:s24], [sflag:$0x3], $0x80, v4, vm0, $0xb8;
	[tilespmem:$0x10400] =	vst v63  }
0x154: {  	s24 =	simm.s32 $0x2400  }
0x155: {  	[hbm4b:s4+s2] =	stream.indirect_vreg.scatter [tilespmem:s24], [sflag:$0x3], $0x80, v3, vm0, $0xb8;
	[tilespmem:$0x10400] =	vst v63  }
0x156: {  	s24 =	simm.s32 $0x2C00  }
0x157: {  	[hbm4b:s5+s2] =	stream.indirect_vreg.scatter [tilespmem:s24], [sflag:$0x3], $0x80, v3, vm0, $0xb8;
	[tilespmem:$0x10400] =	vst v63  }
0x158: {  	s24 =	simm.s32 $0x3400  }
0x159: {  	[hbm4b:s6+s2] =	stream.indirect_vreg.scatter [tilespmem:s24], [sflag:$0x3], $0x80, v3, vm0, $0xb8;
	[tilespmem:$0x10400] =	vst v63  }
0x15a: {  	s24 =	simm.s32 $0x3C00  }
0x15b: {  	[hbm4b:s7+s2] =	stream.indirect_vreg.scatter [tilespmem:s24], [sflag:$0x3], $0x80, v3, vm0, $0xb8;
	[tilespmem:$0x10400] =	vst v63  }
0x15c: {  	v3 =	vld [tilespmem:$0x310];
	_ =	sdelay $0x4  }
0x15d: {  	v61 =	vshll.u32 v3, $0x3  }
0x15e: {  	v3 =	vand.u32 $0x7, v3;
	v4 =	vand.u32 $0xFFFFFFC0, v61  }
0x15f: {  	v3 =	vor.u32 v3, v4  }
0x160: {  	v4 =	vperm.xlane v3, v0;
	_ =	sdelay $0x1  }
0x161: {  	v4 =	vadd.s32 v1, v4;
	_ =	sdelay $0x3  }
0x162: {  	s24 =	simm.s32 $0x4400  }
0x163: {  	[hbm4b:s4+s2] =	stream.indirect_vreg.scatter [tilespmem:s24], [sflag:$0x3], $0x80, v4, vm0, $0xb8;
	[tilespmem:$0x10400] =	vst v63  }
0x164: {  	s15 =	simm.s32 $0x4C00;
	v3 =	vperm.xlane v3, v2  }
0x165: {  	[hbm4b:s5+s2] =	stream.indirect_vreg.scatter [tilespmem:s15], [sflag:$0x3], $0x80, v4, vm0, $0xb8;
	[tilespmem:$0x10400] =	vst v63  }
0x166: {  	v3 =	vadd.s32 v1, v3;
	s24 =	simm.s32 $0x5400  }
0x167: {  	[hbm4b:s6+s2] =	stream.indirect_vreg.scatter [tilespmem:s24], [sflag:$0x3], $0x80, v4, vm0, $0xb8;
	[tilespmem:$0x10400] =	vst v63  }
0x168: {  	s24 =	simm.s32 $0x5C00  }
0x169: {  	[hbm4b:s7+s2] =	stream.indirect_vreg.scatter [tilespmem:s24], [sflag:$0x3], $0x80, v4, vm0, $0xb8;
	[tilespmem:$0x10400] =	vst v63  }
0x16a: {  	s24 =	simm.s32 $0x6400  }
0x16b: {  	[hbm4b:s4+s2] =	stream.indirect_vreg.scatter [tilespmem:s24], [sflag:$0x3], $0x80, v3, vm0, $0xb8;
	[tilespmem:$0x10400] =	vst v63  }
0x16c: {  	s13 =	simm.s32 $0x6C00  }
0x16d: {  	[hbm4b:s5+s2] =	stream.indirect_vreg.scatter [tilespmem:s13], [sflag:$0x3], $0x80, v3, vm0, $0xb8;
	[tilespmem:$0x10400] =	vst v63  }
0x16e: {  	s14 =	simm.s32 $0x7400  }
0x16f: {  	[hbm4b:s6+s2] =	stream.indirect_vreg.scatter [tilespmem:s14], [sflag:$0x3], $0x80, v3, vm0, $0xb8;
	[tilespmem:$0x10400] =	vst v63  }
0x170: {  	s24 =	simm.s32 $0x7C00  }
0x171: {  	[hbm4b:s7+s2] =	stream.indirect_vreg.scatter [tilespmem:s24], [sflag:$0x3], $0x80, v3, vm0, $0xb8;
	[tilespmem:$0x10400] =	vst v63  }
0x172: {  	_ =	swait.ge [sflag:s30], $0x8000  }
0x173: {  	[sflag:s30] =	ssyncset.done $0x0  }
0x174: {  	[sflag:s30] =	ssyncadd.s32 $0xFFFF8000  }
0x175: {  	v3 =	vld [tilespmem:$0x380];
	_ =	sdelay $0x4  }
0x176: {  	v62 =	vshll.u32 v3, $0x3  }
0x177: {  	v3 =	vand.u32 $0x7, v3;
	v4 =	vand.u32 $0xFFFFFFC0, v62  }
0x178: {  	v3 =	vor.u32 v3, v4  }
0x179: {  	v4 =	vperm.xlane v3, v0;
	_ =	sdelay $0x1  }
0x17a: {  	v4 =	vadd.s32 v1, v4;
	_ =	sdelay $0x4  }
0x17b: {  	[hbm4b:s4+s2] =	stream.indirect_vreg.scatter [tilespmem:s11], [sflag:$0x4], $0x80, v4, vm0, $0xb8;
	[tilespmem:$0x10400] =	vst v63  }
0x17c: {  	s25 =	simm.s32 $0x8C00;
	v3 =	vperm.xlane v3, v2  }
0x17d: {  	[hbm4b:s5+s2] =	stream.indirect_vreg.scatter [tilespmem:s25], [sflag:$0x4], $0x80, v4, vm0, $0xb8;
	[tilespmem:$0x10400] =	vst v63  }
0x17e: {  	s10 =	simm.s32 $0x9400;
	v3 =	vadd.s32 v1, v3  }
0x17f: {  	[hbm4b:s6+s2] =	stream.indirect_vreg.scatter [tilespmem:s10], [sflag:$0x4], $0x80, v4, vm0, $0xb8;
	[tilespmem:$0x10400] =	vst v63  }
0x180: {  	s9 =	simm.s32 $0x9C00  }
0x181: {  	[hbm4b:s7+s2] =	stream.indirect_vreg.scatter [tilespmem:s9], [sflag:$0x4], $0x80, v4, vm0, $0xb8;
	[tilespmem:$0x10400] =	vst v63  }
0x182: {  	s22 =	simm.s32 $0xA400  }
0x183: {  	[hbm4b:s4+s2] =	stream.indirect_vreg.scatter [tilespmem:s22], [sflag:$0x4], $0x80, v3, vm0, $0xb8;
	[tilespmem:$0x10400] =	vst v63  }
0x184: {  	s26 =	simm.s32 $0xAC00  }
0x185: {  	[hbm4b:s5+s2] =	stream.indirect_vreg.scatter [tilespmem:s26], [sflag:$0x4], $0x80, v3, vm0, $0xb8;
	[tilespmem:$0x10400] =	vst v63  }
0x186: {  	s28 =	simm.s32 $0xB400  }
0x187: {  	[hbm4b:s6+s2] =	stream.indirect_vreg.scatter [tilespmem:s28], [sflag:$0x4], $0x80, v3, vm0, $0xb8;
	[tilespmem:$0x10400] =	vst v63  }
0x188: {  	_ = 	snop  }
0x189: {  	[hbm4b:s7+s2] =	stream.indirect_vreg.scatter [tilespmem:s0], [sflag:$0x4], $0x80, v3, vm0, $0xb8;
	[tilespmem:$0x10400] =	vst v63  }
0x18a: {  	v3 =	vld [tilespmem:$0x390];
	_ =	sdelay $0x4  }
0x18b: {  	v63 =	vshll.u32 v3, $0x3  }
0x18c: {  	v3 =	vand.u32 $0x7, v3;
	v4 =	vand.u32 $0xFFFFFFC0, v63  }
0x18d: {  	v3 =	vor.u32 v3, v4  }
0x18e: {  	v4 =	vperm.xlane v3, v0;
	_ =	sdelay $0x1  }
0x18f: {  	v4 =	vadd.s32 v1, v4;
	_ =	sdelay $0x3  }
0x190: {  	s3 =	simm.s32 $0xC400  }
0x191: {  	[hbm4b:s4+s2] =	stream.indirect_vreg.scatter [tilespmem:s3], [sflag:$0x4], $0x80, v4, vm0, $0xb8;
	[tilespmem:$0x10400] =	vst v63  }
0x192: {  	s20 =	simm.s32 $0xCC00;
	v3 =	vperm.xlane v3, v2  }
0x193: {  	[hbm4b:s5+s2] =	stream.indirect_vreg.scatter [tilespmem:s20], [sflag:$0x4], $0x80, v4, vm0, $0xb8;
	[tilespmem:$0x10400] =	vst v63  }
0x194: {  	s17 =	simm.s32 $0xD400;
	v3 =	vadd.s32 v1, v3  }
0x195: {  	[hbm4b:s6+s2] =	stream.indirect_vreg.scatter [tilespmem:s17], [sflag:$0x4], $0x80, v4, vm0, $0xb8;
	[tilespmem:$0x10400] =	vst v63  }
0x196: {  	s16 =	simm.s32 $0xDC00  }
0x197: {  	[hbm4b:s7+s2] =	stream.indirect_vreg.scatter [tilespmem:s16], [sflag:$0x4], $0x80, v4, vm0, $0xb8;
	[tilespmem:$0x10400] =	vst v63  }
0x198: {  	s18 =	simm.s32 $0xE400  }
0x199: {  	[hbm4b:s4+s2] =	stream.indirect_vreg.scatter [tilespmem:s18], [sflag:$0x4], $0x80, v3, vm0, $0xb8;
	[tilespmem:$0x10400] =	vst v63  }
0x19a: {  	s19 =	simm.s32 $0xEC00  }
0x19b: {  	[hbm4b:s5+s2] =	stream.indirect_vreg.scatter [tilespmem:s19], [sflag:$0x4], $0x80, v3, vm0, $0xb8;
	[tilespmem:$0x10400] =	vst v63  }
0x19c: {  	s31 =	simm.s32 $0xF400  }
0x19d: {  	[hbm4b:s6+s2] =	stream.indirect_vreg.scatter [tilespmem:s31], [sflag:$0x4], $0x80, v3, vm0, $0xb8;
	[tilespmem:$0x10400] =	vst v63  }
0x19e: {  	_ = 	snop  }
0x19f: {  	[hbm4b:s7+s2] =	stream.indirect_vreg.scatter [tilespmem:s1], [sflag:$0x4], $0x80, v3, vm0, $0xb8;
	[tilespmem:$0x10400] =	vst v63  }
0x1a0: {  	p0 =	sne.s32 s8, $0x1;
	_ =	swait.ge [sflag:s29], $0x8000  }
.Ltmp0:
0x1a1: {  	[sflag:s29] =	ssyncset.done $0x0;
	(pc) =	sbr.rel @p0 .LBB2_1-.Ltmp0, $4  }
0x1a2: {  	[sflag:s29] =	ssyncadd.s32 $0xFFFF8000  }
0x1a3: {  	_ =	swait.ge [sflag:s23], $0x8000  }
0x1a4: {  	[sflag:s23] =	ssyncset.done $0x0  }
0x1a5: {  	s8 =	sadd.s32 $0xFFFFFFFF, s8;
	[sflag:s23] =	ssyncadd.s32 $0xFFFF8000  }
0x1a6: {  	_ =	sfence.sel $0x180000  }
0x1a7: {  	[bflag:$0x0] =	sbarrier.arrive $0xFFFF  }
0x1a8: {  	_ =	strace $0x9000004D  }
0x1a9: {  	s0 =	stileid.u32;
	[bflag:$0x2] =	sbarrier.arrive $0xFFFF  }
0x1aa: {  	p0 =	sne.s32 s0, $0x0;
	s0 =	rddreg [dreg:$0x2]  }
0x1ab: {  	s0 =	sadd.s32 @!p0 $0x100000, s0  }
0x1ac: {  	[sflag:s0] =	ssyncadd.tile.s32 @!p0 $0x1;
	_ =	shalt  }
.Lfunc_end2:
_tile_overlayer_lowered:
.L_overlay_start_2:
0x1ad: {  	(tag) =	ssettag $0x2  }
0x1ae: {  	s0 =	rddreg [dreg:$0x0];
	s2 =	stileid.u32  }
0x1af: {  	s1 =	rddreg [dreg:$0x1];
	p0 =	sne.s32 s2, $0x0  }
0x1b0: {  	s3 =	rddreg [dreg:$0x2];
	[bflag:$0x3] =	sbarrier.arrive $0xFFFF;
	s2 =	simm.s32 @!p0 $0x1C05  }
0x1b1: {  	[timem:s3], [sflag:s2] =	dma.local @!p0 [hbm:s0], s1  }
0x1b2: {  	s0 =	simm.s32 @!p0 $0x5  }
0x1b3: {  	_ =	swait.ge @!p0 [sflag:s0], s1  }
0x1b4: {  	s1 =	ssub.s32 @!p0 $0x0, s1;
	[sflag:s0] =	ssyncset.done @!p0 $0x0  }
0x1b5: {  	[sflag:s0] =	ssyncadd.s32 @!p0 s1  }
0x1b6: {  	[bflag:$0x3] =	sbarrier.arrive $0xFFFF  }
0x1b7: {  	_ =	shalt  }

// kernel: sparse-core-data-format-call.cloned.1.call-start
scs
called_computation_lowered:
.L_overlay_start_0:
0x0: {  	s2 =	sld [smem:$0x3FD9]  }
0x1: {  	s3 =	sld [smem:$0x3FFE];
	_ =	sdelay $0x1  }
0x2: {  	s1 =	srdreg.scid  }
0x3: {  	s0 =	sand.u32 $0x1, s1  }
0x4: {  	s18 =	sshll.u32 s0, $0xA;
	s2 =	sadd.s32 s3, s2  }
0x5: {  	s2 =	sadd.s32 s2, s18  }
0x6: {  	[smem:$0x3FC4] =	sst s2  }
0x7: {  	_ = 	snop  }
0x8: {  	s19 =	sld [smem:$0x3FC7];
	(tm) =	ssettm $0x1  }
0x9: {  	s20 =	sld [smem:$0x3FFB];
	_ =	sdelay $0x3  }
0xa: {  	_ =	strace s20  }
0xb: {  	s2 =	sld [smem:$0x3FFC];
	_ =	sdelay $0x3  }
0xc: {  	_ =	strace s2  }
0xd: {  	s2 =	sld [smem:$0x3FFD];
	_ =	sdelay $0x3  }
0xe: {  	_ =	strace s2  }
0xf: {  	_ =	strace $0x8FFFFFFF  }
0x10: {  	s21 =	sld [smem:$0x3FDB];
	_ =	sdelay $0x1  }
0x11: {  	s4 =	simm.s32 $_scs_section_size  }
0x12: {  	s5 =	simm.s32 $_size__tile_overlayer_lowered;
	s6 =	simm.s32 $_tile_overlayer_lowered  }
0x13: {  	s7 =	simm.s32 $0x1BFF;
	s22 =	sshll.u32 s6, $0x1;
	s4 =	sadd.s32 s4, s21  }
0x14: {  	s23 =	simm.s32 $0x0;
	s5 =	sshll.u32 s5, $0x1;
	s6 =	sadd.s32 s22, s4  }
0x15: {  	[timem:s23], [sflag:s7] =	dma.local [hbm:s6], s5  }
0x16: {  	_ =	swait.ge [sflag:s7], s5  }
0x17: {  	s5 =	ssub.s32 $0x0, s5;
	[sflag:s7] =	ssyncset.done $0x0  }
0x18: {  	[sflag:s7] =	ssyncadd.s32 s5;
	_ =	sdelay $0x1  }
0x19: {  	s24 =	simm.s32 $0x1B8B  }
0x1a: {  	_ =	swait.ge [sflag:s24], $0x1  }
0x1b: {  	[sflag:s24] =	ssyncset.done $0x0  }
0x1c: {  	[sflag:s24] =	ssyncadd.s32 $0xFFFFFFFF  }
0x1d: {  	s5 =	sld [smem:$0x0]  }
0x1e: {  	s6 =	sand.u32 $0xFFFFFFFE, s1  }
0x1f: {  	p0 =	sne.s32 s1, s6  }
0x20: {  	s6 =	sshll.u32 @p0 s6, $0xE  }
0x21: {  	s6 =	sadd.s32 @p0 $0x11B8D, s6;
	s7 =	sshll.u32 @p0 s5, $0x11  }
0x22: {  	s6 =	sor.u32 @p0 s7, s6  }
0x23: {  	[sflag:s6] =	ssyncadd.remote.s32 @p0 $0x1;
	_ =	sdelay $0x1  }
0x24: {  	s6 =	simm.s32 @p0 $0x1B8D  }
0x25: {  	_ =	swait.eq @p0 [sflag:s6], $0x1  }
0x26: {  	[sflag:s6] =	ssyncadd.s32 @p0 $0xFFFFFFFF  }
0x27: {  	s7 =	sshll.u32 @!p0 s1, $0xE  }
0x28: {  	s7 =	sor.u32 @!p0 $0x4000, s7;
	s6 =	simm.s32 @!p0 $0x1B8D  }
0x29: {  	s5 =	sshll.u32 @!p0 s5, $0x11;
	s7 =	sadd.s32 @!p0 $0x11B8D, s7;
	_ =	swait.eq @!p0 [sflag:s6], $0x1  }
0x2a: {  	s5 =	sor.u32 @!p0 s5, s7;
	[sflag:s6] =	ssyncadd.s32 @!p0 $0xFFFFFFFF  }
0x2b: {  	s26 =	simm.s32 $0x1B8E;
	s25 =	sld [smem:$0x3FFE];
	[sflag:s5] =	ssyncadd.remote.s32 @!p0 $0x1  }
0x2c: {  	s27 =	simm.s32 $execute0_lowered;
	[smem:$0x3FD2] =	sst s26  }
0x2d: {  	s6 =	sshll.u32 s27, $0x1;
	_ =	strace $0x80000049;
	[dreg:$0x1] =	wrdreg $0xFFFFFFFF  }
0x2e: {  	s28 =	simm.s32 $_size_execute0_lowered;
	s4 =	sadd.s32 s4, s6;
	[dreg:$0x0] =	wrdreg $0x0  }
0x2f: {  	s6 =	sshll.u32 s28, $0x1;
	[dreg:$0x2] =	wrdreg s4  }
0x30: {  	[dreg:$0x3] =	wrdreg s6  }
0x31: {  	[dreg:$0x4] =	wrdreg $0xC0  }
0x32: {  	_ =	task [dreg:s23], $0x5FFFF  }
0x33: {  	[dreg:$0x1] =	wrdreg $0xFFFFFFFF  }
0x34: {  	[dreg:$0x0] =	wrdreg $0x60  }
0x35: {  	[dreg:$0x2] =	wrdreg s19  }
0x36: {  	[dreg:$0x3] =	wrdreg s25  }
0x37: {  	[dreg:$0x4] =	wrdreg $0x9  }
0x38: {  	_ =	task.clear_ibuf [dreg:s23], $0x5FFFF;
	_ =	strace $0x90000049  }
0x39: {  	s29 =	simm.s32 $0x9;
	_ =	strace $0x8000004B  }
0x3a: {  	_ =	swait.ge [sflag:s29], $0x1  }
0x3b: {  	[sflag:s29] =	ssyncadd.s32 $0xFFFFFFFF  }
0x3c: {  	_ =	strace $0x9000004B  }
0x3d: {  	_ =	sfence  }
0x3e: {  	s30 =	sld [smem:$0x0];
	_ =	sdelay $0x2  }
0x3f: {  	s31 =	sshll.u32 s1, $0xD;
	s1 =	sshrl.u32 s1, $0x2  }
0x40: {  	s4 =	sand.u32 $0x4000, s31;
	s1 =	sadd.s32 s1, s30  }
0x41: {  	s0 =	sor.u32 s4, s0;
	s1 =	sshll.u32 s1, $0x11  }
0x42: {  	s0 =	sor.u32 s1, s0  }
0x43: {  	s0 =	sadd.s32 $0x8F2B, s0  }
0x44: {  	[sflag:s0] =	ssyncadd.remote.s32 $0x1  }
0x45: {  	_ =	sfence.sel $0xFFFF  }
0x46: {  	[dreg:$0x0] =	wrdreg $0xFFFFFFFF;
	(pc) =	sbr.abs _section_cstart, $3  }
0x47: {  	[dreg:$0x1] =	wrdreg $0xFFFFFFFF  }
0x48: {  	_ =	task.clear_ibuf [dreg:s23], $0x2FFFF;
	_ =	strace $0x9FFFFFFF  }
0x49: {  	(tm) =	ssettm $0x7FFFFFFF  }
tec
execute0_lowered:
.L_overlay_start_1:
0x0: {  	(tag) =	ssettag $0x1  }
0x1: {  	s2 =	rddreg [dreg:$0x0]  }
0x2: {  	s1 =	rddreg [dreg:$0x1]  }
0x3: {  	s0 =	rddreg [dreg:$0x2]  }
0x4: {  	_ =	strace $0x8000004A;
	s4 =	srdreg.scid;
	s6 =	simm.s32 $0x2  }
0x5: {  	s12 =	simm.s32 $0x0;
	p0 =	por $0x0, $0x0;
	s13 =	simm.s32 $0x0  }
0x6: {  	s15 =	simm.s32 $0x0;
	s14 =	simm.s32 $0x0;
	s8 =	simm.s32 $0x0  }
.Ltmp0:
0x7: {  	s9 =	simm.s32 $0x0;
	s10 =	simm.s32 $0x0;
	(pc) =	sbr.rel .LBB1_1-.Ltmp0, $4  }
0x8: {  	s7 =	simm.s32 $0x0;
	s3 =	sadd.s32 $0x20800, s1;
	s5 =	sshll.u32 s4, $0x4  }
0x9: {  	s1 =	stileid.u32;
	s4 =	simm.s32 $0x1;
	s5 =	sand.u32 $0x10, s5  }
0xa: {  	s21 =	simm.s32 $0x0;
	[sflag:s4] =	ssyncpa.u1 $0x0;
	s5 =	sor.u32 s1, s5  }
0xb: {  	[sflag:s6] =	ssyncpa.u1 $0x0;
	s6 =	simm.s32 $0x2000;
	s11 =	smov.u32 s5  }
.LBB1_7:
0xc: {  	s16 =	sadd.s32 $0x100, s8  }
0xd: {  	s12 =	sadd.s32 $0x8, s9;
	s17 =	smov.u32 s9;
	p2 =	sgt.s32 s16, $0x3FF  }
0xe: {  	s17 =	smov.u32 @p2 s12  }
0xf: {  	s18 =	smov.u32 s10;
	s12 =	sadd.s32 $0x8, s10;
	p3 =	sgt.s32 s17, $0x7  }
0x10: {  	s18 =	smov.u32 @p3 s12  }
0x11: {  	s19 =	smov.u32 s11;
	s12 =	sadd.s32 $0x20, s11;
	p4 =	sgt.s32 s18, $0x7  }
0x12: {  	p1 =	slt.u32 s7, $0x2;
	s19 =	smov.u32 @p4 s12  }
0x13: {  	s7 =	sadd.s32 $0x1, s7;
	s16 =	simm.s32 @p2 $0x0;
	p2 =	sgt.s32 s19, $0x7F  }
0x14: {  	s20 =	simm.s32 @!p1 $0x2;
	s19 =	smov.u32 @p2 s5;
	p2 =	sne.s32 s7, $0x12  }
.Ltmp1:
0x15: {  	s13 =	smov.u32 s9;
	_ =	swait.ge @!p1 [sflag:s20], $0x4000;
	(pc) =	sbr.rel @!p2 .LBB1_8-.Ltmp1, $4  }
0x16: {  	s15 =	smov.u32 s10;
	s14 =	smov.u32 s11;
	[sflag:s20] =	ssyncset.done @!p1 $0x0  }
0x17: {  	p0 =	por !p0, !p0;
	s17 =	simm.s32 @p3 $0x0;
	[sflag:s20] =	ssyncadd.s32 @!p1 $0xFFFFC000  }
0x18: {  	s9 =	smov.u32 s17;
	s18 =	simm.s32 @p4 $0x0;
	s12 =	smov.u32 s8  }
0x19: {  	s8 =	smov.u32 s16;
	s10 =	smov.u32 s18;
	s11 =	smov.u32 s19  }
.LBB1_1:
0x1a: {  	p1 =	sgt.u32 s7, $0xF  }
0x1b: {  	s16 =	sxor.u32 @!p1 $0xFFFFFFFF, s7  }
0x1c: {  	s17 =	sshll.u32 @!p1 s9, $0x7;
	s18 =	sand.u32 @!p1 $0x78, s8;
	s19 =	sshll.u32 @!p1 s11, $0xD  }
0x1d: {  	s20 =	sand.u32 @!p1 $0x380, s8;
	s16 =	sshll.u32 @!p1 s16, $0xE;
	s17 =	sand.u32 @!p1 $0x380, s17  }
0x1e: {  	s19 =	sadd.s32 @!p1 s2, s19;
	s17 =	sor.u32 @!p1 s18, s17;
	s18 =	sshll.u32 @!p1 s10, $0xA  }
0x1f: {  	s16 =	sand.u32 @!p1 $0x4000, s16;
	s18 =	sadd.s32 @!p1 s18, s19;
	s19 =	sand.u32 @!p1 $0x7, s8  }
0x20: {  	s17 =	sshrl.u32 @!p1 s17, $0x3;
	s18 =	sadd.s32 @!p1 s20, s18;
	s19 =	sshll.u32 @!p1 s19, $0x12  }
0x21: {  	s17 =	sadd.s32 @!p1 s17, s18;
	s18 =	sor.u32 @!p1 $0x800, s19;
	s19 =	simm.s32 @!p1 $0x2000  }
0x22: {  	[tilespmem:s16], [sflag:$0x1] =	stream.strided.gather @!p1 [hbm4b:s17+s18], $0x4000, s19, s18, $0x38;
	[tilespmem:$0x10000] =	vst v63  }
0x23: {  	p1 =	seq.s32 s7, $0x0  }
0x24: {  	p2 =	seq.s32 @!p1 s7, $0x11  }
0x25: {  	p1 =	por p1, p2  }
.Ltmp2:
0x26: {  	_ = 	snop;
	(pc) =	sbr.rel @p1 .LBB1_7-.Ltmp2, $1  }
0x27: {  	_ =	sdelay $0x3  }
0x28: {  	s16 =	simm.s32 $0x1  }
0x29: {  	_ =	swait.ge [sflag:s4], $0x4000;
	s31 =	sshll.u32 s7, $0xE;
	p1 =	por $0x0, $0x0  }
0x2a: {  	s22 =	simm.s32 $0x0;
	s23 =	simm.s32 $0x0;
	s16 =	simm.s32 @!p0 $0x0  }
0x2b: {  	[sflag:s4] =	ssyncset.done $0x0;
	s19 =	sand.u32 $0x4000, s31;
	s16 =	sshll.u32 s16, $0x10  }
0x2c: {  	[sflag:s4] =	ssyncadd.s32 $0xFFFFC000;
	s20 =	sshrl.u32 s16, $0x2;
	s16 =	sor.u32 $0x8000, s19  }
0x2d: {  	s17 =	sor.u32 $0x40, s20;
	s18 =	sor.u32 $0x8410, s20;
	s20 =	sadd.s32 $0x8400, s20  }
.LBB1_3:
0x2e: {  	v1 =	vld [tilespmem:s17+$0xFFFFFFD0]  }
0x2f: {  	v2 =	vld [tilespmem:s17+$0x430]  }
0x30: {  	s24 =	sshll.u32 s23, $0xB;
	v4 =	vld [tilespmem:s17+$0xFFFFFFE0]  }
0x31: {  	v7 =	vld [tilespmem:s17+$0xFFFFFFF0];
	v0 =	vmov s24  }
0x32: {  	v8 =	vld [tilespmem:s17+$0x0]  }
0x33: {  	s30 =	sand.u32 $0x300, s21;
	v9 =	vld [tilespmem:s17+$0x10]  }
0x34: {  	s25 =	sand.u32 $0x80, s21;
	v10 =	vld [tilespmem:s17+$0x20];
	s24 =	sadd.s32 s30, s19  }
0x35: {  	v11 =	vld [tilespmem:s17+$0x30];
	s24 =	sadd.s32 s25, s24;
	s25 =	simm.s32 $0x1;
	[tilespmem:s18+$0x60] =	vst v2  }
0x36: {  	s31 =	sshll.u32 s22, $0x2;
	s25 =	simm.s32 @!p1 $0x0;
	[tilespmem:s18+$0xFFFFFC00] =	vst v1;
	v3 =	vld.idx.msk [tilespmem:v0+s24+$0x400 ss:$0x1], $0xffff  }
0x37: {  	v6 =	vld [tilespmem:s17+$0x3D0];
	s25 =	sshll.u32 s25, $0x9;
	[tilespmem:s18+$0xFFFFFC10] =	vst v4;
	s24 =	sand.u32 $0xFFFFFC00, s31  }
0x38: {  	v5 =	vld [tilespmem:s17+$0x3E0];
	[tilespmem:s18+$0xFFFFFC20] =	vst v7;
	s24 =	sor.u32 s25, s24  }
0x39: {  	[tilespmem:s18+$0xFFFFFC30] =	vst v8;
	v4 =	vld [tilespmem:s17+$0x400];
	s24 =	sshrl.u32 s24, $0x2  }
0x3a: {  	[tilespmem:s18+$0xFFFFFC40] =	vst v9;
	v1 =	vld [tilespmem:s17+$0x410];
	s24 =	sadd.s32 s24, s20  }
0x3b: {  	[tilespmem:s24+$0x0] =	vst v3;
	v3 =	vld [tilespmem:s17+$0x3F0]  }
0x3c: {  	s28 =	simm.s32 $0x80;
	s27 =	simm.s32 $0x100;
	[tilespmem:s18+$0xFFFFFC50] =	vst v10;
	v2 =	vld [tilespmem:s17+$0x420]  }
0x3d: {  	s26 =	smov.u32 s18;
	s29 =	sand.u32 $0x300, s28;
	v7 =	vld [tilespmem:s17+$0xFFFFFFC0];
	[tilespmem:s18+$0xFFFFFC60] =	vst v11;
	s25 =	sadd.s32 $0x80, s17  }
.LBB1_4:
0x3e: {  	p2 =	sne.s32 s27, $0x380;
	v8 =	vld [tilespmem:s25+$0xFFFFFFD0];
	s28 =	sand.u32 $0x80, s28;
	s29 =	sadd.s32 s29, s19;
	[tilespmem:s26+$0x0] =	vst v6  }
0x3f: {  	s29 =	sadd.s32 s28, s29;
	v6 =	vld [tilespmem:s25+$0x430];
	[tilespmem:s26+$0x10] =	vst v5;
	s28 =	smov.u32 s27  }
0x40: {  	v5 =	vld.idx.msk [tilespmem:v0+s29+$0x400 ss:$0x1], $0xffff;
	[tilespmem:s26+$0x20] =	vst v3  }
0x41: {  	v3 =	vld [tilespmem:s25+$0xFFFFFFE0];
	[tilespmem:s26+$0x30] =	vst v4  }
0x42: {  	v4 =	vld [tilespmem:s25+$0xFFFFFFF0];
	[tilespmem:s26+$0xFFFFFBF0] =	vst v7  }
0x43: {  	v7 =	vld [tilespmem:s25+$0x0];
	[tilespmem:s26+$0x40] =	vst v1  }
0x44: {  	v1 =	vld [tilespmem:s25+$0x10];
	[tilespmem:s26+$0x50] =	vst v2;
	s26 =	sadd.s32 $0x800, s26  }
0x45: {  	s24 =	sadd.s32 $0x800, s24;
	v2 =	vld [tilespmem:s25+$0x20];
	[tilespmem:s26+$0x60] =	vst v6  }
0x46: {  	v9 =	vld [tilespmem:s25+$0x30];
	[tilespmem:s24+$0x0] =	vst v5  }
0x47: {  	[tilespmem:s26+$0xFFFFFC00] =	vst v8;
	v6 =	vld [tilespmem:s25+$0x3D0]  }
0x48: {  	[tilespmem:s26+$0xFFFFFC10] =	vst v3;
	v5 =	vld [tilespmem:s25+$0x3E0]  }
.Ltmp3:
0x49: {  	[tilespmem:s26+$0xFFFFFC20] =	vst v4;
	v3 =	vld [tilespmem:s25+$0x3F0];
	(pc) =	sbr.rel @p2 .LBB1_4-.Ltmp3, $4  }
0x4a: {  	[tilespmem:s26+$0xFFFFFC30] =	vst v7;
	v4 =	vld [tilespmem:s25+$0x400]  }
0x4b: {  	[tilespmem:s26+$0xFFFFFC40] =	vst v1;
	v1 =	vld [tilespmem:s25+$0x410]  }
0x4c: {  	[tilespmem:s26+$0xFFFFFC50] =	vst v2;
	v2 =	vld [tilespmem:s25+$0x420]  }
0x4d: {  	s27 =	sadd.s32 $0x80, s27;
	s29 =	sand.u32 $0x300, s28;
	v7 =	vld [tilespmem:s25+$0xFFFFFFC0];
	[tilespmem:s26+$0xFFFFFC60] =	vst v9;
	s25 =	sadd.s32 $0x80, s25  }
0x4e: {  	[tilespmem:s26+$0x0] =	vst v6  }
0x4f: {  	[tilespmem:s26+$0x10] =	vst v5  }
0x50: {  	v49 =	vld [tilespmem:s25+$0x430];
	[tilespmem:s26+$0x20] =	vst v3  }
0x51: {  	v50 =	vld [tilespmem:s25+$0xFFFFFFD0];
	[tilespmem:s26+$0x30] =	vst v4  }
0x52: {  	v51 =	vld [tilespmem:s25+$0xFFFFFFE0];
	[tilespmem:s26+$0x40] =	vst v1  }
0x53: {  	v52 =	vld [tilespmem:s25+$0xFFFFFFF0];
	[tilespmem:s26+$0x50] =	vst v2  }
0x54: {  	s31 =	sadd.s32 $0x800, s26;
	v53 =	vld [tilespmem:s25+$0x0];
	[tilespmem:s26+$0xFFFFFBF0] =	vst v7  }
0x55: {  	v54 =	vld [tilespmem:s25+$0x10];
	[tilespmem:s31+$0x60] =	vst v49  }
0x56: {  	v55 =	vld [tilespmem:s25+$0x20];
	[tilespmem:s31+$0xFFFFFC00] =	vst v50  }
0x57: {  	v56 =	vld [tilespmem:s25+$0x30];
	[tilespmem:s31+$0xFFFFFC10] =	vst v51  }
0x58: {  	v57 =	vld [tilespmem:s25+$0x3D0];
	[tilespmem:s31+$0xFFFFFC20] =	vst v52  }
0x59: {  	v58 =	vld [tilespmem:s25+$0x3E0];
	[tilespmem:s31+$0xFFFFFC30] =	vst v53  }
0x5a: {  	v59 =	vld [tilespmem:s25+$0x3F0];
	[tilespmem:s31+$0xFFFFFC40] =	vst v54  }
0x5b: {  	v60 =	vld [tilespmem:s25+$0x400];
	[tilespmem:s31+$0xFFFFFC50] =	vst v55  }
0x5c: {  	v61 =	vld [tilespmem:s25+$0xFFFFFFC0];
	[tilespmem:s31+$0xFFFFFC60] =	vst v56  }
0x5d: {  	s27 =	sand.u32 $0x80, s28;
	s30 =	sadd.s32 s29, s19;
	v62 =	vld [tilespmem:s25+$0x410];
	[tilespmem:s31+$0x0] =	vst v57  }
0x5e: {  	v63 =	vld [tilespmem:s25+$0x420];
	s23 =	sadd.s32 $0x1, s23;
	s27 =	sadd.s32 s27, s30;
	[tilespmem:s31+$0x10] =	vst v58  }
0x5f: {  	p2 =	sne.s32 s23, $0x8;
	v0 =	vld.idx.msk [tilespmem:v0+s27+$0x400 ss:$0x1], $0xffff;
	[tilespmem:s31+$0x20] =	vst v59  }
.Ltmp4:
0x60: {  	[tilespmem:s31+$0x30] =	vst v60;
	(pc) =	sbr.rel @p2 .LBB1_3-.Ltmp4, $4  }
0x61: {  	[tilespmem:s31+$0xFFFFFBF0] =	vst v61  }
0x62: {  	[tilespmem:s31+$0x40] =	vst v62  }
0x63: {  	s24 =	sadd.s32 $0x800, s24;
	s17 =	sadd.s32 $0x800, s17;
	[tilespmem:s31+$0x50] =	vst v63  }
0x64: {  	s22 =	sadd.s32 $0x80, s22;
	p1 =	por !p1, !p1;
	s18 =	sadd.s32 $0x80, s18;
	[tilespmem:s24+$0x0] =	vst v0  }
0x65: {  	s15 =	sshll.u32 s15, $0x7;
	s17 =	sand.u32 $0x78, s12  }
0x66: {  	s14 =	sshll.u32 s14, $0xD;
	s13 =	sshll.u32 s13, $0xA;
	s29 =	sand.u32 $0x380, s12  }
.Ltmp5:
0x67: {  	s15 =	sand.u32 $0x380, s15;
	s14 =	sadd.s32 s3, s14;
	(pc) =	sbr.rel .LBB1_7-.Ltmp5, $4  }
0x68: {  	s30 =	sand.u32 $0x7, s12;
	s15 =	sor.u32 s15, s17;
	s13 =	sadd.s32 s13, s14  }
0x69: {  	s12 =	sshll.u32 s30, $0x12;
	s31 =	sshrl.u32 s15, $0x3;
	s13 =	sadd.s32 s29, s13  }
0x6a: {  	s12 =	sor.u32 $0x800, s12;
	s13 =	sadd.s32 s31, s13  }
0x6b: {  	[hbm4b:s13+s12] =	stream.strided.scatter [tilespmem:s16], [sflag:$0x2], $0x4000, s6, s12, $0x38;
	[tilespmem:$0x10000] =	vst v63  }
.LBB1_8:
0x6c: {  	_ =	sfence.sel $0x180000  }
0x6d: {  	s2 =	simm.s32 $0x1;
	[bflag:$0x0] =	sbarrier.arrive $0xFFFF  }
0x6e: {  	s31 =	simm.s32 $0x2;
	[sflag:s2] =	ssyncpa.u1 $0x1  }
0x6f: {  	[sflag:s31] =	ssyncpa.u1 $0x1  }
0x70: {  	p0 =	sne.s32 s1, $0x0;
	_ =	strace $0x9000004A  }
0x71: {  	s0 =	sadd.s32 @!p0 $0x100000, s0;
	[bflag:$0x2] =	sbarrier.arrive $0xFFFF  }
0x72: {  	[sflag:s0] =	ssyncadd.tile.s32 @!p0 $0x1;
	_ =	shalt  }
.Lfunc_end1:
_tile_overlayer_lowered:
.L_overlay_start_2:
0x73: {  	(tag) =	ssettag $0x2  }
0x74: {  	s0 =	rddreg [dreg:$0x0];
	s2 =	stileid.u32  }
0x75: {  	s1 =	rddreg [dreg:$0x1];
	p0 =	sne.s32 s2, $0x0  }
0x76: {  	s3 =	rddreg [dreg:$0x2];
	[bflag:$0x3] =	sbarrier.arrive $0xFFFF;
	s2 =	simm.s32 @!p0 $0x1C01  }
0x77: {  	[timem:s3], [sflag:s2] =	dma.local @!p0 [hbm:s0], s1  }
0x78: {  	s0 =	simm.s32 @!p0 $0x1  }
0x79: {  	_ =	swait.ge @!p0 [sflag:s0], s1  }
0x7a: {  	s1 =	ssub.s32 @!p0 $0x0, s1;
	[sflag:s0] =	ssyncset.done @!p0 $0x0  }
0x7b: {  	[sflag:s0] =	ssyncadd.s32 @!p0 s1  }
0x7c: {  	[bflag:$0x3] =	sbarrier.arrive $0xFFFF  }
0x7d: {  	_ =	shalt  }

// kernel: ungather_out.3.cloned.1.call-start
scs
__scs_entry_jumppad:
0x0: {  	(pc) =	sbr.rel $0x88, $3  }
0x1: {  	(tag) =	ssettag $0x0;
	lr =	simm.s32 $0x1  }
0x2: {  	[smem:$0x3F9D] =	sst lr;
	_ =	strace $0xD0000000  }
0x3: {  	_ = 	snop  }
0x4: {  	_ = 	snop  }
0x5: {  	_ = 	snop  }
0x6: {  	_ = 	snop  }
0x7: {  	_ = 	snop  }
__scs_overlays_trampoline_lowered:
0x8: {  	[smem:$0x3FAC] =	sst s0  }
0x9: {  	[smem:$0x3FAD] =	sst s1  }
0xa: {  	[smem:$0x3FAE] =	sst s2  }
0xb: {  	[smem:$0x3FAF] =	sst s3  }
0xc: {  	[smem:$0x3FB0] =	sst s4  }
0xd: {  	[smem:$0x3FB1] =	sst s5  }
0xe: {  	[smem:$0x3FB2] =	sst s6  }
0xf: {  	[smem:$0x3FB3] =	sst s7  }
0x10: {  	[smem:$0x3FB4] =	sst s8  }
0x11: {  	[smem:$0x3FB5] =	sst s9;
	s0 =	simm.s32 @!p0 $0x0  }
0x12: {  	s1 =	sld [smem:$0x3F9B];
	s0 =	simm.s32 @p0 $0x1  }
0x13: {  	[smem:$0x3FB6] =	sst s0;
	s0 =	simm.s32 @!p1 $0x0  }
0x14: {  	s2 =	sld [smem:$0x3F9A];
	s0 =	simm.s32 @p1 $0x1  }
0x15: {  	[smem:$0x3FB7] =	sst s0;
	s0 =	simm.s32 @!p2 $0x0  }
0x16: {  	s3 =	sld [smem:$0x3FDB];
	s0 =	simm.s32 @p2 $0x1  }
0x17: {  	s4 =	simm.s32 $0x1BF5;
	[smem:$0x3FB9] =	sst s0  }
0x18: {  	s0 =	sld [smem:$0x3F9C];
	_ =	swait.ge [sflag:s4], $0x0  }
0x19: {  	s7 =	sld [smem:$0x3F9D]  }
0x1a: {  	s8 =	sadd.s32 $0xFFFFE003, lr  }
0x1b: {  	s9 =	sadd.s32 $0xFFFFFEF7, lr;
	s5 =	simm.s32 $0xFFFFFFFF;
	p2 =	slt.u32 s8, $0xFFFFF086  }
0x1c: {  	p1 =	slt.u32 s9, $0xF7A;
	s5 =	simm.s32 @!p2 $0x0  }
0x1d: {  	s5 =	simm.s32 @p1 $0x1;
	p0 =	seq.s32 s7, s2  }
0x1e: {  	s7 =	smul.u32 @!p0 $0xF7A, s2;
	p2 =	seq.s32 @!p0 s5, $0x0  }
0x1f: {  	s9 =	smul.u32 $0xF7A, s1;
	s8 =	simm.s32 @!p0 $0x1BF5;
	p2 =	por !p2, p0  }
0x20: {  	[sflag:s8] =	ssyncset.s32 @!p0 $0xFFFFF086;
	s6 =	sadd.s32 @!p0 s3, s7;
	s7 =	simm.s32 @!p0 $0x108  }
0x21: {  	s3 =	sadd.s32 s3, s9;
	s6 =	sadd.s32 @!p0 $0x88, s6;
	s7 =	simm.s32 @p2 $0x1082  }
0x22: {  	[simem:s7], [sflag:s8] =	dma.local @!p0 [hbm:s6], $0xF7A  }
0x23: {  	s9 =	sor.u32 $0xD0000000, s2;
	s6 =	simm.s32 $0x108;
	_ =	swait.ge @!p0 [sflag:s8], $0x0  }
0x24: {  	s3 =	sadd.s32 $0x88, s3;
	s6 =	simm.s32 @!p1 $0x1082;
	[sflag:s4] =	ssyncset.s32 $0xFFFFF086  }
0x25: {  	[simem:s6], [sflag:s4] =	dma.local [hbm:s3], $0xF7A  }
0x26: {  	[smem:$0x3F9D] =	sst s1;
	(tag) =	ssettag s2;
	_ =	strace s9  }
0x27: {  	s1 =	sld [smem:$0x3FAD]  }
0x28: {  	s2 =	sld [smem:$0x3FAE]  }
0x29: {  	s4 =	sld [smem:$0x3FB0]  }
0x2a: {  	p0 =	seq.s32 s5, $0x0;
	s5 =	sld [smem:$0x3FB1]  }
0x2b: {  	s6 =	sld [smem:$0x3FB2]  }
0x2c: {  	s7 =	sld [smem:$0x3FB3]  }
0x2d: {  	s3 =	simm.s32 $0x108;
	s8 =	sld [smem:$0x3FB4]  }
0x2e: {  	s3 =	simm.s32 @!p0 $0x1082;
	s9 =	sld [smem:$0x3FB5]  }
0x2f: {  	lr =	sadd.s32 s0, s3;
	s0 =	sld [smem:$0x3FAC]  }
0x30: {  	s3 =	sld [smem:$0x3FAF]  }
0x31: {  	[smem:$0x3FB8] =	sst s10  }
0x32: {  	s10 =	sld [smem:$0x3FB6];
	_ =	sdelay $0x3  }
0x33: {  	p0 =	seq.s32 s10, $0x1;
	s10 =	sld [smem:$0x3FB8];
	_ =	sdelay $0x3  }
0x34: {  	[smem:$0x3FB8] =	sst s10  }
0x35: {  	s10 =	sld [smem:$0x3FB7];
	_ =	sdelay $0x3  }
0x36: {  	p1 =	seq.s32 s10, $0x1;
	s10 =	sld [smem:$0x3FB8];
	_ =	sdelay $0x3  }
0x37: {  	[smem:$0x3FB8] =	sst s10  }
0x38: {  	s10 =	sld [smem:$0x3FB9]  }
0x39: {  	_ = 	snop;
	(pc) =	sbr.ind lr, $3  }
0x3a: {  	_ = 	snop  }
0x3b: {  	_ = 	snop  }
0x3c: {  	p2 =	seq.s32 s10, $0x1;
	s10 =	sld [smem:$0x3FB8]  }
0x3d: {  	_ =	shalt  }
0x3e: {  	_ =	shalt  }
0x3f: {  	_ =	shalt  }
0x40: {  	_ =	shalt  }
0x41: {  	_ =	shalt  }
0x42: {  	_ =	shalt  }
0x43: {  	_ =	shalt  }
0x44: {  	_ =	shalt  }
0x45: {  	_ =	shalt  }
0x46: {  	_ =	shalt  }
0x47: {  	_ =	shalt  }
0x48: {  	_ =	shalt  }
0x49: {  	_ =	shalt  }
0x4a: {  	_ =	shalt  }
0x4b: {  	_ =	shalt  }
0x4c: {  	_ =	shalt  }
0x4d: {  	_ =	shalt  }
0x4e: {  	_ =	shalt  }
0x4f: {  	_ =	shalt  }
0x50: {  	_ =	shalt  }
0x51: {  	_ =	shalt  }
0x52: {  	_ =	shalt  }
0x53: {  	_ =	shalt  }
0x54: {  	_ =	shalt  }
0x55: {  	_ =	shalt  }
0x56: {  	_ =	shalt  }
0x57: {  	_ =	shalt  }
0x58: {  	_ =	shalt  }
0x59: {  	_ =	shalt  }
0x5a: {  	_ =	shalt  }
0x5b: {  	_ =	shalt  }
0x5c: {  	_ =	shalt  }
0x5d: {  	_ =	shalt  }
0x5e: {  	_ =	shalt  }
0x5f: {  	_ =	shalt  }
0x60: {  	_ =	shalt  }
0x61: {  	_ =	shalt  }
0x62: {  	_ =	shalt  }
0x63: {  	_ =	shalt  }
0x64: {  	_ =	shalt  }
0x65: {  	_ =	shalt  }
0x66: {  	_ =	shalt  }
0x67: {  	_ =	shalt  }
0x68: {  	_ =	shalt  }
0x69: {  	_ =	shalt  }
0x6a: {  	_ =	shalt  }
0x6b: {  	_ =	shalt  }
0x6c: {  	_ =	shalt  }
0x6d: {  	_ =	shalt  }
0x6e: {  	_ =	shalt  }
0x6f: {  	_ =	shalt  }
0x70: {  	_ =	shalt  }
0x71: {  	_ =	shalt  }
0x72: {  	_ =	shalt  }
0x73: {  	_ =	shalt  }
0x74: {  	_ =	shalt  }
0x75: {  	_ =	shalt  }
0x76: {  	_ =	shalt  }
0x77: {  	_ =	shalt  }
0x78: {  	_ =	shalt  }
0x79: {  	_ =	shalt  }
0x7a: {  	_ =	shalt  }
0x7b: {  	_ =	shalt  }
0x7c: {  	_ =	shalt  }
0x7d: {  	_ =	shalt  }
0x7e: {  	_ =	shalt  }
0x7f: {  	_ =	shalt  }
0x80: {  	_ =	shalt  }
0x81: {  	_ =	shalt  }
0x82: {  	_ =	shalt  }
0x83: {  	_ =	shalt  }
0x84: {  	_ =	shalt  }
0x85: {  	_ =	shalt  }
0x86: {  	_ =	shalt  }
0x87: {  	_ =	shalt  }
.Lfunc_end0:
.L_simem_size_0:
called_computation.3_lowered:
.L_overlay_start_0:
0x88: {  	s2 =	sld [smem:$0x3FD9]  }
0x89: {  	s3 =	sld [smem:$0x3FFE];
	_ =	sdelay $0x1  }
0x8a: {  	s1 =	srdreg.scid  }
0x8b: {  	s0 =	sand.u32 $0x1, s1  }
0x8c: {  	s16 =	sshll.u32 s0, $0xA;
	s2 =	sadd.s32 s3, s2  }
0x8d: {  	s2 =	sadd.s32 s2, s16  }
0x8e: {  	[smem:$0x3FC4] =	sst s2  }
0x8f: {  	_ = 	snop  }
0x90: {  	(tm) =	ssettm $0x1  }
0x91: {  	s17 =	sld [smem:$0x3FFB];
	_ =	sdelay $0x3  }
0x92: {  	_ =	strace s17  }
0x93: {  	s2 =	sld [smem:$0x3FFC];
	_ =	sdelay $0x3  }
0x94: {  	_ =	strace s2  }
0x95: {  	s2 =	sld [smem:$0x3FFD];
	_ =	sdelay $0x3  }
0x96: {  	_ =	strace s2  }
0x97: {  	_ =	strace $0x8FFFFFFF  }
0x98: {  	s18 =	sld [smem:$0x3FDB];
	_ =	sdelay $0x1  }
0x99: {  	s19 =	simm.s32 $_scs_section_size  }
0x9a: {  	s4 =	simm.s32 $_size__tile_overlayer_lowered;
	s5 =	simm.s32 $_tile_overlayer_lowered  }
0x9b: {  	s22 =	simm.s32 $0x1BFF;
	s21 =	sshll.u32 s5, $0x1;
	s2 =	sadd.s32 s19, s18  }
0x9c: {  	s6 =	simm.s32 $0x0;
	s20 =	sshll.u32 s4, $0x1;
	s4 =	sadd.s32 s21, s2  }
0x9d: {  	[timem:s6], [sflag:s22] =	dma.local [hbm:s4], s20  }
0x9e: {  	_ =	swait.ge [sflag:s22], s20  }
0x9f: {  	s3 =	ssub.s32 $0x0, s20;
	[sflag:s22] =	ssyncset.done $0x0  }
0xa0: {  	[sflag:s22] =	ssyncadd.s32 s3;
	_ =	sdelay $0x1  }
0xa1: {  	s23 =	simm.s32 $0x1B8B  }
0xa2: {  	_ =	swait.ge [sflag:s23], $0x1  }
0xa3: {  	[sflag:s23] =	ssyncset.done $0x0  }
0xa4: {  	s25 =	simm.s32 $0x1B8E;
	s24 =	sld [smem:$0x3FFE];
	[sflag:s23] =	ssyncadd.s32 $0xFFFFFFFF  }
0xa5: {  	s26 =	simm.s32 $execute0_lowered;
	[smem:$0x3FD2] =	sst s25  }
0xa6: {  	s4 =	sshll.u32 s26, $0x1;
	_ =	strace $0x8000004F;
	[dreg:$0x1] =	wrdreg $0xFFFFFFFF  }
0xa7: {  	s28 =	simm.s32 $_size_execute0_lowered;
	s2 =	sadd.s32 s2, s4;
	[dreg:$0x0] =	wrdreg $0x0  }
0xa8: {  	s4 =	sshll.u32 s28, $0x1;
	[dreg:$0x2] =	wrdreg s2  }
0xa9: {  	[dreg:$0x3] =	wrdreg s4  }
0xaa: {  	[dreg:$0x4] =	wrdreg $0xC0  }
0xab: {  	_ =	task [dreg:s6], $0x5FFFF  }
0xac: {  	[dreg:$0x1] =	wrdreg $0xFFFFFFFF  }
0xad: {  	[dreg:$0x0] =	wrdreg $0x60  }
0xae: {  	[dreg:$0x2] =	wrdreg s24  }
0xaf: {  	[dreg:$0x3] =	wrdreg $0x9  }
0xb0: {  	_ =	task.clear_ibuf [dreg:s6], $0x4FFFF;
	_ =	strace $0x9000004F  }
0xb1: {  	s29 =	simm.s32 $0x9;
	_ =	strace $0x80000051  }
0xb2: {  	_ =	swait.ge [sflag:s29], $0x1  }
0xb3: {  	[sflag:s29] =	ssyncadd.s32 $0xFFFFFFFF  }
0xb4: {  	_ =	strace $0x90000051  }
0xb5: {  	_ =	sfence  }
0xb6: {  	s30 =	sld [smem:$0x0];
	_ =	sdelay $0x2  }
0xb7: {  	s31 =	sshll.u32 s1, $0xD;
	s1 =	sshrl.u32 s1, $0x2  }
0xb8: {  	s3 =	sand.u32 $0x4000, s31;
	s1 =	sadd.s32 s1, s30  }
0xb9: {  	s0 =	sor.u32 s3, s0;
	s1 =	sshll.u32 s1, $0x11  }
0xba: {  	s0 =	sor.u32 s1, s0  }
0xbb: {  	s0 =	sadd.s32 $0x8F2B, s0  }
0xbc: {  	[sflag:s0] =	ssyncadd.remote.s32 $0x1  }
0xbd: {  	_ =	sfence.sel $0xFFFF  }
0xbe: {  	[dreg:$0x0] =	wrdreg $0xFFFFFFFF;
	(pc) =	sbr.abs _section_cstart, $3  }
0xbf: {  	[dreg:$0x1] =	wrdreg $0xFFFFFFFF  }
0xc0: {  	_ =	task.clear_ibuf [dreg:s6], $0x2FFFF;
	_ =	strace $0x9FFFFFFF  }
0xc1: {  	(tm) =	ssettm $0x7FFFFFFF  }
tec
execute0_lowered:
.L_overlay_start_1:
0x0: {  	(tag) =	ssettag $0x1  }
0x1: {  	s0 =	srdreg.scid;
	s1 =	stileid.u32  }
0x2: {  	s3 =	rddreg [dreg:$0x0];
	s10 =	simm.s32 $0x100;
	s18 =	simm.s32 $0x1  }
0x3: {  	s19 =	simm.s32 $0x3;
	s28 =	simm.s32 $0x2100;
	s29 =	simm.s32 $0x2900  }
0x4: {  	s30 =	simm.s32 $0x3100;
	s31 =	simm.s32 $0x3900;
	s16 =	simm.s32 $0x4900  }
0x5: {  	s9 =	simm.s32 $0x5900;
	s11 =	simm.s32 $0x6100;
	s0 =	sand.u32 $0x1, s0  }
0x6: {  	s12 =	simm.s32 $0x6900;
	s1 =	sshll.u32 s1, $0x9;
	s2 =	sshll.u32 s0, $0x8  }
0x7: {  	s13 =	simm.s32 $0x7100;
	s14 =	simm.s32 $0x7900;
	s1 =	sor.u32 s2, s1  }
0x8: {  	s2 =	simm.s32 $0x0;
	s4 =	sshrl.u32 s1, $0x3;
	s1 =	sshll.u32 s1, $0x7  }
0x9: {  	[smem:$0x7FF] =	sst s2;
	s4 =	sadd.s32 s4, s3;
	s8 =	sadd.s32 s3, s1  }
0xa: {  	_ =	strace $0x80000050;
	s5 =	sadd.s32 $0x120800, s4;
	[dreg:$0xa] =	wrdreg s8  }
0xb: {  	s6 =	sadd.s32 $0x260E00, s3;
	s1 =	sadd.s32 $0x1000, s8;
	[dreg:$0x2] =	wrdreg s5  }
0xc: {  	s7 =	sadd.s32 $0x260F00, s3;
	s20 =	sadd.s32 $0x2000, s8;
	[dreg:$0x3] =	wrdreg s1  }
0xd: {  	s0 =	ssub.s32 $0x2, s0;
	s22 =	sadd.s32 $0x3000, s8;
	[dreg:$0x4] =	wrdreg s20  }
0xe: {  	s21 =	sshrl.u32 s0, $0x1;
	s23 =	sadd.s32 $0x4000, s8;
	[dreg:$0x5] =	wrdreg s22  }
0xf: {  	s0 =	ssub.s32 s0, s21;
	s24 =	sadd.s32 $0x5000, s8;
	[dreg:$0x6] =	wrdreg s23  }
0x10: {  	s21 =	simm.s32 $0x4;
	s25 =	sadd.s32 $0x6000, s8;
	[dreg:$0x7] =	wrdreg s24  }
0x11: {  	s4 =	sadd.s32 $0x260C00, s3;
	s26 =	sadd.s32 $0x7000, s8;
	[dreg:$0x8] =	wrdreg s25  }
0x12: {  	v2 =	vlaneseq.u32;
	s8 =	smax.u32 s0, $0x1;
	s5 =	sadd.s32 $0x260D00, s3;
	[dreg:$0x9] =	wrdreg s26  }
0x13: {  	vm0 =	vmmov $0xffff;
	v1 =	vshrl.u32 v2, $0x3;
	s26 =	simm.s32 $0x8100;
	s20 =	simm.s32 $0x2;
	s23 =	simm.s32 $0x900  }
0x14: {  	v0 =	vand.u32 $0x7, v2;
	v2 =	vor.u32 $0x8, v2;
	v1 =	vmul.u32 $0x8, v1;
	s24 =	simm.s32 $0x1100;
	s25 =	simm.s32 $0x1900;
	s3 =	simm.s32 $0x5100  }
.LBB2_1:
0x15: {  	s22 =	rddreg [dreg:$0x2];
	s15 =	simm.s32 $0x5  }
0x16: {  	[tilespmem:s2], [sflag:$0x5] =	stream.linear.gather [hbm4b:s22+s2], $0x100, $0x38;
	[tilespmem:$0x10100] =	vst v63  }
0x17: {  	_ =	swait.ge [sflag:s15], $0x100  }
0x18: {  	[sflag:s15] =	ssyncset.done $0x0  }
0x19: {  	[sflag:s15] =	ssyncadd.s32 $0xFFFFFF00  }
0x1a: {  	v3 =	vld [tilespmem:$0x0];
	_ =	sdelay $0x4  }
0x1b: {  	v4 =	vshll.u32 v3, $0x3  }
0x1c: {  	v3 =	vand.u32 $0x7, v3;
	v4 =	vand.u32 $0xFFFFFFC0, v4  }
0x1d: {  	v3 =	vor.u32 v3, v4  }
0x1e: {  	v4 =	vperm.xlane v3, v0;
	_ =	sdelay $0x1  }
0x1f: {  	v4 =	vadd.s32 v1, v4;
	_ =	sdelay $0x4  }
0x20: {  	[tilespmem:s10], [sflag:$0x1] =	stream.indirect_vreg.gather [hbm4b:s4+s2], $0x80, v4, vm0, $0xb8;
	[tilespmem:$0x10100] =	vst v63  }
0x21: {  	v3 =	vperm.xlane v3, v2  }
0x22: {  	[tilespmem:s23], [sflag:$0x1] =	stream.indirect_vreg.gather [hbm4b:s5+s2], $0x80, v4, vm0, $0xb8;
	[tilespmem:$0x10100] =	vst v63  }
0x23: {  	v3 =	vadd.s32 v1, v3  }
0x24: {  	[tilespmem:s24], [sflag:$0x1] =	stream.indirect_vreg.gather [hbm4b:s6+s2], $0x80, v4, vm0, $0xb8;
	[tilespmem:$0x10100] =	vst v63  }
0x25: {  	_ = 	snop  }
0x26: {  	[tilespmem:s25], [sflag:$0x1] =	stream.indirect_vreg.gather [hbm4b:s7+s2], $0x80, v4, vm0, $0xb8;
	[tilespmem:$0x10100] =	vst v63  }
0x27: {  	_ = 	snop  }
0x28: {  	[tilespmem:s28], [sflag:$0x1] =	stream.indirect_vreg.gather [hbm4b:s4+s2], $0x80, v3, vm0, $0xb8;
	[tilespmem:$0x10100] =	vst v63  }
0x29: {  	_ = 	snop  }
0x2a: {  	[tilespmem:s29], [sflag:$0x1] =	stream.indirect_vreg.gather [hbm4b:s5+s2], $0x80, v3, vm0, $0xb8;
	[tilespmem:$0x10100] =	vst v63  }
0x2b: {  	_ = 	snop  }
0x2c: {  	[tilespmem:s30], [sflag:$0x1] =	stream.indirect_vreg.gather [hbm4b:s6+s2], $0x80, v3, vm0, $0xb8;
	[tilespmem:$0x10100] =	vst v63  }
0x2d: {  	_ = 	snop  }
0x2e: {  	[tilespmem:s31], [sflag:$0x1] =	stream.indirect_vreg.gather [hbm4b:s7+s2], $0x80, v3, vm0, $0xb8;
	[tilespmem:$0x10100] =	vst v63  }
0x2f: {  	v3 =	vld [tilespmem:$0x10];
	_ =	sdelay $0x4  }
0x30: {  	v49 =	vshll.u32 v3, $0x3  }
0x31: {  	v3 =	vand.u32 $0x7, v3;
	v4 =	vand.u32 $0xFFFFFFC0, v49  }
0x32: {  	v3 =	vor.u32 v3, v4  }
0x33: {  	v4 =	vperm.xlane v3, v0;
	_ =	sdelay $0x1  }
0x34: {  	v4 =	vadd.s32 v1, v4;
	_ =	sdelay $0x3  }
0x35: {  	s1 =	simm.s32 $0x4100  }
0x36: {  	[tilespmem:s1], [sflag:$0x1] =	stream.indirect_vreg.gather [hbm4b:s4+s2], $0x80, v4, vm0, $0xb8;
	[tilespmem:$0x10100] =	vst v63  }
0x37: {  	v3 =	vperm.xlane v3, v2  }
0x38: {  	[tilespmem:s16], [sflag:$0x1] =	stream.indirect_vreg.gather [hbm4b:s5+s2], $0x80, v4, vm0, $0xb8;
	[tilespmem:$0x10100] =	vst v63  }
0x39: {  	v3 =	vadd.s32 v1, v3  }
0x3a: {  	[tilespmem:s3], [sflag:$0x1] =	stream.indirect_vreg.gather [hbm4b:s6+s2], $0x80, v4, vm0, $0xb8;
	[tilespmem:$0x10100] =	vst v63  }
0x3b: {  	_ = 	snop  }
0x3c: {  	[tilespmem:s9], [sflag:$0x1] =	stream.indirect_vreg.gather [hbm4b:s7+s2], $0x80, v4, vm0, $0xb8;
	[tilespmem:$0x10100] =	vst v63  }
0x3d: {  	_ = 	snop  }
0x3e: {  	[tilespmem:s11], [sflag:$0x1] =	stream.indirect_vreg.gather [hbm4b:s4+s2], $0x80, v3, vm0, $0xb8;
	[tilespmem:$0x10100] =	vst v63  }
0x3f: {  	_ = 	snop  }
0x40: {  	[tilespmem:s12], [sflag:$0x1] =	stream.indirect_vreg.gather [hbm4b:s5+s2], $0x80, v3, vm0, $0xb8;
	[tilespmem:$0x10100] =	vst v63  }
0x41: {  	_ = 	snop  }
0x42: {  	[tilespmem:s13], [sflag:$0x1] =	stream.indirect_vreg.gather [hbm4b:s6+s2], $0x80, v3, vm0, $0xb8;
	[tilespmem:$0x10100] =	vst v63  }
0x43: {  	_ = 	snop  }
0x44: {  	[tilespmem:s14], [sflag:$0x1] =	stream.indirect_vreg.gather [hbm4b:s7+s2], $0x80, v3, vm0, $0xb8;
	[tilespmem:$0x10100] =	vst v63  }
0x45: {  	v3 =	vld [tilespmem:$0x20];
	_ =	sdelay $0x4  }
0x46: {  	v50 =	vshll.u32 v3, $0x3  }
0x47: {  	v3 =	vand.u32 $0x7, v3;
	v4 =	vand.u32 $0xFFFFFFC0, v50  }
0x48: {  	v3 =	vor.u32 v3, v4  }
0x49: {  	v4 =	vperm.xlane v3, v0;
	_ =	sdelay $0x1  }
0x4a: {  	v4 =	vadd.s32 v1, v4;
	_ =	sdelay $0x4  }
0x4b: {  	[tilespmem:s26], [sflag:$0x2] =	stream.indirect_vreg.gather [hbm4b:s4+s2], $0x80, v4, vm0, $0xb8;
	[tilespmem:$0x10100] =	vst v63  }
0x4c: {  	s15 =	simm.s32 $0x8900;
	v3 =	vperm.xlane v3, v2  }
0x4d: {  	[tilespmem:s15], [sflag:$0x2] =	stream.indirect_vreg.gather [hbm4b:s5+s2], $0x80, v4, vm0, $0xb8;
	[tilespmem:$0x10100] =	vst v63  }
0x4e: {  	s17 =	simm.s32 $0x9100;
	v3 =	vadd.s32 v1, v3  }
0x4f: {  	[tilespmem:s17], [sflag:$0x2] =	stream.indirect_vreg.gather [hbm4b:s6+s2], $0x80, v4, vm0, $0xb8;
	[tilespmem:$0x10100] =	vst v63  }
0x50: {  	s22 =	simm.s32 $0x9900  }
0x51: {  	[tilespmem:s22], [sflag:$0x2] =	stream.indirect_vreg.gather [hbm4b:s7+s2], $0x80, v4, vm0, $0xb8;
	[tilespmem:$0x10100] =	vst v63  }
0x52: {  	s17 =	simm.s32 $0xA100  }
0x53: {  	[tilespmem:s17], [sflag:$0x2] =	stream.indirect_vreg.gather [hbm4b:s4+s2], $0x80, v3, vm0, $0xb8;
	[tilespmem:$0x10100] =	vst v63  }
0x54: {  	s15 =	simm.s32 $0xA900  }
0x55: {  	[tilespmem:s15], [sflag:$0x2] =	stream.indirect_vreg.gather [hbm4b:s5+s2], $0x80, v3, vm0, $0xb8;
	[tilespmem:$0x10100] =	vst v63  }
0x56: {  	s17 =	simm.s32 $0xB100  }
0x57: {  	[tilespmem:s17], [sflag:$0x2] =	stream.indirect_vreg.gather [hbm4b:s6+s2], $0x80, v3, vm0, $0xb8;
	[tilespmem:$0x10100] =	vst v63  }
0x58: {  	s15 =	simm.s32 $0xB900  }
0x59: {  	[tilespmem:s15], [sflag:$0x2] =	stream.indirect_vreg.gather [hbm4b:s7+s2], $0x80, v3, vm0, $0xb8;
	[tilespmem:$0x10100] =	vst v63  }
0x5a: {  	v3 =	vld [tilespmem:$0x30];
	_ =	sdelay $0x4  }
0x5b: {  	v51 =	vshll.u32 v3, $0x3  }
0x5c: {  	v3 =	vand.u32 $0x7, v3;
	v4 =	vand.u32 $0xFFFFFFC0, v51  }
0x5d: {  	v3 =	vor.u32 v3, v4  }
0x5e: {  	v4 =	vperm.xlane v3, v0;
	_ =	sdelay $0x1  }
0x5f: {  	v4 =	vadd.s32 v1, v4;
	_ =	sdelay $0x3  }
0x60: {  	s17 =	simm.s32 $0xC100  }
0x61: {  	[tilespmem:s17], [sflag:$0x2] =	stream.indirect_vreg.gather [hbm4b:s4+s2], $0x80, v4, vm0, $0xb8;
	[tilespmem:$0x10100] =	vst v63  }
0x62: {  	s22 =	simm.s32 $0xC900;
	v3 =	vperm.xlane v3, v2  }
0x63: {  	[tilespmem:s22], [sflag:$0x2] =	stream.indirect_vreg.gather [hbm4b:s5+s2], $0x80, v4, vm0, $0xb8;
	[tilespmem:$0x10100] =	vst v63  }
0x64: {  	v3 =	vadd.s32 v1, v3;
	s22 =	simm.s32 $0xD100  }
0x65: {  	[tilespmem:s22], [sflag:$0x2] =	stream.indirect_vreg.gather [hbm4b:s6+s2], $0x80, v4, vm0, $0xb8;
	[tilespmem:$0x10100] =	vst v63  }
0x66: {  	s22 =	simm.s32 $0xD900  }
0x67: {  	[tilespmem:s22], [sflag:$0x2] =	stream.indirect_vreg.gather [hbm4b:s7+s2], $0x80, v4, vm0, $0xb8;
	[tilespmem:$0x10100] =	vst v63  }
0x68: {  	s22 =	simm.s32 $0xE100  }
0x69: {  	[tilespmem:s22], [sflag:$0x2] =	stream.indirect_vreg.gather [hbm4b:s4+s2], $0x80, v3, vm0, $0xb8;
	[tilespmem:$0x10100] =	vst v63  }
0x6a: {  	s22 =	simm.s32 $0xE900  }
0x6b: {  	[tilespmem:s22], [sflag:$0x2] =	stream.indirect_vreg.gather [hbm4b:s5+s2], $0x80, v3, vm0, $0xb8;
	[tilespmem:$0x10100] =	vst v63  }
0x6c: {  	s22 =	simm.s32 $0xF100  }
0x6d: {  	[tilespmem:s22], [sflag:$0x2] =	stream.indirect_vreg.gather [hbm4b:s6+s2], $0x80, v3, vm0, $0xb8;
	[tilespmem:$0x10100] =	vst v63  }
0x6e: {  	s22 =	simm.s32 $0xF900  }
0x6f: {  	[tilespmem:s22], [sflag:$0x2] =	stream.indirect_vreg.gather [hbm4b:s7+s2], $0x80, v3, vm0, $0xb8;
	[tilespmem:$0x10100] =	vst v63  }
0x70: {  	_ =	swait.ge [sflag:s18], $0x8000  }
0x71: {  	[sflag:s18] =	ssyncset.done $0x0  }
0x72: {  	s22 =	rddreg [dreg:$0xa];
	[sflag:s18] =	ssyncadd.s32 $0xFFFF8000  }
0x73: {  	[hbm4b:s22+s2] =	stream.linear.scatter [tilespmem:s10], [sflag:$0x3], $0x8000, $0x38;
	[tilespmem:$0x10100] =	vst v63  }
0x74: {  	_ =	swait.ge [sflag:s19], $0x8000  }
0x75: {  	[sflag:s19] =	ssyncset.done $0x0  }
0x76: {  	[sflag:s19] =	ssyncadd.s32 $0xFFFF8000  }
0x77: {  	v3 =	vld [tilespmem:$0x40];
	_ =	sdelay $0x4  }
0x78: {  	v52 =	vshll.u32 v3, $0x3  }
0x79: {  	v3 =	vand.u32 $0x7, v3;
	v4 =	vand.u32 $0xFFFFFFC0, v52  }
0x7a: {  	v3 =	vor.u32 v3, v4  }
0x7b: {  	v4 =	vperm.xlane v3, v0;
	_ =	sdelay $0x1  }
0x7c: {  	v4 =	vadd.s32 v1, v4;
	_ =	sdelay $0x4  }
0x7d: {  	[tilespmem:s10], [sflag:$0x1] =	stream.indirect_vreg.gather [hbm4b:s4+s2], $0x80, v4, vm0, $0xb8;
	[tilespmem:$0x10100] =	vst v63  }
0x7e: {  	v3 =	vperm.xlane v3, v2  }
0x7f: {  	[tilespmem:s23], [sflag:$0x1] =	stream.indirect_vreg.gather [hbm4b:s5+s2], $0x80, v4, vm0, $0xb8;
	[tilespmem:$0x10100] =	vst v63  }
0x80: {  	v3 =	vadd.s32 v1, v3  }
0x81: {  	[tilespmem:s24], [sflag:$0x1] =	stream.indirect_vreg.gather [hbm4b:s6+s2], $0x80, v4, vm0, $0xb8;
	[tilespmem:$0x10100] =	vst v63  }
0x82: {  	_ = 	snop  }
0x83: {  	[tilespmem:s25], [sflag:$0x1] =	stream.indirect_vreg.gather [hbm4b:s7+s2], $0x80, v4, vm0, $0xb8;
	[tilespmem:$0x10100] =	vst v63  }
0x84: {  	_ = 	snop  }
0x85: {  	[tilespmem:s28], [sflag:$0x1] =	stream.indirect_vreg.gather [hbm4b:s4+s2], $0x80, v3, vm0, $0xb8;
	[tilespmem:$0x10100] =	vst v63  }
0x86: {  	_ = 	snop  }
0x87: {  	[tilespmem:s29], [sflag:$0x1] =	stream.indirect_vreg.gather [hbm4b:s5+s2], $0x80, v3, vm0, $0xb8;
	[tilespmem:$0x10100] =	vst v63  }
0x88: {  	_ = 	snop  }
0x89: {  	[tilespmem:s30], [sflag:$0x1] =	stream.indirect_vreg.gather [hbm4b:s6+s2], $0x80, v3, vm0, $0xb8;
	[tilespmem:$0x10100] =	vst v63  }
0x8a: {  	_ = 	snop  }
0x8b: {  	[tilespmem:s31], [sflag:$0x1] =	stream.indirect_vreg.gather [hbm4b:s7+s2], $0x80, v3, vm0, $0xb8;
	[tilespmem:$0x10100] =	vst v63  }
0x8c: {  	v3 =	vld [tilespmem:$0x50];
	_ =	sdelay $0x4  }
0x8d: {  	v53 =	vshll.u32 v3, $0x3  }
0x8e: {  	v3 =	vand.u32 $0x7, v3;
	v4 =	vand.u32 $0xFFFFFFC0, v53  }
0x8f: {  	v3 =	vor.u32 v3, v4  }
0x90: {  	v4 =	vperm.xlane v3, v0;
	_ =	sdelay $0x1  }
0x91: {  	v4 =	vadd.s32 v1, v4;
	_ =	sdelay $0x4  }
0x92: {  	[tilespmem:s1], [sflag:$0x1] =	stream.indirect_vreg.gather [hbm4b:s4+s2], $0x80, v4, vm0, $0xb8;
	[tilespmem:$0x10100] =	vst v63  }
0x93: {  	v3 =	vperm.xlane v3, v2  }
0x94: {  	[tilespmem:s16], [sflag:$0x1] =	stream.indirect_vreg.gather [hbm4b:s5+s2], $0x80, v4, vm0, $0xb8;
	[tilespmem:$0x10100] =	vst v63  }
0x95: {  	v3 =	vadd.s32 v1, v3  }
0x96: {  	[tilespmem:s3], [sflag:$0x1] =	stream.indirect_vreg.gather [hbm4b:s6+s2], $0x80, v4, vm0, $0xb8;
	[tilespmem:$0x10100] =	vst v63  }
0x97: {  	_ = 	snop  }
0x98: {  	[tilespmem:s9], [sflag:$0x1] =	stream.indirect_vreg.gather [hbm4b:s7+s2], $0x80, v4, vm0, $0xb8;
	[tilespmem:$0x10100] =	vst v63  }
0x99: {  	_ = 	snop  }
0x9a: {  	[tilespmem:s11], [sflag:$0x1] =	stream.indirect_vreg.gather [hbm4b:s4+s2], $0x80, v3, vm0, $0xb8;
	[tilespmem:$0x10100] =	vst v63  }
0x9b: {  	_ = 	snop  }
0x9c: {  	[tilespmem:s12], [sflag:$0x1] =	stream.indirect_vreg.gather [hbm4b:s5+s2], $0x80, v3, vm0, $0xb8;
	[tilespmem:$0x10100] =	vst v63  }
0x9d: {  	_ = 	snop  }
0x9e: {  	[tilespmem:s13], [sflag:$0x1] =	stream.indirect_vreg.gather [hbm4b:s6+s2], $0x80, v3, vm0, $0xb8;
	[tilespmem:$0x10100] =	vst v63  }
0x9f: {  	_ = 	snop  }
0xa0: {  	[tilespmem:s14], [sflag:$0x1] =	stream.indirect_vreg.gather [hbm4b:s7+s2], $0x80, v3, vm0, $0xb8;
	[tilespmem:$0x10100] =	vst v63  }
0xa1: {  	_ =	swait.ge [sflag:s20], $0x8000  }
0xa2: {  	[sflag:s20] =	ssyncset.done $0x0  }
0xa3: {  	s22 =	rddreg [dreg:$0x3];
	[sflag:s20] =	ssyncadd.s32 $0xFFFF8000  }
0xa4: {  	[hbm4b:s22+s2] =	stream.linear.scatter [tilespmem:s26], [sflag:$0x4], $0x8000, $0x38;
	[tilespmem:$0x10100] =	vst v63  }
0xa5: {  	_ =	swait.ge [sflag:s21], $0x8000  }
0xa6: {  	[sflag:s21] =	ssyncset.done $0x0  }
0xa7: {  	[sflag:s21] =	ssyncadd.s32 $0xFFFF8000  }
0xa8: {  	v3 =	vld [tilespmem:$0x60];
	_ =	sdelay $0x4  }
0xa9: {  	v54 =	vshll.u32 v3, $0x3  }
0xaa: {  	v3 =	vand.u32 $0x7, v3;
	v4 =	vand.u32 $0xFFFFFFC0, v54  }
0xab: {  	v3 =	vor.u32 v3, v4  }
0xac: {  	v4 =	vperm.xlane v3, v0;
	_ =	sdelay $0x1  }
0xad: {  	v4 =	vadd.s32 v1, v4;
	_ =	sdelay $0x4  }
0xae: {  	[tilespmem:s26], [sflag:$0x2] =	stream.indirect_vreg.gather [hbm4b:s4+s2], $0x80, v4, vm0, $0xb8;
	[tilespmem:$0x10100] =	vst v63  }
0xaf: {  	s0 =	simm.s32 $0x8900;
	v3 =	vperm.xlane v3, v2  }
0xb0: {  	[tilespmem:s0], [sflag:$0x2] =	stream.indirect_vreg.gather [hbm4b:s5+s2], $0x80, v4, vm0, $0xb8;
	[tilespmem:$0x10100] =	vst v63  }
0xb1: {  	v3 =	vadd.s32 v1, v3;
	s0 =	simm.s32 $0x9100  }
0xb2: {  	[tilespmem:s0], [sflag:$0x2] =	stream.indirect_vreg.gather [hbm4b:s6+s2], $0x80, v4, vm0, $0xb8;
	[tilespmem:$0x10100] =	vst v63  }
0xb3: {  	s22 =	simm.s32 $0x9900  }
0xb4: {  	[tilespmem:s22], [sflag:$0x2] =	stream.indirect_vreg.gather [hbm4b:s7+s2], $0x80, v4, vm0, $0xb8;
	[tilespmem:$0x10100] =	vst v63  }
0xb5: {  	s22 =	simm.s32 $0xA100  }
0xb6: {  	[tilespmem:s22], [sflag:$0x2] =	stream.indirect_vreg.gather [hbm4b:s4+s2], $0x80, v3, vm0, $0xb8;
	[tilespmem:$0x10100] =	vst v63  }
0xb7: {  	s22 =	simm.s32 $0xA900  }
0xb8: {  	[tilespmem:s22], [sflag:$0x2] =	stream.indirect_vreg.gather [hbm4b:s5+s2], $0x80, v3, vm0, $0xb8;
	[tilespmem:$0x10100] =	vst v63  }
0xb9: {  	s22 =	simm.s32 $0xB100  }
0xba: {  	[tilespmem:s22], [sflag:$0x2] =	stream.indirect_vreg.gather [hbm4b:s6+s2], $0x80, v3, vm0, $0xb8;
	[tilespmem:$0x10100] =	vst v63  }
0xbb: {  	s15 =	simm.s32 $0xB900  }
0xbc: {  	[tilespmem:s15], [sflag:$0x2] =	stream.indirect_vreg.gather [hbm4b:s7+s2], $0x80, v3, vm0, $0xb8;
	[tilespmem:$0x10100] =	vst v63  }
0xbd: {  	v3 =	vld [tilespmem:$0x70];
	_ =	sdelay $0x4  }
0xbe: {  	v55 =	vshll.u32 v3, $0x3  }
0xbf: {  	v3 =	vand.u32 $0x7, v3;
	v4 =	vand.u32 $0xFFFFFFC0, v55  }
0xc0: {  	v3 =	vor.u32 v3, v4  }
0xc1: {  	v4 =	vperm.xlane v3, v0;
	_ =	sdelay $0x1  }
0xc2: {  	v4 =	vadd.s32 v1, v4;
	_ =	sdelay $0x3  }
0xc3: {  	s17 =	simm.s32 $0xC100  }
0xc4: {  	[tilespmem:s17], [sflag:$0x2] =	stream.indirect_vreg.gather [hbm4b:s4+s2], $0x80, v4, vm0, $0xb8;
	[tilespmem:$0x10100] =	vst v63  }
0xc5: {  	s22 =	simm.s32 $0xC900;
	v3 =	vperm.xlane v3, v2  }
0xc6: {  	[tilespmem:s22], [sflag:$0x2] =	stream.indirect_vreg.gather [hbm4b:s5+s2], $0x80, v4, vm0, $0xb8;
	[tilespmem:$0x10100] =	vst v63  }
0xc7: {  	v3 =	vadd.s32 v1, v3;
	s17 =	simm.s32 $0xD100  }
0xc8: {  	[tilespmem:s17], [sflag:$0x2] =	stream.indirect_vreg.gather [hbm4b:s6+s2], $0x80, v4, vm0, $0xb8;
	[tilespmem:$0x10100] =	vst v63  }
0xc9: {  	s22 =	simm.s32 $0xD900  }
0xca: {  	[tilespmem:s22], [sflag:$0x2] =	stream.indirect_vreg.gather [hbm4b:s7+s2], $0x80, v4, vm0, $0xb8;
	[tilespmem:$0x10100] =	vst v63  }
0xcb: {  	s17 =	simm.s32 $0xE100  }
0xcc: {  	[tilespmem:s17], [sflag:$0x2] =	stream.indirect_vreg.gather [hbm4b:s4+s2], $0x80, v3, vm0, $0xb8;
	[tilespmem:$0x10100] =	vst v63  }
0xcd: {  	s22 =	simm.s32 $0xE900  }
0xce: {  	[tilespmem:s22], [sflag:$0x2] =	stream.indirect_vreg.gather [hbm4b:s5+s2], $0x80, v3, vm0, $0xb8;
	[tilespmem:$0x10100] =	vst v63  }
0xcf: {  	s17 =	simm.s32 $0xF100  }
0xd0: {  	[tilespmem:s17], [sflag:$0x2] =	stream.indirect_vreg.gather [hbm4b:s6+s2], $0x80, v3, vm0, $0xb8;
	[tilespmem:$0x10100] =	vst v63  }
0xd1: {  	s22 =	simm.s32 $0xF900  }
0xd2: {  	[tilespmem:s22], [sflag:$0x2] =	stream.indirect_vreg.gather [hbm4b:s7+s2], $0x80, v3, vm0, $0xb8;
	[tilespmem:$0x10100] =	vst v63  }
0xd3: {  	_ =	swait.ge [sflag:s18], $0x8000  }
0xd4: {  	[sflag:s18] =	ssyncset.done $0x0  }
0xd5: {  	s17 =	rddreg [dreg:$0x4];
	[sflag:s18] =	ssyncadd.s32 $0xFFFF8000  }
0xd6: {  	[hbm4b:s17+s2] =	stream.linear.scatter [tilespmem:s10], [sflag:$0x3], $0x8000, $0x38;
	[tilespmem:$0x10100] =	vst v63  }
0xd7: {  	_ =	swait.ge [sflag:s19], $0x8000  }
0xd8: {  	[sflag:s19] =	ssyncset.done $0x0  }
0xd9: {  	[sflag:s19] =	ssyncadd.s32 $0xFFFF8000  }
0xda: {  	v3 =	vld [tilespmem:$0x80];
	_ =	sdelay $0x4  }
0xdb: {  	v56 =	vshll.u32 v3, $0x3  }
0xdc: {  	v3 =	vand.u32 $0x7, v3;
	v4 =	vand.u32 $0xFFFFFFC0, v56  }
0xdd: {  	v3 =	vor.u32 v3, v4  }
0xde: {  	v4 =	vperm.xlane v3, v0;
	_ =	sdelay $0x1  }
0xdf: {  	v4 =	vadd.s32 v1, v4;
	_ =	sdelay $0x4  }
0xe0: {  	[tilespmem:s10], [sflag:$0x1] =	stream.indirect_vreg.gather [hbm4b:s4+s2], $0x80, v4, vm0, $0xb8;
	[tilespmem:$0x10100] =	vst v63  }
0xe1: {  	v3 =	vperm.xlane v3, v2  }
0xe2: {  	[tilespmem:s23], [sflag:$0x1] =	stream.indirect_vreg.gather [hbm4b:s5+s2], $0x80, v4, vm0, $0xb8;
	[tilespmem:$0x10100] =	vst v63  }
0xe3: {  	v3 =	vadd.s32 v1, v3  }
0xe4: {  	[tilespmem:s24], [sflag:$0x1] =	stream.indirect_vreg.gather [hbm4b:s6+s2], $0x80, v4, vm0, $0xb8;
	[tilespmem:$0x10100] =	vst v63  }
0xe5: {  	_ = 	snop  }
0xe6: {  	[tilespmem:s25], [sflag:$0x1] =	stream.indirect_vreg.gather [hbm4b:s7+s2], $0x80, v4, vm0, $0xb8;
	[tilespmem:$0x10100] =	vst v63  }
0xe7: {  	_ = 	snop  }
0xe8: {  	[tilespmem:s28], [sflag:$0x1] =	stream.indirect_vreg.gather [hbm4b:s4+s2], $0x80, v3, vm0, $0xb8;
	[tilespmem:$0x10100] =	vst v63  }
0xe9: {  	_ = 	snop  }
0xea: {  	[tilespmem:s29], [sflag:$0x1] =	stream.indirect_vreg.gather [hbm4b:s5+s2], $0x80, v3, vm0, $0xb8;
	[tilespmem:$0x10100] =	vst v63  }
0xeb: {  	_ = 	snop  }
0xec: {  	[tilespmem:s30], [sflag:$0x1] =	stream.indirect_vreg.gather [hbm4b:s6+s2], $0x80, v3, vm0, $0xb8;
	[tilespmem:$0x10100] =	vst v63  }
0xed: {  	_ = 	snop  }
0xee: {  	[tilespmem:s31], [sflag:$0x1] =	stream.indirect_vreg.gather [hbm4b:s7+s2], $0x80, v3, vm0, $0xb8;
	[tilespmem:$0x10100] =	vst v63  }
0xef: {  	v3 =	vld [tilespmem:$0x90];
	_ =	sdelay $0x4  }
0xf0: {  	v57 =	vshll.u32 v3, $0x3  }
0xf1: {  	v3 =	vand.u32 $0x7, v3;
	v4 =	vand.u32 $0xFFFFFFC0, v57  }
0xf2: {  	v3 =	vor.u32 v3, v4  }
0xf3: {  	v4 =	vperm.xlane v3, v0;
	_ =	sdelay $0x1  }
0xf4: {  	v4 =	vadd.s32 v1, v4;
	_ =	sdelay $0x4  }
0xf5: {  	[tilespmem:s1], [sflag:$0x1] =	stream.indirect_vreg.gather [hbm4b:s4+s2], $0x80, v4, vm0, $0xb8;
	[tilespmem:$0x10100] =	vst v63  }
0xf6: {  	v3 =	vperm.xlane v3, v2  }
0xf7: {  	[tilespmem:s16], [sflag:$0x1] =	stream.indirect_vreg.gather [hbm4b:s5+s2], $0x80, v4, vm0, $0xb8;
	[tilespmem:$0x10100] =	vst v63  }
0xf8: {  	v3 =	vadd.s32 v1, v3  }
0xf9: {  	[tilespmem:s3], [sflag:$0x1] =	stream.indirect_vreg.gather [hbm4b:s6+s2], $0x80, v4, vm0, $0xb8;
	[tilespmem:$0x10100] =	vst v63  }
0xfa: {  	_ = 	snop  }
0xfb: {  	[tilespmem:s9], [sflag:$0x1] =	stream.indirect_vreg.gather [hbm4b:s7+s2], $0x80, v4, vm0, $0xb8;
	[tilespmem:$0x10100] =	vst v63  }
0xfc: {  	_ = 	snop  }
0xfd: {  	[tilespmem:s11], [sflag:$0x1] =	stream.indirect_vreg.gather [hbm4b:s4+s2], $0x80, v3, vm0, $0xb8;
	[tilespmem:$0x10100] =	vst v63  }
0xfe: {  	_ = 	snop  }
0xff: {  	[tilespmem:s12], [sflag:$0x1] =	stream.indirect_vreg.gather [hbm4b:s5+s2], $0x80, v3, vm0, $0xb8;
	[tilespmem:$0x10100] =	vst v63  }
0x100: {  	_ = 	snop  }
0x101: {  	[tilespmem:s13], [sflag:$0x1] =	stream.indirect_vreg.gather [hbm4b:s6+s2], $0x80, v3, vm0, $0xb8;
	[tilespmem:$0x10100] =	vst v63  }
0x102: {  	_ = 	snop  }
0x103: {  	[tilespmem:s14], [sflag:$0x1] =	stream.indirect_vreg.gather [hbm4b:s7+s2], $0x80, v3, vm0, $0xb8;
	[tilespmem:$0x10100] =	vst v63  }
0x104: {  	_ =	swait.ge [sflag:s20], $0x8000  }
0x105: {  	[sflag:s20] =	ssyncset.done $0x0  }
0x106: {  	s15 =	rddreg [dreg:$0x5];
	[sflag:s20] =	ssyncadd.s32 $0xFFFF8000  }
0x107: {  	[hbm4b:s15+s2] =	stream.linear.scatter [tilespmem:s26], [sflag:$0x4], $0x8000, $0x38;
	[tilespmem:$0x10100] =	vst v63  }
0x108: {  	_ =	swait.ge [sflag:s21], $0x8000  }
0x109: {  	[sflag:s21] =	ssyncset.done $0x0  }
0x10a: {  	[sflag:s21] =	ssyncadd.s32 $0xFFFF8000  }
0x10b: {  	v3 =	vld [tilespmem:$0xA0];
	_ =	sdelay $0x4  }
0x10c: {  	v58 =	vshll.u32 v3, $0x3  }
0x10d: {  	v3 =	vand.u32 $0x7, v3;
	v4 =	vand.u32 $0xFFFFFFC0, v58  }
0x10e: {  	v3 =	vor.u32 v3, v4  }
0x10f: {  	v4 =	vperm.xlane v3, v0;
	_ =	sdelay $0x1  }
0x110: {  	v4 =	vadd.s32 v1, v4;
	_ =	sdelay $0x4  }
0x111: {  	[tilespmem:s26], [sflag:$0x2] =	stream.indirect_vreg.gather [hbm4b:s4+s2], $0x80, v4, vm0, $0xb8;
	[tilespmem:$0x10100] =	vst v63  }
0x112: {  	s17 =	simm.s32 $0x8900;
	v3 =	vperm.xlane v3, v2  }
0x113: {  	[tilespmem:s17], [sflag:$0x2] =	stream.indirect_vreg.gather [hbm4b:s5+s2], $0x80, v4, vm0, $0xb8;
	[tilespmem:$0x10100] =	vst v63  }
0x114: {  	v3 =	vadd.s32 v1, v3  }
0x115: {  	[tilespmem:s0], [sflag:$0x2] =	stream.indirect_vreg.gather [hbm4b:s6+s2], $0x80, v4, vm0, $0xb8;
	[tilespmem:$0x10100] =	vst v63  }
0x116: {  	s22 =	simm.s32 $0x9900  }
0x117: {  	[tilespmem:s22], [sflag:$0x2] =	stream.indirect_vreg.gather [hbm4b:s7+s2], $0x80, v4, vm0, $0xb8;
	[tilespmem:$0x10100] =	vst v63  }
0x118: {  	s17 =	simm.s32 $0xA100  }
0x119: {  	[tilespmem:s17], [sflag:$0x2] =	stream.indirect_vreg.gather [hbm4b:s4+s2], $0x80, v3, vm0, $0xb8;
	[tilespmem:$0x10100] =	vst v63  }
0x11a: {  	s22 =	simm.s32 $0xA900  }
0x11b: {  	[tilespmem:s22], [sflag:$0x2] =	stream.indirect_vreg.gather [hbm4b:s5+s2], $0x80, v3, vm0, $0xb8;
	[tilespmem:$0x10100] =	vst v63  }
0x11c: {  	s22 =	simm.s32 $0xB100  }
0x11d: {  	[tilespmem:s22], [sflag:$0x2] =	stream.indirect_vreg.gather [hbm4b:s6+s2], $0x80, v3, vm0, $0xb8;
	[tilespmem:$0x10100] =	vst v63  }
0x11e: {  	s22 =	simm.s32 $0xB900  }
0x11f: {  	[tilespmem:s22], [sflag:$0x2] =	stream.indirect_vreg.gather [hbm4b:s7+s2], $0x80, v3, vm0, $0xb8;
	[tilespmem:$0x10100] =	vst v63  }
0x120: {  	v3 =	vld [tilespmem:$0xB0];
	_ =	sdelay $0x4  }
0x121: {  	v59 =	vshll.u32 v3, $0x3  }
0x122: {  	v3 =	vand.u32 $0x7, v3;
	v4 =	vand.u32 $0xFFFFFFC0, v59  }
0x123: {  	v3 =	vor.u32 v3, v4  }
0x124: {  	v4 =	vperm.xlane v3, v0;
	_ =	sdelay $0x1  }
0x125: {  	v4 =	vadd.s32 v1, v4;
	_ =	sdelay $0x3  }
0x126: {  	s22 =	simm.s32 $0xC100  }
0x127: {  	[tilespmem:s22], [sflag:$0x2] =	stream.indirect_vreg.gather [hbm4b:s4+s2], $0x80, v4, vm0, $0xb8;
	[tilespmem:$0x10100] =	vst v63  }
0x128: {  	v3 =	vperm.xlane v3, v2;
	s22 =	simm.s32 $0xC900  }
0x129: {  	[tilespmem:s22], [sflag:$0x2] =	stream.indirect_vreg.gather [hbm4b:s5+s2], $0x80, v4, vm0, $0xb8;
	[tilespmem:$0x10100] =	vst v63  }
0x12a: {  	v3 =	vadd.s32 v1, v3;
	s22 =	simm.s32 $0xD100  }
0x12b: {  	[tilespmem:s22], [sflag:$0x2] =	stream.indirect_vreg.gather [hbm4b:s6+s2], $0x80, v4, vm0, $0xb8;
	[tilespmem:$0x10100] =	vst v63  }
0x12c: {  	s22 =	simm.s32 $0xD900  }
0x12d: {  	[tilespmem:s22], [sflag:$0x2] =	stream.indirect_vreg.gather [hbm4b:s7+s2], $0x80, v4, vm0, $0xb8;
	[tilespmem:$0x10100] =	vst v63  }
0x12e: {  	s22 =	simm.s32 $0xE100  }
0x12f: {  	[tilespmem:s22], [sflag:$0x2] =	stream.indirect_vreg.gather [hbm4b:s4+s2], $0x80, v3, vm0, $0xb8;
	[tilespmem:$0x10100] =	vst v63  }
0x130: {  	s22 =	simm.s32 $0xE900  }
0x131: {  	[tilespmem:s22], [sflag:$0x2] =	stream.indirect_vreg.gather [hbm4b:s5+s2], $0x80, v3, vm0, $0xb8;
	[tilespmem:$0x10100] =	vst v63  }
0x132: {  	s22 =	simm.s32 $0xF100  }
0x133: {  	[tilespmem:s22], [sflag:$0x2] =	stream.indirect_vreg.gather [hbm4b:s6+s2], $0x80, v3, vm0, $0xb8;
	[tilespmem:$0x10100] =	vst v63  }
0x134: {  	s22 =	simm.s32 $0xF900  }
0x135: {  	[tilespmem:s22], [sflag:$0x2] =	stream.indirect_vreg.gather [hbm4b:s7+s2], $0x80, v3, vm0, $0xb8;
	[tilespmem:$0x10100] =	vst v63  }
0x136: {  	_ =	swait.ge [sflag:s18], $0x8000  }
0x137: {  	[sflag:s18] =	ssyncset.done $0x0  }
0x138: {  	s22 =	rddreg [dreg:$0x6];
	[sflag:s18] =	ssyncadd.s32 $0xFFFF8000  }
0x139: {  	[hbm4b:s22+s2] =	stream.linear.scatter [tilespmem:s10], [sflag:$0x3], $0x8000, $0x38;
	[tilespmem:$0x10100] =	vst v63  }
0x13a: {  	_ =	swait.ge [sflag:s19], $0x8000  }
0x13b: {  	[sflag:s19] =	ssyncset.done $0x0  }
0x13c: {  	[sflag:s19] =	ssyncadd.s32 $0xFFFF8000  }
0x13d: {  	v3 =	vld [tilespmem:$0xC0];
	_ =	sdelay $0x4  }
0x13e: {  	v60 =	vshll.u32 v3, $0x3  }
0x13f: {  	v3 =	vand.u32 $0x7, v3;
	v4 =	vand.u32 $0xFFFFFFC0, v60  }
0x140: {  	v3 =	vor.u32 v3, v4  }
0x141: {  	v4 =	vperm.xlane v3, v0;
	_ =	sdelay $0x1  }
0x142: {  	v4 =	vadd.s32 v1, v4;
	_ =	sdelay $0x4  }
0x143: {  	[tilespmem:s10], [sflag:$0x1] =	stream.indirect_vreg.gather [hbm4b:s4+s2], $0x80, v4, vm0, $0xb8;
	[tilespmem:$0x10100] =	vst v63  }
0x144: {  	v3 =	vperm.xlane v3, v2  }
0x145: {  	[tilespmem:s23], [sflag:$0x1] =	stream.indirect_vreg.gather [hbm4b:s5+s2], $0x80, v4, vm0, $0xb8;
	[tilespmem:$0x10100] =	vst v63  }
0x146: {  	v3 =	vadd.s32 v1, v3  }
0x147: {  	[tilespmem:s24], [sflag:$0x1] =	stream.indirect_vreg.gather [hbm4b:s6+s2], $0x80, v4, vm0, $0xb8;
	[tilespmem:$0x10100] =	vst v63  }
0x148: {  	_ = 	snop  }
0x149: {  	[tilespmem:s25], [sflag:$0x1] =	stream.indirect_vreg.gather [hbm4b:s7+s2], $0x80, v4, vm0, $0xb8;
	[tilespmem:$0x10100] =	vst v63  }
0x14a: {  	_ = 	snop  }
0x14b: {  	[tilespmem:s28], [sflag:$0x1] =	stream.indirect_vreg.gather [hbm4b:s4+s2], $0x80, v3, vm0, $0xb8;
	[tilespmem:$0x10100] =	vst v63  }
0x14c: {  	_ = 	snop  }
0x14d: {  	[tilespmem:s29], [sflag:$0x1] =	stream.indirect_vreg.gather [hbm4b:s5+s2], $0x80, v3, vm0, $0xb8;
	[tilespmem:$0x10100] =	vst v63  }
0x14e: {  	_ = 	snop  }
0x14f: {  	[tilespmem:s30], [sflag:$0x1] =	stream.indirect_vreg.gather [hbm4b:s6+s2], $0x80, v3, vm0, $0xb8;
	[tilespmem:$0x10100] =	vst v63  }
0x150: {  	_ = 	snop  }
0x151: {  	[tilespmem:s31], [sflag:$0x1] =	stream.indirect_vreg.gather [hbm4b:s7+s2], $0x80, v3, vm0, $0xb8;
	[tilespmem:$0x10100] =	vst v63  }
0x152: {  	v3 =	vld [tilespmem:$0xD0];
	_ =	sdelay $0x4  }
0x153: {  	v61 =	vshll.u32 v3, $0x3  }
0x154: {  	v3 =	vand.u32 $0x7, v3;
	v4 =	vand.u32 $0xFFFFFFC0, v61  }
0x155: {  	v3 =	vor.u32 v3, v4  }
0x156: {  	v4 =	vperm.xlane v3, v0;
	_ =	sdelay $0x1  }
0x157: {  	v4 =	vadd.s32 v1, v4;
	_ =	sdelay $0x4  }
0x158: {  	[tilespmem:s1], [sflag:$0x1] =	stream.indirect_vreg.gather [hbm4b:s4+s2], $0x80, v4, vm0, $0xb8;
	[tilespmem:$0x10100] =	vst v63  }
0x159: {  	v3 =	vperm.xlane v3, v2  }
0x15a: {  	[tilespmem:s16], [sflag:$0x1] =	stream.indirect_vreg.gather [hbm4b:s5+s2], $0x80, v4, vm0, $0xb8;
	[tilespmem:$0x10100] =	vst v63  }
0x15b: {  	v3 =	vadd.s32 v1, v3  }
0x15c: {  	[tilespmem:s3], [sflag:$0x1] =	stream.indirect_vreg.gather [hbm4b:s6+s2], $0x80, v4, vm0, $0xb8;
	[tilespmem:$0x10100] =	vst v63  }
0x15d: {  	_ = 	snop  }
0x15e: {  	[tilespmem:s9], [sflag:$0x1] =	stream.indirect_vreg.gather [hbm4b:s7+s2], $0x80, v4, vm0, $0xb8;
	[tilespmem:$0x10100] =	vst v63  }
0x15f: {  	_ = 	snop  }
0x160: {  	[tilespmem:s11], [sflag:$0x1] =	stream.indirect_vreg.gather [hbm4b:s4+s2], $0x80, v3, vm0, $0xb8;
	[tilespmem:$0x10100] =	vst v63  }
0x161: {  	_ = 	snop  }
0x162: {  	[tilespmem:s12], [sflag:$0x1] =	stream.indirect_vreg.gather [hbm4b:s5+s2], $0x80, v3, vm0, $0xb8;
	[tilespmem:$0x10100] =	vst v63  }
0x163: {  	_ = 	snop  }
0x164: {  	[tilespmem:s13], [sflag:$0x1] =	stream.indirect_vreg.gather [hbm4b:s6+s2], $0x80, v3, vm0, $0xb8;
	[tilespmem:$0x10100] =	vst v63  }
0x165: {  	_ = 	snop  }
0x166: {  	[tilespmem:s14], [sflag:$0x1] =	stream.indirect_vreg.gather [hbm4b:s7+s2], $0x80, v3, vm0, $0xb8;
	[tilespmem:$0x10100] =	vst v63  }
0x167: {  	_ =	swait.ge [sflag:s20], $0x8000  }
0x168: {  	[sflag:s20] =	ssyncset.done $0x0  }
0x169: {  	s1 =	rddreg [dreg:$0x7];
	[sflag:s20] =	ssyncadd.s32 $0xFFFF8000  }
0x16a: {  	[hbm4b:s1+s2] =	stream.linear.scatter [tilespmem:s26], [sflag:$0x4], $0x8000, $0x38;
	[tilespmem:$0x10100] =	vst v63  }
0x16b: {  	_ =	swait.ge [sflag:s21], $0x8000  }
0x16c: {  	[sflag:s21] =	ssyncset.done $0x0  }
0x16d: {  	[sflag:s21] =	ssyncadd.s32 $0xFFFF8000  }
0x16e: {  	v3 =	vld [tilespmem:$0xE0];
	_ =	sdelay $0x4  }
0x16f: {  	v62 =	vshll.u32 v3, $0x3  }
0x170: {  	v3 =	vand.u32 $0x7, v3;
	v4 =	vand.u32 $0xFFFFFFC0, v62  }
0x171: {  	v3 =	vor.u32 v3, v4  }
0x172: {  	v4 =	vperm.xlane v3, v0;
	_ =	sdelay $0x1  }
0x173: {  	v4 =	vadd.s32 v1, v4;
	_ =	sdelay $0x4  }
0x174: {  	[tilespmem:s26], [sflag:$0x2] =	stream.indirect_vreg.gather [hbm4b:s4+s2], $0x80, v4, vm0, $0xb8;
	[tilespmem:$0x10100] =	vst v63  }
0x175: {  	s22 =	simm.s32 $0x8900;
	v3 =	vperm.xlane v3, v2  }
0x176: {  	[tilespmem:s22], [sflag:$0x2] =	stream.indirect_vreg.gather [hbm4b:s5+s2], $0x80, v4, vm0, $0xb8;
	[tilespmem:$0x10100] =	vst v63  }
0x177: {  	s0 =	simm.s32 $0x9100;
	v3 =	vadd.s32 v1, v3  }
0x178: {  	[tilespmem:s0], [sflag:$0x2] =	stream.indirect_vreg.gather [hbm4b:s6+s2], $0x80, v4, vm0, $0xb8;
	[tilespmem:$0x10100] =	vst v63  }
0x179: {  	s1 =	simm.s32 $0x9900  }
0x17a: {  	[tilespmem:s1], [sflag:$0x2] =	stream.indirect_vreg.gather [hbm4b:s7+s2], $0x80, v4, vm0, $0xb8;
	[tilespmem:$0x10100] =	vst v63  }
0x17b: {  	s15 =	simm.s32 $0xA100  }
0x17c: {  	[tilespmem:s15], [sflag:$0x2] =	stream.indirect_vreg.gather [hbm4b:s4+s2], $0x80, v3, vm0, $0xb8;
	[tilespmem:$0x10100] =	vst v63  }
0x17d: {  	s17 =	simm.s32 $0xA900  }
0x17e: {  	[tilespmem:s17], [sflag:$0x2] =	stream.indirect_vreg.gather [hbm4b:s5+s2], $0x80, v3, vm0, $0xb8;
	[tilespmem:$0x10100] =	vst v63  }
0x17f: {  	s22 =	simm.s32 $0xB100  }
0x180: {  	[tilespmem:s22], [sflag:$0x2] =	stream.indirect_vreg.gather [hbm4b:s6+s2], $0x80, v3, vm0, $0xb8;
	[tilespmem:$0x10100] =	vst v63  }
0x181: {  	s1 =	simm.s32 $0xB900  }
0x182: {  	[tilespmem:s1], [sflag:$0x2] =	stream.indirect_vreg.gather [hbm4b:s7+s2], $0x80, v3, vm0, $0xb8;
	[tilespmem:$0x10100] =	vst v63  }
0x183: {  	v3 =	vld [tilespmem:$0xF0];
	_ =	sdelay $0x4  }
0x184: {  	v63 =	vshll.u32 v3, $0x3  }
0x185: {  	v3 =	vand.u32 $0x7, v3;
	v4 =	vand.u32 $0xFFFFFFC0, v63  }
0x186: {  	v3 =	vor.u32 v3, v4  }
0x187: {  	v4 =	vperm.xlane v3, v0;
	_ =	sdelay $0x1  }
0x188: {  	v4 =	vadd.s32 v1, v4;
	_ =	sdelay $0x3  }
0x189: {  	s15 =	simm.s32 $0xC100  }
0x18a: {  	[tilespmem:s15], [sflag:$0x2] =	stream.indirect_vreg.gather [hbm4b:s4+s2], $0x80, v4, vm0, $0xb8;
	[tilespmem:$0x10100] =	vst v63  }
0x18b: {  	s17 =	simm.s32 $0xC900;
	v3 =	vperm.xlane v3, v2  }
0x18c: {  	[tilespmem:s17], [sflag:$0x2] =	stream.indirect_vreg.gather [hbm4b:s5+s2], $0x80, v4, vm0, $0xb8;
	[tilespmem:$0x10100] =	vst v63  }
0x18d: {  	s22 =	simm.s32 $0xD100;
	v3 =	vadd.s32 v1, v3  }
0x18e: {  	[tilespmem:s22], [sflag:$0x2] =	stream.indirect_vreg.gather [hbm4b:s6+s2], $0x80, v4, vm0, $0xb8;
	[tilespmem:$0x10100] =	vst v63  }
0x18f: {  	s1 =	simm.s32 $0xD900  }
0x190: {  	[tilespmem:s1], [sflag:$0x2] =	stream.indirect_vreg.gather [hbm4b:s7+s2], $0x80, v4, vm0, $0xb8;
	[tilespmem:$0x10100] =	vst v63  }
0x191: {  	s15 =	simm.s32 $0xE100  }
0x192: {  	[tilespmem:s15], [sflag:$0x2] =	stream.indirect_vreg.gather [hbm4b:s4+s2], $0x80, v3, vm0, $0xb8;
	[tilespmem:$0x10100] =	vst v63  }
0x193: {  	s17 =	simm.s32 $0xE900  }
0x194: {  	[tilespmem:s17], [sflag:$0x2] =	stream.indirect_vreg.gather [hbm4b:s5+s2], $0x80, v3, vm0, $0xb8;
	[tilespmem:$0x10100] =	vst v63  }
0x195: {  	s22 =	simm.s32 $0xF100  }
0x196: {  	[tilespmem:s22], [sflag:$0x2] =	stream.indirect_vreg.gather [hbm4b:s6+s2], $0x80, v3, vm0, $0xb8;
	[tilespmem:$0x10100] =	vst v63  }
0x197: {  	s1 =	simm.s32 $0xF900  }
0x198: {  	[tilespmem:s1], [sflag:$0x2] =	stream.indirect_vreg.gather [hbm4b:s7+s2], $0x80, v3, vm0, $0xb8;
	[tilespmem:$0x10100] =	vst v63  }
0x199: {  	_ =	swait.ge [sflag:s18], $0x8000  }
0x19a: {  	[sflag:s18] =	ssyncset.done $0x0  }
0x19b: {  	s15 =	rddreg [dreg:$0x8];
	[sflag:s18] =	ssyncadd.s32 $0xFFFF8000  }
0x19c: {  	[hbm4b:s15+s2] =	stream.linear.scatter [tilespmem:s10], [sflag:$0x3], $0x8000, $0x38;
	[tilespmem:$0x10100] =	vst v63  }
0x19d: {  	_ =	swait.ge [sflag:s20], $0x8000  }
0x19e: {  	[sflag:s20] =	ssyncset.done $0x0  }
0x19f: {  	s17 =	rddreg [dreg:$0x9];
	[sflag:s20] =	ssyncadd.s32 $0xFFFF8000  }
0x1a0: {  	[hbm4b:s17+s2] =	stream.linear.scatter [tilespmem:s26], [sflag:$0x4], $0x8000, $0x38;
	[tilespmem:$0x10100] =	vst v63  }
0x1a1: {  	p0 =	sne.s32 s8, $0x1;
	_ =	swait.ge [sflag:s19], $0x8000  }
.Ltmp0:
0x1a2: {  	[sflag:s19] =	ssyncset.done $0x0;
	(pc) =	sbr.rel @p0 .LBB2_1-.Ltmp0, $4  }
0x1a3: {  	[sflag:s19] =	ssyncadd.s32 $0xFFFF8000  }
0x1a4: {  	_ =	swait.ge [sflag:s21], $0x8000  }
0x1a5: {  	[sflag:s21] =	ssyncset.done $0x0  }
0x1a6: {  	s8 =	sadd.s32 $0xFFFFFFFF, s8;
	[sflag:s21] =	ssyncadd.s32 $0xFFFF8000  }
0x1a7: {  	_ =	sfence.sel $0x180000  }
0x1a8: {  	[bflag:$0x0] =	sbarrier.arrive $0xFFFF  }
0x1a9: {  	_ =	strace $0x90000050  }
0x1aa: {  	s0 =	stileid.u32;
	[bflag:$0x2] =	sbarrier.arrive $0xFFFF  }
0x1ab: {  	p0 =	sne.s32 s0, $0x0;
	s0 =	rddreg [dreg:$0x1]  }
0x1ac: {  	s0 =	sadd.s32 @!p0 $0x100000, s0  }
0x1ad: {  	[sflag:s0] =	ssyncadd.tile.s32 @!p0 $0x1;
	_ =	shalt  }
.Lfunc_end2:
_tile_overlayer_lowered:
.L_overlay_start_2:
0x1ae: {  	(tag) =	ssettag $0x2  }
0x1af: {  	s0 =	rddreg [dreg:$0x0];
	s2 =	stileid.u32  }
0x1b0: {  	s1 =	rddreg [dreg:$0x1];
	p0 =	sne.s32 s2, $0x0  }
0x1b1: {  	s3 =	rddreg [dreg:$0x2];
	[bflag:$0x3] =	sbarrier.arrive $0xFFFF;
	s2 =	simm.s32 @!p0 $0x1C05  }
0x1b2: {  	[timem:s3], [sflag:s2] =	dma.local @!p0 [hbm:s0], s1  }
0x1b3: {  	s0 =	simm.s32 @!p0 $0x5  }
0x1b4: {  	_ =	swait.ge @!p0 [sflag:s0], s1  }
0x1b5: {  	s1 =	ssub.s32 @!p0 $0x0, s1;
	[sflag:s0] =	ssyncset.done @!p0 $0x0  }
0x1b6: {  	[sflag:s0] =	ssyncadd.s32 @!p0 s1  }
0x1b7: {  	[bflag:$0x3] =	sbarrier.arrive $0xFFFF  }
0x1b8: {  	_ =	shalt  }

</sc_bundles>
